<compile_context>
chip_gen: v7x
topology: tpu7x:2x2x1
jax: 0.10.2.dev20260603
libtpu: 0.0.44.dev20260713+nightly
codegen_flags: <defaults>
</compile_context>

<pallas_src>
import jax
import jax.numpy as jnp
from jax import lax
from jax.experimental import pallas as pl
from jax.experimental.pallas import tpu as pltpu
from jax.experimental.pallas import tpu_sc as plsc

B, S, D = 16, 128, 256
M_VALID = 2
KT = 8
T_IMG, KEPT_IMG = 196, 50
T_NLP, KEPT_NLP = 256, 65

ROWS_T = B * S * 3
ROWS_IMG = B * KEPT_IMG
ROWS_NLP = B * KEPT_NLP
BASE_IMG = ROWS_T
BASE_NLP = ROWS_T + ROWS_IMG
MASK_ROW = ROWS_T + ROWS_IMG + ROWS_NLP
NREP = 512

NW = 32
PAIRS_PER_W = (B * S) // NW
TROWS_PER_W = PAIRS_PER_W * (KT + 1)
T_CHUNK = 96



def _iota16():
    return lax.iota(jnp.int32, 16)


def _compute_temporal_gidx(wid, tix, gidxt):
    r0 = wid * PAIRS_PER_W

    def body(c, carry):
        q = c * 16 + _iota16()
        j = lax.shift_right_logical(q * 7282, 16)
        k = q - j * (KT + 1)
        pos = jnp.maximum(j * KT + k - 1, 0)
        raw = plsc.load_gather(tix, [pos])
        gr3 = (r0 + j) * 3
        mrow = MASK_ROW + ((r0 * (KT + 1) + q) & (NREP - 1))
        src = jnp.where(k == 0, gr3,
                        jnp.where(raw < M_VALID, gr3 + 1 + raw, mrow))
        gidxt[pl.ds(c * 16, 16)] = src
        return carry

    lax.fori_loop(0, TROWS_PER_W // 16, body, 0)


def _compute_static_gidx(b, t_len, kept, base, six, mskv, gidxs, didxs,
                         n_chunks):
    ibase = b * t_len
    mbase = b * kept

    def body(c, carry):
        p = c * 16 + _iota16()
        pos = ibase + jnp.clip(p - 1, 0, t_len - 1)
        raw = plsc.load_gather(six, [pos])
        srow = jnp.where(p == 0, 0, 1 + raw)
        mg = jnp.minimum(srow, kept - 1)
        mval = plsc.load_gather(mskv, [mbase + mg])
        valid = (srow <= kept - 1) & (mval == 1)
        mrow = MASK_ROW + ((b * 271 + p * 3) & (NREP - 1))
        src = jnp.where(valid, base + b * kept + srow, mrow)
        gidxs[pl.ds(c * 16, 16)] = src
        didxs[pl.ds(c * 16, 16)] = b * (t_len + 1) + jnp.minimum(p, t_len)
        return carry

    lax.fori_loop(0, n_chunks, body, 0)


def _gather_rows(table, gidx, rows, sem, sem2, out, out_base, chunks,
                 didx=None):
    nc = len(chunks)

    def start_g(i, buf):
        off, n = chunks[i]
        return pltpu.async_copy(
            table.at[gidx.at[pl.ds(off, n)]], rows.at[buf].at[pl.ds(0, n)],
            sem)

    def start_s(i, buf):
        off, n = chunks[i]
        if didx is None:
            dst = out.at[pl.ds(out_base + off, n)]
        else:
            dst = out.at[didx.at[pl.ds(off, n)]]
        return pltpu.async_copy(rows.at[buf].at[pl.ds(0, n)], dst, sem2)

    gd = [None] * nc
    sd = [None] * nc
    gd[0] = start_g(0, 0)
    for i in range(nc):
        gd[i].wait()
        if i + 1 < nc:
            if i >= 1:
                sd[i - 1].wait()
            gd[i + 1] = start_g(i + 1, (i + 1) % 2)
        sd[i] = start_s(i, i % 2)
    if nc >= 2:
        sd[nc - 2].wait()
    sd[nc - 1].wait()


def _sc_body(table, t_idx, img_idx, nlp_idx, img_mask, nlp_mask,
             t_out, img_out, nlp_out, tix, gidxt, six, mskv, gidxs, didxs,
             rows, sem, sem2):
    wid = lax.axis_index("s") * 2 + lax.axis_index("c")

    pltpu.sync_copy(t_idx.at[pl.ds(wid * PAIRS_PER_W * KT, PAIRS_PER_W * KT)],
                    tix)
    _compute_temporal_gidx(wid, tix, gidxt)
    t_chunks = [(h * T_CHUNK, T_CHUNK)
                for h in range(TROWS_PER_W // T_CHUNK)]
    _gather_rows(table, gidxt, rows, sem, sem2, t_out, wid * TROWS_PER_W,
                 t_chunks)

    b = wid // 2
    m = wid - 2 * b

    @pl.when(m == 0)
    def _img():
        pltpu.sync_copy(img_idx, six.at[pl.ds(0, B * T_IMG)])
        pltpu.sync_copy(img_mask, mskv.at[pl.ds(0, B * KEPT_IMG)])
        _compute_static_gidx(b, T_IMG, KEPT_IMG, BASE_IMG, six, mskv, gidxs,
                             didxs, (T_IMG + 1 + 15) // 16)
        _gather_rows(table, gidxs, rows, sem, sem2, img_out, 0,
                     [(0, 112), (112, 88)], didx=didxs)

    @pl.when(m == 1)
    def _nlp():
        pltpu.sync_copy(nlp_idx, six)
        pltpu.sync_copy(nlp_mask, mskv)
        _compute_static_gidx(b, T_NLP, KEPT_NLP, BASE_NLP, six, mskv, gidxs,
                             didxs, (T_NLP + 1 + 15) // 16)
        _gather_rows(table, gidxs, rows, sem, sem2, nlp_out, 0,
                     [(0, 112), (112, 112), (224, 40)], didx=didxs)


@jax.jit
def _revert_sc(table, t_idx, img_idx, nlp_idx, img_mask, nlp_mask):
    mesh = plsc.VectorSubcoreMesh(core_axis_name="c", subcore_axis_name="s")
    f = pl.kernel(
        _sc_body,
        out_type=[
            jax.ShapeDtypeStruct((B * S * (KT + 1), D), jnp.float32),
            jax.ShapeDtypeStruct((B * (T_IMG + 1), D), jnp.float32),
            jax.ShapeDtypeStruct((B * (T_NLP + 1), D), jnp.float32),
        ],
        mesh=mesh,
        compiler_params=pltpu.CompilerParams(needs_layout_passes=False),
        scratch_types=[
            pltpu.VMEM((PAIRS_PER_W * KT,), jnp.int32),
            pltpu.VMEM((TROWS_PER_W,), jnp.int32),
            pltpu.VMEM((B * T_NLP,), jnp.int32),
            pltpu.VMEM((B * KEPT_NLP,), jnp.int32),
            pltpu.VMEM((272,), jnp.int32),
            pltpu.VMEM((272,), jnp.int32),
            pltpu.VMEM((2, 112, D), jnp.float32),
            pltpu.SemaphoreType.DMA,
            pltpu.SemaphoreType.DMA,
        ],
    )
    return f(table, t_idx, img_idx, nlp_idx, img_mask, nlp_mask)


def kernel(temporal, img, nlp, temporal_revert_idx, img_revert_idx,
           nlp_revert_idx, img_remain_padding_mask, nlp_remain_padding_mask,
           mask_token):
    table = jnp.concatenate(
        [temporal.reshape(ROWS_T, D), img.reshape(ROWS_IMG, D),
         nlp.reshape(ROWS_NLP, D),
         jnp.broadcast_to(mask_token, (NREP, D))], axis=0)
    t_idx = temporal_revert_idx.reshape(B * S * KT)
    img_idx = img_revert_idx.reshape(B * T_IMG)
    nlp_idx = nlp_revert_idx.reshape(B * T_NLP)
    img_mask = img_remain_padding_mask.reshape(B * KEPT_IMG)
    nlp_mask = nlp_remain_padding_mask.reshape(B * KEPT_NLP)
    t_out, i_out, n_out = _revert_sc(table, t_idx, img_idx, nlp_idx,
                                     img_mask, nlp_mask)
    return (t_out.reshape(B, S, KT + 1, D),
            i_out.reshape(B, T_IMG + 1, D),
            n_out.reshape(B, T_NLP + 1, D))

# --- scband reference (transcript-rebuilt; emitter-appended) ---
"""Pipeline reference for scband-revert-4715874091614 (READ-ONLY COPY).

The authoritative reference and input builder live on the scoring server;
editing this copy changes nothing except your own understanding.
"""

import jax, jax.numpy as jnp
import numpy as np


def setup_inputs(seed: int = 0) -> dict:
    key = jax.random.key(seed)
    ks = jax.random.split(key, 9)
    B, S, d = 16, 128, 256
    temporal = jax.random.normal(ks[0], (B, S, 3, d), dtype=jnp.float32)
    img = jax.random.normal(ks[1], (B, 50, d), dtype=jnp.float32)
    nlp = jax.random.normal(ks[2], (B, 65, d), dtype=jnp.float32)
    temporal_revert_idx = jax.random.randint(ks[3], (B, S, 8), 0, 8, dtype=jnp.int32)
    img_revert_idx = jax.random.randint(ks[4], (B, 196), 0, 196, dtype=jnp.int32)
    nlp_revert_idx = jax.random.randint(ks[5], (B, 256), 0, 256, dtype=jnp.int32)
    img_remain_padding_mask = jax.random.randint(ks[6], (B, 50), 0, 2, dtype=jnp.int32)
    nlp_remain_padding_mask = jax.random.randint(ks[7], (B, 65), 0, 2, dtype=jnp.int32)
    mask_token = jax.random.normal(ks[8], (1, d), dtype=jnp.float32)
    return {
        'temporal': temporal,
        'img': img,
        'nlp': nlp,
        'temporal_revert_idx': temporal_revert_idx,
        'img_revert_idx': img_revert_idx,
        'nlp_revert_idx': nlp_revert_idx,
        'img_remain_padding_mask': img_remain_padding_mask,
        'nlp_remain_padding_mask': nlp_remain_padding_mask,
        'mask_token': mask_token,
    }


def _temporal_revert(temporal, revert_idx, mask_token):
    global_block = temporal[:, :, :1, :]
    valid_block = temporal[:, :, 1:, :]
    B, S, M, d = valid_block.shape
    K = revert_idx.shape[-1]
    fill = jnp.broadcast_to(mask_token[None, None, :, :].reshape(1, 1, 1, d), (B, S, K - M, d))
    filled = jnp.concatenate([valid_block, fill], axis=-2)
    rev = jnp.take_along_axis(filled, revert_idx[..., None].astype(jnp.int32), axis=-2)
    return jnp.concatenate([global_block, rev], axis=-2)


def _static_revert(data, revert_idx, remain_padding_mask, mask_token):
    data = jnp.where((remain_padding_mask == 1)[..., None], data, mask_token)
    global_token = data[:, :1, :]
    valid_token = data[:, 1:, :]
    B, kept, d = valid_token.shape
    total = revert_idx.shape[-1]
    fill = jnp.broadcast_to(mask_token.reshape(1, 1, d), (B, total - kept, d))
    valid_token = jnp.concatenate([valid_token, fill], axis=1)
    rev = jnp.take_along_axis(valid_token, revert_idx[:, :, None].astype(jnp.int32), axis=1)
    return jnp.concatenate([global_token, rev], axis=1)


def reference(temporal, img, nlp, temporal_revert_idx, img_revert_idx, nlp_revert_idx,
              img_remain_padding_mask, nlp_remain_padding_mask, mask_token):
    temporal_revert_block = _temporal_revert(temporal, temporal_revert_idx, mask_token)
    img_revert = _static_revert(img, img_revert_idx, img_remain_padding_mask, mask_token)
    nlp_revert = _static_revert(nlp, nlp_revert_idx, nlp_remain_padding_mask, mask_token)
    return (temporal_revert_block, img_revert, nlp_revert)

if __name__ == "__main__":
    import jax
    _d = setup_inputs()
    print(jax.jit(kernel)(*tuple(_d.values())))

</pallas_src>

<mosaic_0001>
#map = affine_map<(d0, d1) -> (0, 0)>
#map1 = affine_map<(d0, d1) -> (0)>
module attributes {stable_mosaic.version = 14 : i64} {
  func.func @_sc_body(%arg0: i32, %arg1: i32, %arg2: memref<8496x256xf32, #tpu.memory_space<hbm>>, %arg3: memref<16384xi32, #tpu.memory_space<hbm>>, %arg4: memref<3136xi32, #tpu.memory_space<hbm>>, %arg5: memref<4096xi32, #tpu.memory_space<hbm>>, %arg6: memref<800xi32, #tpu.memory_space<hbm>>, %arg7: memref<1040xi32, #tpu.memory_space<hbm>>, %arg8: memref<18432x256xf32, #tpu.memory_space<hbm>>, %arg9: memref<3152x256xf32, #tpu.memory_space<hbm>>, %arg10: memref<4112x256xf32, #tpu.memory_space<hbm>>, %arg11: memref<512xi32, #tpu.memory_space<vmem>>, %arg12: memref<576xi32, #tpu.memory_space<vmem>>, %arg13: memref<4096xi32, #tpu.memory_space<vmem>>, %arg14: memref<1040xi32, #tpu.memory_space<vmem>>, %arg15: memref<272xi32, #tpu.memory_space<vmem>>, %arg16: memref<272xi32, #tpu.memory_space<vmem>>, %arg17: memref<2x112x256xf32, #tpu.memory_space<vmem>>, %arg18: memref<!tpu.dma_semaphore, #tpu.memory_space<semaphore_mem>>, %arg19: memref<!tpu.dma_semaphore, #tpu.memory_space<semaphore_mem>>) attributes {dimension_semantics = [#tpu.dimension_semantics<core_parallel>, #tpu.dimension_semantics<subcore_parallel>], iteration_bounds = array<i64: 2, 16>, scalar_prefetch = 0 : i64, scratch_operands = 9 : i64, tpu.core_type = #tpu.core_type<sc_vector_subcore>, window_params = [{transform_indices = #map}, {transform_indices = #map1}, {transform_indices = #map1}, {transform_indices = #map1}, {transform_indices = #map1}, {transform_indices = #map1}, {transform_indices = #map}, {transform_indices = #map}, {transform_indices = #map}]} {
    %mul3A = arith.constant 2 : i32
    %mul3A_0 = arith.muli %arg1, %mul3A : i32
    %add3A = arith.addi %mul3A_0, %arg0 : i32
    %mul3A_1 = arith.constant 64 : i32
    %mul3A_2 = arith.muli %add3A, %mul3A_1 : i32
    %mul3A_3 = arith.constant 8 : i32
    %mul3A_4 = arith.muli %mul3A_2, %mul3A_3 : i32
    "tpu.region"() ({
      %run_scoped3A = tpu.sem_alloc : memref<!tpu.dma_semaphore, #tpu.memory_space<semaphore_mem>>
      %dma_start3A_434 = tpu.memref_slice %arg3[%mul3A_4] : memref<16384xi32, #tpu.memory_space<hbm>> -> memref<512xi32, #tpu.memory_space<hbm>>
      %dma_start3A_435 = tpu.memref_slice %arg3[%mul3A_4] : memref<16384xi32, #tpu.memory_space<hbm>> -> memref<512xi32, #tpu.memory_space<hbm>>
      tpu.enqueue_dma source(%dma_start3A_435 : memref<512xi32, #tpu.memory_space<hbm>>) target(%arg11 : memref<512xi32, #tpu.memory_space<vmem>>) target_semaphore(%run_scoped3A : memref<!tpu.dma_semaphore, #tpu.memory_space<semaphore_mem>>)
      %dma_wait3A_436 = tpu.memref_slice %arg3[%mul3A_4] : memref<16384xi32, #tpu.memory_space<hbm>> -> memref<512xi32, #tpu.memory_space<hbm>>
      %dma_wait3A_437 = tpu.memref_slice %arg3[%mul3A_4] : memref<16384xi32, #tpu.memory_space<hbm>> -> memref<512xi32, #tpu.memory_space<hbm>>
      tpu.wait_dma2 semaphore(%run_scoped3A : memref<!tpu.dma_semaphore, #tpu.memory_space<semaphore_mem>>) src(%dma_wait3A_437 : memref<512xi32, #tpu.memory_space<hbm>>) dst(%arg11 : memref<512xi32, #tpu.memory_space<vmem>>)
      tpu.yield
    }) : () -> ()
    %mul3A_5 = arith.constant 64 : i32
    %mul3A_6 = arith.muli %add3A, %mul3A_5 : i32
    %scan3A = arith.constant 0 : i32
    %scan3A_7 = arith.constant 0 : i32
    %scan3A_8 = arith.constant 36 : i32
    %scan3A_9 = arith.addi %scan3A_7, %scan3A_8 : i32
    %scan3A_10 = arith.constant 1 : i32
    scf.for %scan3A_434 = %scan3A_7 to %scan3A_9 step %scan3A_10  : i32 {
      %mul3A_435 = arith.constant 16 : i32
      %mul3A_436 = arith.muli %scan3A_434, %mul3A_435 : i32
      %iota3A = tpu.iota {dimensions = array<i32: 0>} : vector<16xi32>
      %add3A_437 = vector.broadcast %mul3A_436 : i32 to vector<16xi32>
      %add3A_438 = arith.addi %add3A_437, %iota3A : vector<16xi32>
      %mul3A_439 = arith.constant 7282 : i32
      %mul3A_440 = vector.broadcast %mul3A_439 : i32 to vector<16xi32>
      %mul3A_441 = arith.muli %add3A_438, %mul3A_440 : vector<16xi32>
      %shift_right_logical3A = arith.constant 16 : i32
      %shift_right_logical3A_442 = vector.broadcast %shift_right_logical3A : i32 to vector<16xi32>
      %shift_right_logical3A_443 = arith.shrui %mul3A_441, %shift_right_logical3A_442 : vector<16xi32>
      %mul3A_444 = arith.constant 9 : i32
      %mul3A_445 = vector.broadcast %mul3A_444 : i32 to vector<16xi32>
      %mul3A_446 = arith.muli %shift_right_logical3A_443, %mul3A_445 : vector<16xi32>
      %sub3A_447 = arith.subi %add3A_438, %mul3A_446 : vector<16xi32>
      %mul3A_448 = arith.constant 8 : i32
      %mul3A_449 = vector.broadcast %mul3A_448 : i32 to vector<16xi32>
      %mul3A_450 = arith.muli %shift_right_logical3A_443, %mul3A_449 : vector<16xi32>
      %add3A_451 = arith.addi %mul3A_450, %sub3A_447 : vector<16xi32>
      %sub3A_452 = arith.constant 1 : i32
      %sub3A_453 = vector.broadcast %sub3A_452 : i32 to vector<16xi32>
      %sub3A_454 = arith.subi %add3A_451, %sub3A_453 : vector<16xi32>
      %max3A = arith.constant 0 : i32
      %max3A_455 = vector.broadcast %max3A : i32 to vector<16xi32>
      %max3A_456 = arith.maxsi %sub3A_454, %max3A_455 : vector<16xi32>
      %gather3A = tpu.vector_load_idx %arg11[%max3A_456] : memref<512xi32, #tpu.memory_space<vmem>>[vector<16xi32>], vector<16xi32>,
      %add3A_457 = vector.broadcast %mul3A_6 : i32 to vector<16xi32>
      %add3A_458 = arith.addi %add3A_457, %shift_right_logical3A_443 : vector<16xi32>
      %mul3A_459 = arith.constant 3 : i32
      %mul3A_460 = vector.broadcast %mul3A_459 : i32 to vector<16xi32>
      %mul3A_461 = arith.muli %add3A_458, %mul3A_460 : vector<16xi32>
      %mul3A_462 = arith.constant 9 : i32
      %mul3A_463 = arith.muli %mul3A_6, %mul3A_462 : i32
      %add3A_464 = vector.broadcast %mul3A_463 : i32 to vector<16xi32>
      %add3A_465 = arith.addi %add3A_464, %add3A_438 : vector<16xi32>
      %and3A_466 = arith.constant 511 : i32
      %and3A_467 = vector.broadcast %and3A_466 : i32 to vector<16xi32>
      %and3A_468 = arith.andi %add3A_465, %and3A_467 : vector<16xi32>
      %add3A_469 = arith.constant 7984 : i32
      %add3A_470 = vector.broadcast %add3A_469 : i32 to vector<16xi32>
      %add3A_471 = arith.addi %add3A_470, %and3A_468 : vector<16xi32>
      %eq3A_472 = arith.constant 0 : i32
      %eq3A_473 = vector.broadcast %eq3A_472 : i32 to vector<16xi32>
      %eq3A_474 = arith.cmpi eq, %sub3A_447, %eq3A_473 : vector<16xi32>
      %lt3A = arith.constant 2 : i32
      %lt3A_475 = vector.broadcast %lt3A : i32 to vector<16xi32>
      %lt3A_476 = arith.cmpi slt, %gather3A, %lt3A_475 : vector<16xi32>
      %add3A_477 = arith.constant 1 : i32
      %add3A_478 = vector.broadcast %add3A_477 : i32 to vector<16xi32>
      %add3A_479 = arith.addi %mul3A_461, %add3A_478 : vector<16xi32>
      %add3A_480 = arith.addi %add3A_479, %gather3A : vector<16xi32>
      %select_n3A_481 = arith.select %lt3A_476, %add3A_480, %add3A_471 : vector<16xi1>, vector<16xi32>
      %select_n3A_482 = arith.select %eq3A_474, %mul3A_461, %select_n3A_481 : vector<16xi1>, vector<16xi32>
      %mul3A_483 = arith.constant 16 : i32
      %mul3A_484 = arith.muli %scan3A_434, %mul3A_483 : i32
      %swap3A = arith.index_cast %mul3A_484 : i32 to index
      %swap3A_485 = tpu.vector_load %arg12[%swap3A] {strides = array<i32>} : memref<576xi32, #tpu.memory_space<vmem>>, vector<16xi32>,
      tpu.vector_store %arg12[%swap3A], %select_n3A_482 {strides = array<i32>} : memref<576xi32, #tpu.memory_space<vmem>>, vector<16xi32>,
    }
    %scan3A_11 = arith.constant 36 : i32
    %mul3A_12 = arith.constant 576 : i32
    %mul3A_13 = arith.muli %add3A, %mul3A_12 : i32
    %dma_start3A = arith.constant 0 : i32
    %dma_start3A_14 = arith.constant 0 : i32
    %dma_start3A_15 = arith.constant 0 : i32
    %dma_start3A_16 = tpu.memref_slice %arg17[%dma_start3A, %dma_start3A_14, %dma_start3A_15] : memref<2x112x256xf32, #tpu.memory_space<vmem>> -> memref<1x112x256xf32, #tpu.memory_space<vmem>>
    %dma_start3A_17 = tpu.memref_squeeze %dma_start3A_16 : memref<1x112x256xf32, #tpu.memory_space<vmem>> -> memref<112x256xf32, #tpu.memory_space<vmem>>
    %dma_start3A_18 = arith.constant 0 : i32
    %dma_start3A_19 = arith.constant 0 : i32
    %dma_start3A_20 = tpu.memref_slice %dma_start3A_17[%dma_start3A_18, %dma_start3A_19] : memref<112x256xf32, #tpu.memory_space<vmem>> -> memref<96x256xf32, #tpu.memory_space<vmem>>
    %dma_start3A_21 = arith.constant 0 : i32
    %dma_start3A_22 = tpu.memref_slice %arg12[%dma_start3A_21] : memref<576xi32, #tpu.memory_space<vmem>> -> memref<96xi32, #tpu.memory_space<vmem>>
    %dma_start3A_23 = arith.constant 0 : i32
    %dma_start3A_24 = arith.constant 0 : i32
    %dma_start3A_25 = tpu.memref_slice %arg2[%dma_start3A_23, %dma_start3A_24] : memref<8496x256xf32, #tpu.memory_space<hbm>> -> memref<8496x256xf32, #tpu.memory_space<hbm>>
    tpu.enqueue_indirect_dma source(%dma_start3A_25 : memref<8496x256xf32, #tpu.memory_space<hbm>>) target(%dma_start3A_20 : memref<96x256xf32, #tpu.memory_space<vmem>>) offsets(%dma_start3A_22 : memref<96xi32, #tpu.memory_space<vmem>>) semaphore(%arg18 : memref<!tpu.dma_semaphore, #tpu.memory_space<semaphore_mem>>)
    %dma_wait3A = arith.constant 0 : i32
    %dma_wait3A_26 = arith.constant 0 : i32
    %dma_wait3A_27 = arith.constant 0 : i32
    %dma_wait3A_28 = tpu.memref_slice %arg17[%dma_wait3A, %dma_wait3A_26, %dma_wait3A_27] : memref<2x112x256xf32, #tpu.memory_space<vmem>> -> memref<1x112x256xf32, #tpu.memory_space<vmem>>
    %dma_wait3A_29 = tpu.memref_squeeze %dma_wait3A_28 : memref<1x112x256xf32, #tpu.memory_space<vmem>> -> memref<112x256xf32, #tpu.memory_space<vmem>>
    %dma_wait3A_30 = arith.constant 0 : i32
    %dma_wait3A_31 = arith.constant 0 : i32
    %dma_wait3A_32 = tpu.memref_slice %dma_wait3A_29[%dma_wait3A_30, %dma_wait3A_31] : memref<112x256xf32, #tpu.memory_space<vmem>> -> memref<96x256xf32, #tpu.memory_space<vmem>>
    %dma_wait3A_33 = arith.constant 0 : i32
    %dma_wait3A_34 = tpu.memref_slice %arg12[%dma_wait3A_33] : memref<576xi32, #tpu.memory_space<vmem>> -> memref<96xi32, #tpu.memory_space<vmem>>
    %dma_wait3A_35 = arith.constant 0 : i32
    %dma_wait3A_36 = arith.constant 0 : i32
    %dma_wait3A_37 = tpu.memref_slice %arg2[%dma_wait3A_35, %dma_wait3A_36] : memref<8496x256xf32, #tpu.memory_space<hbm>> -> memref<8496x256xf32, #tpu.memory_space<hbm>>
    tpu.wait_indirect_dma semaphore(%arg18 : memref<!tpu.dma_semaphore, #tpu.memory_space<semaphore_mem>>) src(%dma_wait3A_37 : memref<8496x256xf32, #tpu.memory_space<hbm>>) dst(%dma_wait3A_32 : memref<96x256xf32, #tpu.memory_space<vmem>>)
    %dma_start3A_38 = arith.constant 1 : i32
    %dma_start3A_39 = arith.constant 0 : i32
    %dma_start3A_40 = arith.constant 0 : i32
    %dma_start3A_41 = tpu.memref_slice %arg17[%dma_start3A_38, %dma_start3A_39, %dma_start3A_40] : memref<2x112x256xf32, #tpu.memory_space<vmem>> -> memref<1x112x256xf32, #tpu.memory_space<vmem>>
    %dma_start3A_42 = tpu.memref_squeeze %dma_start3A_41 : memref<1x112x256xf32, #tpu.memory_space<vmem>> -> memref<112x256xf32, #tpu.memory_space<vmem>>
    %dma_start3A_43 = arith.constant 0 : i32
    %dma_start3A_44 = arith.constant 0 : i32
    %dma_start3A_45 = tpu.memref_slice %dma_start3A_42[%dma_start3A_43, %dma_start3A_44] : memref<112x256xf32, #tpu.memory_space<vmem>> -> memref<96x256xf32, #tpu.memory_space<vmem>>
    %dma_start3A_46 = arith.constant 96 : i32
    %dma_start3A_47 = tpu.memref_slice %arg12[%dma_start3A_46] : memref<576xi32, #tpu.memory_space<vmem>> -> memref<96xi32, #tpu.memory_space<vmem>>
    %dma_start3A_48 = arith.constant 0 : i32
    %dma_start3A_49 = arith.constant 0 : i32
    %dma_start3A_50 = tpu.memref_slice %arg2[%dma_start3A_48, %dma_start3A_49] : memref<8496x256xf32, #tpu.memory_space<hbm>> -> memref<8496x256xf32, #tpu.memory_space<hbm>>
    tpu.enqueue_indirect_dma source(%dma_start3A_50 : memref<8496x256xf32, #tpu.memory_space<hbm>>) target(%dma_start3A_45 : memref<96x256xf32, #tpu.memory_space<vmem>>) offsets(%dma_start3A_47 : memref<96xi32, #tpu.memory_space<vmem>>) semaphore(%arg18 : memref<!tpu.dma_semaphore, #tpu.memory_space<semaphore_mem>>)
    %add3A_51 = arith.constant 0 : i32
    %add3A_52 = arith.addi %mul3A_13, %add3A_51 : i32
    %dma_start3A_53 = arith.constant 0 : i32
    %dma_start3A_54 = arith.constant 0 : i32
    %dma_start3A_55 = arith.constant 0 : i32
    %dma_start3A_56 = tpu.memref_slice %arg17[%dma_start3A_53, %dma_start3A_54, %dma_start3A_55] : memref<2x112x256xf32, #tpu.memory_space<vmem>> -> memref<1x112x256xf32, #tpu.memory_space<vmem>>
    %dma_start3A_57 = tpu.memref_squeeze %dma_start3A_56 : memref<1x112x256xf32, #tpu.memory_space<vmem>> -> memref<112x256xf32, #tpu.memory_space<vmem>>
    %dma_start3A_58 = arith.constant 0 : i32
    %dma_start3A_59 = arith.constant 0 : i32
    %dma_start3A_60 = tpu.memref_slice %dma_start3A_57[%dma_start3A_58, %dma_start3A_59] : memref<112x256xf32, #tpu.memory_space<vmem>> -> memref<96x256xf32, #tpu.memory_space<vmem>>
    %dma_start3A_61 = arith.constant 0 : i32
    %dma_start3A_62 = tpu.memref_slice %arg8[%add3A_52, %dma_start3A_61] : memref<18432x256xf32, #tpu.memory_space<hbm>> -> memref<96x256xf32, #tpu.memory_space<hbm>>
    %dma_start3A_63 = arith.constant 0 : i32
    %dma_start3A_64 = tpu.memref_slice %arg8[%add3A_52, %dma_start3A_63] : memref<18432x256xf32, #tpu.memory_space<hbm>> -> memref<96x256xf32, #tpu.memory_space<hbm>>
    %dma_start3A_65 = arith.constant 0 : i32
    %dma_start3A_66 = arith.constant 0 : i32
    %dma_start3A_67 = tpu.memref_slice %arg17[%dma_start3A_53, %dma_start3A_65, %dma_start3A_66] : memref<2x112x256xf32, #tpu.memory_space<vmem>> -> memref<1x112x256xf32, #tpu.memory_space<vmem>>
    %dma_start3A_68 = tpu.memref_squeeze %dma_start3A_67 : memref<1x112x256xf32, #tpu.memory_space<vmem>> -> memref<112x256xf32, #tpu.memory_space<vmem>>
    %dma_start3A_69 = arith.constant 0 : i32
    %dma_start3A_70 = arith.constant 0 : i32
    %dma_start3A_71 = tpu.memref_slice %dma_start3A_68[%dma_start3A_69, %dma_start3A_70] : memref<112x256xf32, #tpu.memory_space<vmem>> -> memref<96x256xf32, #tpu.memory_space<vmem>>
    tpu.enqueue_dma source(%dma_start3A_71 : memref<96x256xf32, #tpu.memory_space<vmem>>) target(%dma_start3A_64 : memref<96x256xf32, #tpu.memory_space<hbm>>) target_semaphore(%arg19 : memref<!tpu.dma_semaphore, #tpu.memory_space<semaphore_mem>>)
    %dma_wait3A_72 = arith.constant 1 : i32
    %dma_wait3A_73 = arith.constant 0 : i32
    %dma_wait3A_74 = arith.constant 0 : i32
    %dma_wait3A_75 = tpu.memref_slice %arg17[%dma_wait3A_72, %dma_wait3A_73, %dma_wait3A_74] : memref<2x112x256xf32, #tpu.memory_space<vmem>> -> memref<1x112x256xf32, #tpu.memory_space<vmem>>
    %dma_wait3A_76 = tpu.memref_squeeze %dma_wait3A_75 : memref<1x112x256xf32, #tpu.memory_space<vmem>> -> memref<112x256xf32, #tpu.memory_space<vmem>>
    %dma_wait3A_77 = arith.constant 0 : i32
    %dma_wait3A_78 = arith.constant 0 : i32
    %dma_wait3A_79 = tpu.memref_slice %dma_wait3A_76[%dma_wait3A_77, %dma_wait3A_78] : memref<112x256xf32, #tpu.memory_space<vmem>> -> memref<96x256xf32, #tpu.memory_space<vmem>>
    %dma_wait3A_80 = arith.constant 96 : i32
    %dma_wait3A_81 = tpu.memref_slice %arg12[%dma_wait3A_80] : memref<576xi32, #tpu.memory_space<vmem>> -> memref<96xi32, #tpu.memory_space<vmem>>
    %dma_wait3A_82 = arith.constant 0 : i32
    %dma_wait3A_83 = arith.constant 0 : i32
    %dma_wait3A_84 = tpu.memref_slice %arg2[%dma_wait3A_82, %dma_wait3A_83] : memref<8496x256xf32, #tpu.memory_space<hbm>> -> memref<8496x256xf32, #tpu.memory_space<hbm>>
    tpu.wait_indirect_dma semaphore(%arg18 : memref<!tpu.dma_semaphore, #tpu.memory_space<semaphore_mem>>) src(%dma_wait3A_84 : memref<8496x256xf32, #tpu.memory_space<hbm>>) dst(%dma_wait3A_79 : memref<96x256xf32, #tpu.memory_space<vmem>>)
    %dma_wait3A_85 = arith.constant 0 : i32
    %dma_wait3A_86 = arith.constant 0 : i32
    %dma_wait3A_87 = arith.constant 0 : i32
    %dma_wait3A_88 = tpu.memref_slice %arg17[%dma_wait3A_85, %dma_wait3A_86, %dma_wait3A_87] : memref<2x112x256xf32, #tpu.memory_space<vmem>> -> memref<1x112x256xf32, #tpu.memory_space<vmem>>
    %dma_wait3A_89 = tpu.memref_squeeze %dma_wait3A_88 : memref<1x112x256xf32, #tpu.memory_space<vmem>> -> memref<112x256xf32, #tpu.memory_space<vmem>>
    %dma_wait3A_90 = arith.constant 0 : i32
    %dma_wait3A_91 = arith.constant 0 : i32
    %dma_wait3A_92 = tpu.memref_slice %dma_wait3A_89[%dma_wait3A_90, %dma_wait3A_91] : memref<112x256xf32, #tpu.memory_space<vmem>> -> memref<96x256xf32, #tpu.memory_space<vmem>>
    %dma_wait3A_93 = arith.constant 0 : i32
    %dma_wait3A_94 = tpu.memref_slice %arg8[%add3A_52, %dma_wait3A_93] : memref<18432x256xf32, #tpu.memory_space<hbm>> -> memref<96x256xf32, #tpu.memory_space<hbm>>
    %dma_wait3A_95 = arith.constant 0 : i32
    %dma_wait3A_96 = tpu.memref_slice %arg8[%add3A_52, %dma_wait3A_95] : memref<18432x256xf32, #tpu.memory_space<hbm>> -> memref<96x256xf32, #tpu.memory_space<hbm>>
    %dma_wait3A_97 = arith.constant 0 : i32
    %dma_wait3A_98 = arith.constant 0 : i32
    %dma_wait3A_99 = tpu.memref_slice %arg17[%dma_wait3A_85, %dma_wait3A_97, %dma_wait3A_98] : memref<2x112x256xf32, #tpu.memory_space<vmem>> -> memref<1x112x256xf32, #tpu.memory_space<vmem>>
    %dma_wait3A_100 = tpu.memref_squeeze %dma_wait3A_99 : memref<1x112x256xf32, #tpu.memory_space<vmem>> -> memref<112x256xf32, #tpu.memory_space<vmem>>
    %dma_wait3A_101 = arith.constant 0 : i32
    %dma_wait3A_102 = arith.constant 0 : i32
    %dma_wait3A_103 = tpu.memref_slice %dma_wait3A_100[%dma_wait3A_101, %dma_wait3A_102] : memref<112x256xf32, #tpu.memory_space<vmem>> -> memref<96x256xf32, #tpu.memory_space<vmem>>
    tpu.wait_dma2 semaphore(%arg19 : memref<!tpu.dma_semaphore, #tpu.memory_space<semaphore_mem>>) src(%dma_wait3A_103 : memref<96x256xf32, #tpu.memory_space<vmem>>) dst(%dma_wait3A_96 : memref<96x256xf32, #tpu.memory_space<hbm>>)
    %dma_start3A_104 = arith.constant 0 : i32
    %dma_start3A_105 = arith.constant 0 : i32
    %dma_start3A_106 = arith.constant 0 : i32
    %dma_start3A_107 = tpu.memref_slice %arg17[%dma_start3A_104, %dma_start3A_105, %dma_start3A_106] : memref<2x112x256xf32, #tpu.memory_space<vmem>> -> memref<1x112x256xf32, #tpu.memory_space<vmem>>
    %dma_start3A_108 = tpu.memref_squeeze %dma_start3A_107 : memref<1x112x256xf32, #tpu.memory_space<vmem>> -> memref<112x256xf32, #tpu.memory_space<vmem>>
    %dma_start3A_109 = arith.constant 0 : i32
    %dma_start3A_110 = arith.constant 0 : i32
    %dma_start3A_111 = tpu.memref_slice %dma_start3A_108[%dma_start3A_109, %dma_start3A_110] : memref<112x256xf32, #tpu.memory_space<vmem>> -> memref<96x256xf32, #tpu.memory_space<vmem>>
    %dma_start3A_112 = arith.constant 192 : i32
    %dma_start3A_113 = tpu.memref_slice %arg12[%dma_start3A_112] : memref<576xi32, #tpu.memory_space<vmem>> -> memref<96xi32, #tpu.memory_space<vmem>>
    %dma_start3A_114 = arith.constant 0 : i32
    %dma_start3A_115 = arith.constant 0 : i32
    %dma_start3A_116 = tpu.memref_slice %arg2[%dma_start3A_114, %dma_start3A_115] : memref<8496x256xf32, #tpu.memory_space<hbm>> -> memref<8496x256xf32, #tpu.memory_space<hbm>>
    tpu.enqueue_indirect_dma source(%dma_start3A_116 : memref<8496x256xf32, #tpu.memory_space<hbm>>) target(%dma_start3A_111 : memref<96x256xf32, #tpu.memory_space<vmem>>) offsets(%dma_start3A_113 : memref<96xi32, #tpu.memory_space<vmem>>) semaphore(%arg18 : memref<!tpu.dma_semaphore, #tpu.memory_space<semaphore_mem>>)
    %add3A_117 = arith.constant 96 : i32
    %add3A_118 = arith.addi %mul3A_13, %add3A_117 : i32
    %dma_start3A_119 = arith.constant 1 : i32
    %dma_start3A_120 = arith.constant 0 : i32
    %dma_start3A_121 = arith.constant 0 : i32
    %dma_start3A_122 = tpu.memref_slice %arg17[%dma_start3A_119, %dma_start3A_120, %dma_start3A_121] : memref<2x112x256xf32, #tpu.memory_space<vmem>> -> memref<1x112x256xf32, #tpu.memory_space<vmem>>
    %dma_start3A_123 = tpu.memref_squeeze %dma_start3A_122 : memref<1x112x256xf32, #tpu.memory_space<vmem>> -> memref<112x256xf32, #tpu.memory_space<vmem>>
    %dma_start3A_124 = arith.constant 0 : i32
    %dma_start3A_125 = arith.constant 0 : i32
    %dma_start3A_126 = tpu.memref_slice %dma_start3A_123[%dma_start3A_124, %dma_start3A_125] : memref<112x256xf32, #tpu.memory_space<vmem>> -> memref<96x256xf32, #tpu.memory_space<vmem>>
    %dma_start3A_127 = arith.constant 0 : i32
    %dma_start3A_128 = tpu.memref_slice %arg8[%add3A_118, %dma_start3A_127] : memref<18432x256xf32, #tpu.memory_space<hbm>> -> memref<96x256xf32, #tpu.memory_space<hbm>>
    %dma_start3A_129 = arith.constant 0 : i32
    %dma_start3A_130 = tpu.memref_slice %arg8[%add3A_118, %dma_start3A_129] : memref<18432x256xf32, #tpu.memory_space<hbm>> -> memref<96x256xf32, #tpu.memory_space<hbm>>
    %dma_start3A_131 = arith.constant 0 : i32
    %dma_start3A_132 = arith.constant 0 : i32
    %dma_start3A_133 = tpu.memref_slice %arg17[%dma_start3A_119, %dma_start3A_131, %dma_start3A_132] : memref<2x112x256xf32, #tpu.memory_space<vmem>> -> memref<1x112x256xf32, #tpu.memory_space<vmem>>
    %dma_start3A_134 = tpu.memref_squeeze %dma_start3A_133 : memref<1x112x256xf32, #tpu.memory_space<vmem>> -> memref<112x256xf32, #tpu.memory_space<vmem>>
    %dma_start3A_135 = arith.constant 0 : i32
    %dma_start3A_136 = arith.constant 0 : i32
    %dma_start3A_137 = tpu.memref_slice %dma_start3A_134[%dma_start3A_135, %dma_start3A_136] : memref<112x256xf32, #tpu.memory_space<vmem>> -> memref<96x256xf32, #tpu.memory_space<vmem>>
    tpu.enqueue_dma source(%dma_start3A_137 : memref<96x256xf32, #tpu.memory_space<vmem>>) target(%dma_start3A_130 : memref<96x256xf32, #tpu.memory_space<hbm>>) target_semaphore(%arg19 : memref<!tpu.dma_semaphore, #tpu.memory_space<semaphore_mem>>)
    %dma_wait3A_138 = arith.constant 0 : i32
    %dma_wait3A_139 = arith.constant 0 : i32
    %dma_wait3A_140 = arith.constant 0 : i32
    %dma_wait3A_141 = tpu.memref_slice %arg17[%dma_wait3A_138, %dma_wait3A_139, %dma_wait3A_140] : memref<2x112x256xf32, #tpu.memory_space<vmem>> -> memref<1x112x256xf32, #tpu.memory_space<vmem>>
    %dma_wait3A_142 = tpu.memref_squeeze %dma_wait3A_141 : memref<1x112x256xf32, #tpu.memory_space<vmem>> -> memref<112x256xf32, #tpu.memory_space<vmem>>
    %dma_wait3A_143 = arith.constant 0 : i32
    %dma_wait3A_144 = arith.constant 0 : i32
    %dma_wait3A_145 = tpu.memref_slice %dma_wait3A_142[%dma_wait3A_143, %dma_wait3A_144] : memref<112x256xf32, #tpu.memory_space<vmem>> -> memref<96x256xf32, #tpu.memory_space<vmem>>
    %dma_wait3A_146 = arith.constant 192 : i32
    %dma_wait3A_147 = tpu.memref_slice %arg12[%dma_wait3A_146] : memref<576xi32, #tpu.memory_space<vmem>> -> memref<96xi32, #tpu.memory_space<vmem>>
    %dma_wait3A_148 = arith.constant 0 : i32
    %dma_wait3A_149 = arith.constant 0 : i32
    %dma_wait3A_150 = tpu.memref_slice %arg2[%dma_wait3A_148, %dma_wait3A_149] : memref<8496x256xf32, #tpu.memory_space<hbm>> -> memref<8496x256xf32, #tpu.memory_space<hbm>>
    tpu.wait_indirect_dma semaphore(%arg18 : memref<!tpu.dma_semaphore, #tpu.memory_space<semaphore_mem>>) src(%dma_wait3A_150 : memref<8496x256xf32, #tpu.memory_space<hbm>>) dst(%dma_wait3A_145 : memref<96x256xf32, #tpu.memory_space<vmem>>)
    %dma_wait3A_151 = arith.constant 1 : i32
    %dma_wait3A_152 = arith.constant 0 : i32
    %dma_wait3A_153 = arith.constant 0 : i32
    %dma_wait3A_154 = tpu.memref_slice %arg17[%dma_wait3A_151, %dma_wait3A_152, %dma_wait3A_153] : memref<2x112x256xf32, #tpu.memory_space<vmem>> -> memref<1x112x256xf32, #tpu.memory_space<vmem>>
    %dma_wait3A_155 = tpu.memref_squeeze %dma_wait3A_154 : memref<1x112x256xf32, #tpu.memory_space<vmem>> -> memref<112x256xf32, #tpu.memory_space<vmem>>
    %dma_wait3A_156 = arith.constant 0 : i32
    %dma_wait3A_157 = arith.constant 0 : i32
    %dma_wait3A_158 = tpu.memref_slice %dma_wait3A_155[%dma_wait3A_156, %dma_wait3A_157] : memref<112x256xf32, #tpu.memory_space<vmem>> -> memref<96x256xf32, #tpu.memory_space<vmem>>
    %dma_wait3A_159 = arith.constant 0 : i32
    %dma_wait3A_160 = tpu.memref_slice %arg8[%add3A_118, %dma_wait3A_159] : memref<18432x256xf32, #tpu.memory_space<hbm>> -> memref<96x256xf32, #tpu.memory_space<hbm>>
    %dma_wait3A_161 = arith.constant 0 : i32
    %dma_wait3A_162 = tpu.memref_slice %arg8[%add3A_118, %dma_wait3A_161] : memref<18432x256xf32, #tpu.memory_space<hbm>> -> memref<96x256xf32, #tpu.memory_space<hbm>>
    %dma_wait3A_163 = arith.constant 0 : i32
    %dma_wait3A_164 = arith.constant 0 : i32
    %dma_wait3A_165 = tpu.memref_slice %arg17[%dma_wait3A_151, %dma_wait3A_163, %dma_wait3A_164] : memref<2x112x256xf32, #tpu.memory_space<vmem>> -> memref<1x112x256xf32, #tpu.memory_space<vmem>>
    %dma_wait3A_166 = tpu.memref_squeeze %dma_wait3A_165 : memref<1x112x256xf32, #tpu.memory_space<vmem>> -> memref<112x256xf32, #tpu.memory_space<vmem>>
    %dma_wait3A_167 = arith.constant 0 : i32
    %dma_wait3A_168 = arith.constant 0 : i32
    %dma_wait3A_169 = tpu.memref_slice %dma_wait3A_166[%dma_wait3A_167, %dma_wait3A_168] : memref<112x256xf32, #tpu.memory_space<vmem>> -> memref<96x256xf32, #tpu.memory_space<vmem>>
    tpu.wait_dma2 semaphore(%arg19 : memref<!tpu.dma_semaphore, #tpu.memory_space<semaphore_mem>>) src(%dma_wait3A_169 : memref<96x256xf32, #tpu.memory_space<vmem>>) dst(%dma_wait3A_162 : memref<96x256xf32, #tpu.memory_space<hbm>>)
    %dma_start3A_170 = arith.constant 1 : i32
    %dma_start3A_171 = arith.constant 0 : i32
    %dma_start3A_172 = arith.constant 0 : i32
    %dma_start3A_173 = tpu.memref_slice %arg17[%dma_start3A_170, %dma_start3A_171, %dma_start3A_172] : memref<2x112x256xf32, #tpu.memory_space<vmem>> -> memref<1x112x256xf32, #tpu.memory_space<vmem>>
    %dma_start3A_174 = tpu.memref_squeeze %dma_start3A_173 : memref<1x112x256xf32, #tpu.memory_space<vmem>> -> memref<112x256xf32, #tpu.memory_space<vmem>>
    %dma_start3A_175 = arith.constant 0 : i32
    %dma_start3A_176 = arith.constant 0 : i32
    %dma_start3A_177 = tpu.memref_slice %dma_start3A_174[%dma_start3A_175, %dma_start3A_176] : memref<112x256xf32, #tpu.memory_space<vmem>> -> memref<96x256xf32, #tpu.memory_space<vmem>>
    %dma_start3A_178 = arith.constant 288 : i32
    %dma_start3A_179 = tpu.memref_slice %arg12[%dma_start3A_178] : memref<576xi32, #tpu.memory_space<vmem>> -> memref<96xi32, #tpu.memory_space<vmem>>
    %dma_start3A_180 = arith.constant 0 : i32
    %dma_start3A_181 = arith.constant 0 : i32
    %dma_start3A_182 = tpu.memref_slice %arg2[%dma_start3A_180, %dma_start3A_181] : memref<8496x256xf32, #tpu.memory_space<hbm>> -> memref<8496x256xf32, #tpu.memory_space<hbm>>
    tpu.enqueue_indirect_dma source(%dma_start3A_182 : memref<8496x256xf32, #tpu.memory_space<hbm>>) target(%dma_start3A_177 : memref<96x256xf32, #tpu.memory_space<vmem>>) offsets(%dma_start3A_179 : memref<96xi32, #tpu.memory_space<vmem>>) semaphore(%arg18 : memref<!tpu.dma_semaphore, #tpu.memory_space<semaphore_mem>>)
    %add3A_183 = arith.constant 192 : i32
    %add3A_184 = arith.addi %mul3A_13, %add3A_183 : i32
    %dma_start3A_185 = arith.constant 0 : i32
    %dma_start3A_186 = arith.constant 0 : i32
    %dma_start3A_187 = arith.constant 0 : i32
    %dma_start3A_188 = tpu.memref_slice %arg17[%dma_start3A_185, %dma_start3A_186, %dma_start3A_187] : memref<2x112x256xf32, #tpu.memory_space<vmem>> -> memref<1x112x256xf32, #tpu.memory_space<vmem>>
    %dma_start3A_189 = tpu.memref_squeeze %dma_start3A_188 : memref<1x112x256xf32, #tpu.memory_space<vmem>> -> memref<112x256xf32, #tpu.memory_space<vmem>>
    %dma_start3A_190 = arith.constant 0 : i32
    %dma_start3A_191 = arith.constant 0 : i32
    %dma_start3A_192 = tpu.memref_slice %dma_start3A_189[%dma_start3A_190, %dma_start3A_191] : memref<112x256xf32, #tpu.memory_space<vmem>> -> memref<96x256xf32, #tpu.memory_space<vmem>>
    %dma_start3A_193 = arith.constant 0 : i32
    %dma_start3A_194 = tpu.memref_slice %arg8[%add3A_184, %dma_start3A_193] : memref<18432x256xf32, #tpu.memory_space<hbm>> -> memref<96x256xf32, #tpu.memory_space<hbm>>
    %dma_start3A_195 = arith.constant 0 : i32
    %dma_start3A_196 = tpu.memref_slice %arg8[%add3A_184, %dma_start3A_195] : memref<18432x256xf32, #tpu.memory_space<hbm>> -> memref<96x256xf32, #tpu.memory_space<hbm>>
    %dma_start3A_197 = arith.constant 0 : i32
    %dma_start3A_198 = arith.constant 0 : i32
    %dma_start3A_199 = tpu.memref_slice %arg17[%dma_start3A_185, %dma_start3A_197, %dma_start3A_198] : memref<2x112x256xf32, #tpu.memory_space<vmem>> -> memref<1x112x256xf32, #tpu.memory_space<vmem>>
    %dma_start3A_200 = tpu.memref_squeeze %dma_start3A_199 : memref<1x112x256xf32, #tpu.memory_space<vmem>> -> memref<112x256xf32, #tpu.memory_space<vmem>>
    %dma_start3A_201 = arith.constant 0 : i32
    %dma_start3A_202 = arith.constant 0 : i32
    %dma_start3A_203 = tpu.memref_slice %dma_start3A_200[%dma_start3A_201, %dma_start3A_202] : memref<112x256xf32, #tpu.memory_space<vmem>> -> memref<96x256xf32, #tpu.memory_space<vmem>>
    tpu.enqueue_dma source(%dma_start3A_203 : memref<96x256xf32, #tpu.memory_space<vmem>>) target(%dma_start3A_196 : memref<96x256xf32, #tpu.memory_space<hbm>>) target_semaphore(%arg19 : memref<!tpu.dma_semaphore, #tpu.memory_space<semaphore_mem>>)
    %dma_wait3A_204 = arith.constant 1 : i32
    %dma_wait3A_205 = arith.constant 0 : i32
    %dma_wait3A_206 = arith.constant 0 : i32
    %dma_wait3A_207 = tpu.memref_slice %arg17[%dma_wait3A_204, %dma_wait3A_205, %dma_wait3A_206] : memref<2x112x256xf32, #tpu.memory_space<vmem>> -> memref<1x112x256xf32, #tpu.memory_space<vmem>>
    %dma_wait3A_208 = tpu.memref_squeeze %dma_wait3A_207 : memref<1x112x256xf32, #tpu.memory_space<vmem>> -> memref<112x256xf32, #tpu.memory_space<vmem>>
    %dma_wait3A_209 = arith.constant 0 : i32
    %dma_wait3A_210 = arith.constant 0 : i32
    %dma_wait3A_211 = tpu.memref_slice %dma_wait3A_208[%dma_wait3A_209, %dma_wait3A_210] : memref<112x256xf32, #tpu.memory_space<vmem>> -> memref<96x256xf32, #tpu.memory_space<vmem>>
    %dma_wait3A_212 = arith.constant 288 : i32
    %dma_wait3A_213 = tpu.memref_slice %arg12[%dma_wait3A_212] : memref<576xi32, #tpu.memory_space<vmem>> -> memref<96xi32, #tpu.memory_space<vmem>>
    %dma_wait3A_214 = arith.constant 0 : i32
    %dma_wait3A_215 = arith.constant 0 : i32
    %dma_wait3A_216 = tpu.memref_slice %arg2[%dma_wait3A_214, %dma_wait3A_215] : memref<8496x256xf32, #tpu.memory_space<hbm>> -> memref<8496x256xf32, #tpu.memory_space<hbm>>
    tpu.wait_indirect_dma semaphore(%arg18 : memref<!tpu.dma_semaphore, #tpu.memory_space<semaphore_mem>>) src(%dma_wait3A_216 : memref<8496x256xf32, #tpu.memory_space<hbm>>) dst(%dma_wait3A_211 : memref<96x256xf32, #tpu.memory_space<vmem>>)
    %dma_wait3A_217 = arith.constant 0 : i32
    %dma_wait3A_218 = arith.constant 0 : i32
    %dma_wait3A_219 = arith.constant 0 : i32
    %dma_wait3A_220 = tpu.memref_slice %arg17[%dma_wait3A_217, %dma_wait3A_218, %dma_wait3A_219] : memref<2x112x256xf32, #tpu.memory_space<vmem>> -> memref<1x112x256xf32, #tpu.memory_space<vmem>>
    %dma_wait3A_221 = tpu.memref_squeeze %dma_wait3A_220 : memref<1x112x256xf32, #tpu.memory_space<vmem>> -> memref<112x256xf32, #tpu.memory_space<vmem>>
    %dma_wait3A_222 = arith.constant 0 : i32
    %dma_wait3A_223 = arith.constant 0 : i32
    %dma_wait3A_224 = tpu.memref_slice %dma_wait3A_221[%dma_wait3A_222, %dma_wait3A_223] : memref<112x256xf32, #tpu.memory_space<vmem>> -> memref<96x256xf32, #tpu.memory_space<vmem>>
    %dma_wait3A_225 = arith.constant 0 : i32
    %dma_wait3A_226 = tpu.memref_slice %arg8[%add3A_184, %dma_wait3A_225] : memref<18432x256xf32, #tpu.memory_space<hbm>> -> memref<96x256xf32, #tpu.memory_space<hbm>>
    %dma_wait3A_227 = arith.constant 0 : i32
    %dma_wait3A_228 = tpu.memref_slice %arg8[%add3A_184, %dma_wait3A_227] : memref<18432x256xf32, #tpu.memory_space<hbm>> -> memref<96x256xf32, #tpu.memory_space<hbm>>
    %dma_wait3A_229 = arith.constant 0 : i32
    %dma_wait3A_230 = arith.constant 0 : i32
    %dma_wait3A_231 = tpu.memref_slice %arg17[%dma_wait3A_217, %dma_wait3A_229, %dma_wait3A_230] : memref<2x112x256xf32, #tpu.memory_space<vmem>> -> memref<1x112x256xf32, #tpu.memory_space<vmem>>
    %dma_wait3A_232 = tpu.memref_squeeze %dma_wait3A_231 : memref<1x112x256xf32, #tpu.memory_space<vmem>> -> memref<112x256xf32, #tpu.memory_space<vmem>>
    %dma_wait3A_233 = arith.constant 0 : i32
    %dma_wait3A_234 = arith.constant 0 : i32
    %dma_wait3A_235 = tpu.memref_slice %dma_wait3A_232[%dma_wait3A_233, %dma_wait3A_234] : memref<112x256xf32, #tpu.memory_space<vmem>> -> memref<96x256xf32, #tpu.memory_space<vmem>>
    tpu.wait_dma2 semaphore(%arg19 : memref<!tpu.dma_semaphore, #tpu.memory_space<semaphore_mem>>) src(%dma_wait3A_235 : memref<96x256xf32, #tpu.memory_space<vmem>>) dst(%dma_wait3A_228 : memref<96x256xf32, #tpu.memory_space<hbm>>)
    %dma_start3A_236 = arith.constant 0 : i32
    %dma_start3A_237 = arith.constant 0 : i32
    %dma_start3A_238 = arith.constant 0 : i32
    %dma_start3A_239 = tpu.memref_slice %arg17[%dma_start3A_236, %dma_start3A_237, %dma_start3A_238] : memref<2x112x256xf32, #tpu.memory_space<vmem>> -> memref<1x112x256xf32, #tpu.memory_space<vmem>>
    %dma_start3A_240 = tpu.memref_squeeze %dma_start3A_239 : memref<1x112x256xf32, #tpu.memory_space<vmem>> -> memref<112x256xf32, #tpu.memory_space<vmem>>
    %dma_start3A_241 = arith.constant 0 : i32
    %dma_start3A_242 = arith.constant 0 : i32
    %dma_start3A_243 = tpu.memref_slice %dma_start3A_240[%dma_start3A_241, %dma_start3A_242] : memref<112x256xf32, #tpu.memory_space<vmem>> -> memref<96x256xf32, #tpu.memory_space<vmem>>
    %dma_start3A_244 = arith.constant 384 : i32
    %dma_start3A_245 = tpu.memref_slice %arg12[%dma_start3A_244] : memref<576xi32, #tpu.memory_space<vmem>> -> memref<96xi32, #tpu.memory_space<vmem>>
    %dma_start3A_246 = arith.constant 0 : i32
    %dma_start3A_247 = arith.constant 0 : i32
    %dma_start3A_248 = tpu.memref_slice %arg2[%dma_start3A_246, %dma_start3A_247] : memref<8496x256xf32, #tpu.memory_space<hbm>> -> memref<8496x256xf32, #tpu.memory_space<hbm>>
    tpu.enqueue_indirect_dma source(%dma_start3A_248 : memref<8496x256xf32, #tpu.memory_space<hbm>>) target(%dma_start3A_243 : memref<96x256xf32, #tpu.memory_space<vmem>>) offsets(%dma_start3A_245 : memref<96xi32, #tpu.memory_space<vmem>>) semaphore(%arg18 : memref<!tpu.dma_semaphore, #tpu.memory_space<semaphore_mem>>)
    %add3A_249 = arith.constant 288 : i32
    %add3A_250 = arith.addi %mul3A_13, %add3A_249 : i32
    %dma_start3A_251 = arith.constant 1 : i32
    %dma_start3A_252 = arith.constant 0 : i32
    %dma_start3A_253 = arith.constant 0 : i32
    %dma_start3A_254 = tpu.memref_slice %arg17[%dma_start3A_251, %dma_start3A_252, %dma_start3A_253] : memref<2x112x256xf32, #tpu.memory_space<vmem>> -> memref<1x112x256xf32, #tpu.memory_space<vmem>>
    %dma_start3A_255 = tpu.memref_squeeze %dma_start3A_254 : memref<1x112x256xf32, #tpu.memory_space<vmem>> -> memref<112x256xf32, #tpu.memory_space<vmem>>
    %dma_start3A_256 = arith.constant 0 : i32
    %dma_start3A_257 = arith.constant 0 : i32
    %dma_start3A_258 = tpu.memref_slice %dma_start3A_255[%dma_start3A_256, %dma_start3A_257] : memref<112x256xf32, #tpu.memory_space<vmem>> -> memref<96x256xf32, #tpu.memory_space<vmem>>
    %dma_start3A_259 = arith.constant 0 : i32
    %dma_start3A_260 = tpu.memref_slice %arg8[%add3A_250, %dma_start3A_259] : memref<18432x256xf32, #tpu.memory_space<hbm>> -> memref<96x256xf32, #tpu.memory_space<hbm>>
    %dma_start3A_261 = arith.constant 0 : i32
    %dma_start3A_262 = tpu.memref_slice %arg8[%add3A_250, %dma_start3A_261] : memref<18432x256xf32, #tpu.memory_space<hbm>> -> memref<96x256xf32, #tpu.memory_space<hbm>>
    %dma_start3A_263 = arith.constant 0 : i32
    %dma_start3A_264 = arith.constant 0 : i32
    %dma_start3A_265 = tpu.memref_slice %arg17[%dma_start3A_251, %dma_start3A_263, %dma_start3A_264] : memref<2x112x256xf32, #tpu.memory_space<vmem>> -> memref<1x112x256xf32, #tpu.memory_space<vmem>>
    %dma_start3A_266 = tpu.memref_squeeze %dma_start3A_265 : memref<1x112x256xf32, #tpu.memory_space<vmem>> -> memref<112x256xf32, #tpu.memory_space<vmem>>
    %dma_start3A_267 = arith.constant 0 : i32
    %dma_start3A_268 = arith.constant 0 : i32
    %dma_start3A_269 = tpu.memref_slice %dma_start3A_266[%dma_start3A_267, %dma_start3A_268] : memref<112x256xf32, #tpu.memory_space<vmem>> -> memref<96x256xf32, #tpu.memory_space<vmem>>
    tpu.enqueue_dma source(%dma_start3A_269 : memref<96x256xf32, #tpu.memory_space<vmem>>) target(%dma_start3A_262 : memref<96x256xf32, #tpu.memory_space<hbm>>) target_semaphore(%arg19 : memref<!tpu.dma_semaphore, #tpu.memory_space<semaphore_mem>>)
    %dma_wait3A_270 = arith.constant 0 : i32
    %dma_wait3A_271 = arith.constant 0 : i32
    %dma_wait3A_272 = arith.constant 0 : i32
    %dma_wait3A_273 = tpu.memref_slice %arg17[%dma_wait3A_270, %dma_wait3A_271, %dma_wait3A_272] : memref<2x112x256xf32, #tpu.memory_space<vmem>> -> memref<1x112x256xf32, #tpu.memory_space<vmem>>
    %dma_wait3A_274 = tpu.memref_squeeze %dma_wait3A_273 : memref<1x112x256xf32, #tpu.memory_space<vmem>> -> memref<112x256xf32, #tpu.memory_space<vmem>>
    %dma_wait3A_275 = arith.constant 0 : i32
    %dma_wait3A_276 = arith.constant 0 : i32
    %dma_wait3A_277 = tpu.memref_slice %dma_wait3A_274[%dma_wait3A_275, %dma_wait3A_276] : memref<112x256xf32, #tpu.memory_space<vmem>> -> memref<96x256xf32, #tpu.memory_space<vmem>>
    %dma_wait3A_278 = arith.constant 384 : i32
    %dma_wait3A_279 = tpu.memref_slice %arg12[%dma_wait3A_278] : memref<576xi32, #tpu.memory_space<vmem>> -> memref<96xi32, #tpu.memory_space<vmem>>
    %dma_wait3A_280 = arith.constant 0 : i32
    %dma_wait3A_281 = arith.constant 0 : i32
    %dma_wait3A_282 = tpu.memref_slice %arg2[%dma_wait3A_280, %dma_wait3A_281] : memref<8496x256xf32, #tpu.memory_space<hbm>> -> memref<8496x256xf32, #tpu.memory_space<hbm>>
    tpu.wait_indirect_dma semaphore(%arg18 : memref<!tpu.dma_semaphore, #tpu.memory_space<semaphore_mem>>) src(%dma_wait3A_282 : memref<8496x256xf32, #tpu.memory_space<hbm>>) dst(%dma_wait3A_277 : memref<96x256xf32, #tpu.memory_space<vmem>>)
    %dma_wait3A_283 = arith.constant 1 : i32
    %dma_wait3A_284 = arith.constant 0 : i32
    %dma_wait3A_285 = arith.constant 0 : i32
    %dma_wait3A_286 = tpu.memref_slice %arg17[%dma_wait3A_283, %dma_wait3A_284, %dma_wait3A_285] : memref<2x112x256xf32, #tpu.memory_space<vmem>> -> memref<1x112x256xf32, #tpu.memory_space<vmem>>
    %dma_wait3A_287 = tpu.memref_squeeze %dma_wait3A_286 : memref<1x112x256xf32, #tpu.memory_space<vmem>> -> memref<112x256xf32, #tpu.memory_space<vmem>>
    %dma_wait3A_288 = arith.constant 0 : i32
    %dma_wait3A_289 = arith.constant 0 : i32
    %dma_wait3A_290 = tpu.memref_slice %dma_wait3A_287[%dma_wait3A_288, %dma_wait3A_289] : memref<112x256xf32, #tpu.memory_space<vmem>> -> memref<96x256xf32, #tpu.memory_space<vmem>>
    %dma_wait3A_291 = arith.constant 0 : i32
    %dma_wait3A_292 = tpu.memref_slice %arg8[%add3A_250, %dma_wait3A_291] : memref<18432x256xf32, #tpu.memory_space<hbm>> -> memref<96x256xf32, #tpu.memory_space<hbm>>
    %dma_wait3A_293 = arith.constant 0 : i32
    %dma_wait3A_294 = tpu.memref_slice %arg8[%add3A_250, %dma_wait3A_293] : memref<18432x256xf32, #tpu.memory_space<hbm>> -> memref<96x256xf32, #tpu.memory_space<hbm>>
    %dma_wait3A_295 = arith.constant 0 : i32
    %dma_wait3A_296 = arith.constant 0 : i32
    %dma_wait3A_297 = tpu.memref_slice %arg17[%dma_wait3A_283, %dma_wait3A_295, %dma_wait3A_296] : memref<2x112x256xf32, #tpu.memory_space<vmem>> -> memref<1x112x256xf32, #tpu.memory_space<vmem>>
    %dma_wait3A_298 = tpu.memref_squeeze %dma_wait3A_297 : memref<1x112x256xf32, #tpu.memory_space<vmem>> -> memref<112x256xf32, #tpu.memory_space<vmem>>
    %dma_wait3A_299 = arith.constant 0 : i32
    %dma_wait3A_300 = arith.constant 0 : i32
    %dma_wait3A_301 = tpu.memref_slice %dma_wait3A_298[%dma_wait3A_299, %dma_wait3A_300] : memref<112x256xf32, #tpu.memory_space<vmem>> -> memref<96x256xf32, #tpu.memory_space<vmem>>
    tpu.wait_dma2 semaphore(%arg19 : memref<!tpu.dma_semaphore, #tpu.memory_space<semaphore_mem>>) src(%dma_wait3A_301 : memref<96x256xf32, #tpu.memory_space<vmem>>) dst(%dma_wait3A_294 : memref<96x256xf32, #tpu.memory_space<hbm>>)
    %dma_start3A_302 = arith.constant 1 : i32
    %dma_start3A_303 = arith.constant 0 : i32
    %dma_start3A_304 = arith.constant 0 : i32
    %dma_start3A_305 = tpu.memref_slice %arg17[%dma_start3A_302, %dma_start3A_303, %dma_start3A_304] : memref<2x112x256xf32, #tpu.memory_space<vmem>> -> memref<1x112x256xf32, #tpu.memory_space<vmem>>
    %dma_start3A_306 = tpu.memref_squeeze %dma_start3A_305 : memref<1x112x256xf32, #tpu.memory_space<vmem>> -> memref<112x256xf32, #tpu.memory_space<vmem>>
    %dma_start3A_307 = arith.constant 0 : i32
    %dma_start3A_308 = arith.constant 0 : i32
    %dma_start3A_309 = tpu.memref_slice %dma_start3A_306[%dma_start3A_307, %dma_start3A_308] : memref<112x256xf32, #tpu.memory_space<vmem>> -> memref<96x256xf32, #tpu.memory_space<vmem>>
    %dma_start3A_310 = arith.constant 480 : i32
    %dma_start3A_311 = tpu.memref_slice %arg12[%dma_start3A_310] : memref<576xi32, #tpu.memory_space<vmem>> -> memref<96xi32, #tpu.memory_space<vmem>>
    %dma_start3A_312 = arith.constant 0 : i32
    %dma_start3A_313 = arith.constant 0 : i32
    %dma_start3A_314 = tpu.memref_slice %arg2[%dma_start3A_312, %dma_start3A_313] : memref<8496x256xf32, #tpu.memory_space<hbm>> -> memref<8496x256xf32, #tpu.memory_space<hbm>>
    tpu.enqueue_indirect_dma source(%dma_start3A_314 : memref<8496x256xf32, #tpu.memory_space<hbm>>) target(%dma_start3A_309 : memref<96x256xf32, #tpu.memory_space<vmem>>) offsets(%dma_start3A_311 : memref<96xi32, #tpu.memory_space<vmem>>) semaphore(%arg18 : memref<!tpu.dma_semaphore, #tpu.memory_space<semaphore_mem>>)
    %add3A_315 = arith.constant 384 : i32
    %add3A_316 = arith.addi %mul3A_13, %add3A_315 : i32
    %dma_start3A_317 = arith.constant 0 : i32
    %dma_start3A_318 = arith.constant 0 : i32
    %dma_start3A_319 = arith.constant 0 : i32
    %dma_start3A_320 = tpu.memref_slice %arg17[%dma_start3A_317, %dma_start3A_318, %dma_start3A_319] : memref<2x112x256xf32, #tpu.memory_space<vmem>> -> memref<1x112x256xf32, #tpu.memory_space<vmem>>
    %dma_start3A_321 = tpu.memref_squeeze %dma_start3A_320 : memref<1x112x256xf32, #tpu.memory_space<vmem>> -> memref<112x256xf32, #tpu.memory_space<vmem>>
    %dma_start3A_322 = arith.constant 0 : i32
    %dma_start3A_323 = arith.constant 0 : i32
    %dma_start3A_324 = tpu.memref_slice %dma_start3A_321[%dma_start3A_322, %dma_start3A_323] : memref<112x256xf32, #tpu.memory_space<vmem>> -> memref<96x256xf32, #tpu.memory_space<vmem>>
    %dma_start3A_325 = arith.constant 0 : i32
    %dma_start3A_326 = tpu.memref_slice %arg8[%add3A_316, %dma_start3A_325] : memref<18432x256xf32, #tpu.memory_space<hbm>> -> memref<96x256xf32, #tpu.memory_space<hbm>>
    %dma_start3A_327 = arith.constant 0 : i32
    %dma_start3A_328 = tpu.memref_slice %arg8[%add3A_316, %dma_start3A_327] : memref<18432x256xf32, #tpu.memory_space<hbm>> -> memref<96x256xf32, #tpu.memory_space<hbm>>
    %dma_start3A_329 = arith.constant 0 : i32
    %dma_start3A_330 = arith.constant 0 : i32
    %dma_start3A_331 = tpu.memref_slice %arg17[%dma_start3A_317, %dma_start3A_329, %dma_start3A_330] : memref<2x112x256xf32, #tpu.memory_space<vmem>> -> memref<1x112x256xf32, #tpu.memory_space<vmem>>
    %dma_start3A_332 = tpu.memref_squeeze %dma_start3A_331 : memref<1x112x256xf32, #tpu.memory_space<vmem>> -> memref<112x256xf32, #tpu.memory_space<vmem>>
    %dma_start3A_333 = arith.constant 0 : i32
    %dma_start3A_334 = arith.constant 0 : i32
    %dma_start3A_335 = tpu.memref_slice %dma_start3A_332[%dma_start3A_333, %dma_start3A_334] : memref<112x256xf32, #tpu.memory_space<vmem>> -> memref<96x256xf32, #tpu.memory_space<vmem>>
    tpu.enqueue_dma source(%dma_start3A_335 : memref<96x256xf32, #tpu.memory_space<vmem>>) target(%dma_start3A_328 : memref<96x256xf32, #tpu.memory_space<hbm>>) target_semaphore(%arg19 : memref<!tpu.dma_semaphore, #tpu.memory_space<semaphore_mem>>)
    %dma_wait3A_336 = arith.constant 1 : i32
    %dma_wait3A_337 = arith.constant 0 : i32
    %dma_wait3A_338 = arith.constant 0 : i32
    %dma_wait3A_339 = tpu.memref_slice %arg17[%dma_wait3A_336, %dma_wait3A_337, %dma_wait3A_338] : memref<2x112x256xf32, #tpu.memory_space<vmem>> -> memref<1x112x256xf32, #tpu.memory_space<vmem>>
    %dma_wait3A_340 = tpu.memref_squeeze %dma_wait3A_339 : memref<1x112x256xf32, #tpu.memory_space<vmem>> -> memref<112x256xf32, #tpu.memory_space<vmem>>
    %dma_wait3A_341 = arith.constant 0 : i32
    %dma_wait3A_342 = arith.constant 0 : i32
    %dma_wait3A_343 = tpu.memref_slice %dma_wait3A_340[%dma_wait3A_341, %dma_wait3A_342] : memref<112x256xf32, #tpu.memory_space<vmem>> -> memref<96x256xf32, #tpu.memory_space<vmem>>
    %dma_wait3A_344 = arith.constant 480 : i32
    %dma_wait3A_345 = tpu.memref_slice %arg12[%dma_wait3A_344] : memref<576xi32, #tpu.memory_space<vmem>> -> memref<96xi32, #tpu.memory_space<vmem>>
    %dma_wait3A_346 = arith.constant 0 : i32
    %dma_wait3A_347 = arith.constant 0 : i32
    %dma_wait3A_348 = tpu.memref_slice %arg2[%dma_wait3A_346, %dma_wait3A_347] : memref<8496x256xf32, #tpu.memory_space<hbm>> -> memref<8496x256xf32, #tpu.memory_space<hbm>>
    tpu.wait_indirect_dma semaphore(%arg18 : memref<!tpu.dma_semaphore, #tpu.memory_space<semaphore_mem>>) src(%dma_wait3A_348 : memref<8496x256xf32, #tpu.memory_space<hbm>>) dst(%dma_wait3A_343 : memref<96x256xf32, #tpu.memory_space<vmem>>)
    %add3A_349 = arith.constant 480 : i32
    %add3A_350 = arith.addi %mul3A_13, %add3A_349 : i32
    %dma_start3A_351 = arith.constant 1 : i32
    %dma_start3A_352 = arith.constant 0 : i32
    %dma_start3A_353 = arith.constant 0 : i32
    %dma_start3A_354 = tpu.memref_slice %arg17[%dma_start3A_351, %dma_start3A_352, %dma_start3A_353] : memref<2x112x256xf32, #tpu.memory_space<vmem>> -> memref<1x112x256xf32, #tpu.memory_space<vmem>>
    %dma_start3A_355 = tpu.memref_squeeze %dma_start3A_354 : memref<1x112x256xf32, #tpu.memory_space<vmem>> -> memref<112x256xf32, #tpu.memory_space<vmem>>
    %dma_start3A_356 = arith.constant 0 : i32
    %dma_start3A_357 = arith.constant 0 : i32
    %dma_start3A_358 = tpu.memref_slice %dma_start3A_355[%dma_start3A_356, %dma_start3A_357] : memref<112x256xf32, #tpu.memory_space<vmem>> -> memref<96x256xf32, #tpu.memory_space<vmem>>
    %dma_start3A_359 = arith.constant 0 : i32
    %dma_start3A_360 = tpu.memref_slice %arg8[%add3A_350, %dma_start3A_359] : memref<18432x256xf32, #tpu.memory_space<hbm>> -> memref<96x256xf32, #tpu.memory_space<hbm>>
    %dma_start3A_361 = arith.constant 0 : i32
    %dma_start3A_362 = tpu.memref_slice %arg8[%add3A_350, %dma_start3A_361] : memref<18432x256xf32, #tpu.memory_space<hbm>> -> memref<96x256xf32, #tpu.memory_space<hbm>>
    %dma_start3A_363 = arith.constant 0 : i32
    %dma_start3A_364 = arith.constant 0 : i32
    %dma_start3A_365 = tpu.memref_slice %arg17[%dma_start3A_351, %dma_start3A_363, %dma_start3A_364] : memref<2x112x256xf32, #tpu.memory_space<vmem>> -> memref<1x112x256xf32, #tpu.memory_space<vmem>>
    %dma_start3A_366 = tpu.memref_squeeze %dma_start3A_365 : memref<1x112x256xf32, #tpu.memory_space<vmem>> -> memref<112x256xf32, #tpu.memory_space<vmem>>
    %dma_start3A_367 = arith.constant 0 : i32
    %dma_start3A_368 = arith.constant 0 : i32
    %dma_start3A_369 = tpu.memref_slice %dma_start3A_366[%dma_start3A_367, %dma_start3A_368] : memref<112x256xf32, #tpu.memory_space<vmem>> -> memref<96x256xf32, #tpu.memory_space<vmem>>
    tpu.enqueue_dma source(%dma_start3A_369 : memref<96x256xf32, #tpu.memory_space<vmem>>) target(%dma_start3A_362 : memref<96x256xf32, #tpu.memory_space<hbm>>) target_semaphore(%arg19 : memref<!tpu.dma_semaphore, #tpu.memory_space<semaphore_mem>>)
    %dma_wait3A_370 = arith.constant 0 : i32
    %dma_wait3A_371 = arith.constant 0 : i32
    %dma_wait3A_372 = arith.constant 0 : i32
    %dma_wait3A_373 = tpu.memref_slice %arg17[%dma_wait3A_370, %dma_wait3A_371, %dma_wait3A_372] : memref<2x112x256xf32, #tpu.memory_space<vmem>> -> memref<1x112x256xf32, #tpu.memory_space<vmem>>
    %dma_wait3A_374 = tpu.memref_squeeze %dma_wait3A_373 : memref<1x112x256xf32, #tpu.memory_space<vmem>> -> memref<112x256xf32, #tpu.memory_space<vmem>>
    %dma_wait3A_375 = arith.constant 0 : i32
    %dma_wait3A_376 = arith.constant 0 : i32
    %dma_wait3A_377 = tpu.memref_slice %dma_wait3A_374[%dma_wait3A_375, %dma_wait3A_376] : memref<112x256xf32, #tpu.memory_space<vmem>> -> memref<96x256xf32, #tpu.memory_space<vmem>>
    %dma_wait3A_378 = arith.constant 0 : i32
    %dma_wait3A_379 = tpu.memref_slice %arg8[%add3A_316, %dma_wait3A_378] : memref<18432x256xf32, #tpu.memory_space<hbm>> -> memref<96x256xf32, #tpu.memory_space<hbm>>
    %dma_wait3A_380 = arith.constant 0 : i32
    %dma_wait3A_381 = tpu.memref_slice %arg8[%add3A_316, %dma_wait3A_380] : memref<18432x256xf32, #tpu.memory_space<hbm>> -> memref<96x256xf32, #tpu.memory_space<hbm>>
    %dma_wait3A_382 = arith.constant 0 : i32
    %dma_wait3A_383 = arith.constant 0 : i32
    %dma_wait3A_384 = tpu.memref_slice %arg17[%dma_wait3A_370, %dma_wait3A_382, %dma_wait3A_383] : memref<2x112x256xf32, #tpu.memory_space<vmem>> -> memref<1x112x256xf32, #tpu.memory_space<vmem>>
    %dma_wait3A_385 = tpu.memref_squeeze %dma_wait3A_384 : memref<1x112x256xf32, #tpu.memory_space<vmem>> -> memref<112x256xf32, #tpu.memory_space<vmem>>
    %dma_wait3A_386 = arith.constant 0 : i32
    %dma_wait3A_387 = arith.constant 0 : i32
    %dma_wait3A_388 = tpu.memref_slice %dma_wait3A_385[%dma_wait3A_386, %dma_wait3A_387] : memref<112x256xf32, #tpu.memory_space<vmem>> -> memref<96x256xf32, #tpu.memory_space<vmem>>
    tpu.wait_dma2 semaphore(%arg19 : memref<!tpu.dma_semaphore, #tpu.memory_space<semaphore_mem>>) src(%dma_wait3A_388 : memref<96x256xf32, #tpu.memory_space<vmem>>) dst(%dma_wait3A_381 : memref<96x256xf32, #tpu.memory_space<hbm>>)
    %dma_wait3A_389 = arith.constant 1 : i32
    %dma_wait3A_390 = arith.constant 0 : i32
    %dma_wait3A_391 = arith.constant 0 : i32
    %dma_wait3A_392 = tpu.memref_slice %arg17[%dma_wait3A_389, %dma_wait3A_390, %dma_wait3A_391] : memref<2x112x256xf32, #tpu.memory_space<vmem>> -> memref<1x112x256xf32, #tpu.memory_space<vmem>>
    %dma_wait3A_393 = tpu.memref_squeeze %dma_wait3A_392 : memref<1x112x256xf32, #tpu.memory_space<vmem>> -> memref<112x256xf32, #tpu.memory_space<vmem>>
    %dma_wait3A_394 = arith.constant 0 : i32
    %dma_wait3A_395 = arith.constant 0 : i32
    %dma_wait3A_396 = tpu.memref_slice %dma_wait3A_393[%dma_wait3A_394, %dma_wait3A_395] : memref<112x256xf32, #tpu.memory_space<vmem>> -> memref<96x256xf32, #tpu.memory_space<vmem>>
    %dma_wait3A_397 = arith.constant 0 : i32
    %dma_wait3A_398 = tpu.memref_slice %arg8[%add3A_350, %dma_wait3A_397] : memref<18432x256xf32, #tpu.memory_space<hbm>> -> memref<96x256xf32, #tpu.memory_space<hbm>>
    %dma_wait3A_399 = arith.constant 0 : i32
    %dma_wait3A_400 = tpu.memref_slice %arg8[%add3A_350, %dma_wait3A_399] : memref<18432x256xf32, #tpu.memory_space<hbm>> -> memref<96x256xf32, #tpu.memory_space<hbm>>
    %dma_wait3A_401 = arith.constant 0 : i32
    %dma_wait3A_402 = arith.constant 0 : i32
    %dma_wait3A_403 = tpu.memref_slice %arg17[%dma_wait3A_389, %dma_wait3A_401, %dma_wait3A_402] : memref<2x112x256xf32, #tpu.memory_space<vmem>> -> memref<1x112x256xf32, #tpu.memory_space<vmem>>
    %dma_wait3A_404 = tpu.memref_squeeze %dma_wait3A_403 : memref<1x112x256xf32, #tpu.memory_space<vmem>> -> memref<112x256xf32, #tpu.memory_space<vmem>>
    %dma_wait3A_405 = arith.constant 0 : i32
    %dma_wait3A_406 = arith.constant 0 : i32
    %dma_wait3A_407 = tpu.memref_slice %dma_wait3A_404[%dma_wait3A_405, %dma_wait3A_406] : memref<112x256xf32, #tpu.memory_space<vmem>> -> memref<96x256xf32, #tpu.memory_space<vmem>>
    tpu.wait_dma2 semaphore(%arg19 : memref<!tpu.dma_semaphore, #tpu.memory_space<semaphore_mem>>) src(%dma_wait3A_407 : memref<96x256xf32, #tpu.memory_space<vmem>>) dst(%dma_wait3A_400 : memref<96x256xf32, #tpu.memory_space<hbm>>)
    %jit3A = arith.constant 2 : i32
    %div3A = arith.divsi %add3A, %jit3A : i32
    %sign3A = arith.constant 0 : i32
    %sign3A_408 = arith.cmpi sgt, %add3A, %sign3A : i32
    %sign3A_409 = arith.extui %sign3A_408 : i1 to i32
    %sign3A_410 = arith.constant 0 : i32
    %sign3A_411 = arith.cmpi slt, %add3A, %sign3A_410 : i32
    %sign3A_412 = arith.extui %sign3A_411 : i1 to i32
    %sign3A_413 = arith.subi %sign3A_409, %sign3A_412 : i32
    %sign3A_414 = arith.constant 0 : i32
    %sign3A_415 = arith.cmpi sgt, %jit3A, %sign3A_414 : i32
    %sign3A_416 = arith.extui %sign3A_415 : i1 to i32
    %sign3A_417 = arith.constant 0 : i32
    %sign3A_418 = arith.cmpi slt, %jit3A, %sign3A_417 : i32
    %sign3A_419 = arith.extui %sign3A_418 : i1 to i32
    %sign3A_420 = arith.subi %sign3A_416, %sign3A_419 : i32
    %ne3A = arith.cmpi ne, %sign3A_413, %sign3A_420 : i32
    %rem3A = arith.remsi %add3A, %jit3A : i32
    %ne3A_421 = arith.constant 0 : i32
    %ne3A_422 = arith.cmpi ne, %rem3A, %ne3A_421 : i32
    %and3A = arith.andi %ne3A, %ne3A_422 : i1
    %sub3A = arith.constant 1 : i32
    %sub3A_423 = arith.subi %div3A, %sub3A : i32
    %select_n3A = arith.select %and3A, %sub3A_423, %div3A : i32
    %mul3A_424 = arith.constant 2 : i32
    %mul3A_425 = arith.muli %mul3A_424, %select_n3A : i32
    %sub3A_426 = arith.subi %add3A, %mul3A_425 : i32
    %eq3A = arith.constant 0 : i32
    %eq3A_427 = arith.cmpi eq, %sub3A_426, %eq3A : i32
    %convert_element_type3A = arith.extui %eq3A_427 : i1 to i32
    %cond3A = arith.constant 0 : i32
    %cond3A_428 = arith.cmpi ne, %convert_element_type3A, %cond3A : i32
    scf.if %cond3A_428 {
      "tpu.region"() ({
        %run_scoped3A = tpu.sem_alloc : memref<!tpu.dma_semaphore, #tpu.memory_space<semaphore_mem>>
        %dma_start3A_548 = arith.constant 0 : i32
        %dma_start3A_549 = tpu.memref_slice %arg13[%dma_start3A_548] : memref<4096xi32, #tpu.memory_space<vmem>> -> memref<3136xi32, #tpu.memory_space<vmem>>
        %dma_start3A_550 = arith.constant 0 : i32
        %dma_start3A_551 = tpu.memref_slice %arg13[%dma_start3A_550] : memref<4096xi32, #tpu.memory_space<vmem>> -> memref<3136xi32, #tpu.memory_space<vmem>>
        tpu.enqueue_dma source(%arg4 : memref<3136xi32, #tpu.memory_space<hbm>>) target(%dma_start3A_551 : memref<3136xi32, #tpu.memory_space<vmem>>) target_semaphore(%run_scoped3A : memref<!tpu.dma_semaphore, #tpu.memory_space<semaphore_mem>>)
        %dma_wait3A_552 = arith.constant 0 : i32
        %dma_wait3A_553 = tpu.memref_slice %arg13[%dma_wait3A_552] : memref<4096xi32, #tpu.memory_space<vmem>> -> memref<3136xi32, #tpu.memory_space<vmem>>
        %dma_wait3A_554 = arith.constant 0 : i32
        %dma_wait3A_555 = tpu.memref_slice %arg13[%dma_wait3A_554] : memref<4096xi32, #tpu.memory_space<vmem>> -> memref<3136xi32, #tpu.memory_space<vmem>>
        tpu.wait_dma2 semaphore(%run_scoped3A : memref<!tpu.dma_semaphore, #tpu.memory_space<semaphore_mem>>) src(%arg4 : memref<3136xi32, #tpu.memory_space<hbm>>) dst(%dma_wait3A_555 : memref<3136xi32, #tpu.memory_space<vmem>>)
        tpu.yield
      }) : () -> ()
      "tpu.region"() ({
        %run_scoped3A = tpu.sem_alloc : memref<!tpu.dma_semaphore, #tpu.memory_space<semaphore_mem>>
        %dma_start3A_548 = arith.constant 0 : i32
        %dma_start3A_549 = tpu.memref_slice %arg14[%dma_start3A_548] : memref<1040xi32, #tpu.memory_space<vmem>> -> memref<800xi32, #tpu.memory_space<vmem>>
        %dma_start3A_550 = arith.constant 0 : i32
        %dma_start3A_551 = tpu.memref_slice %arg14[%dma_start3A_550] : memref<1040xi32, #tpu.memory_space<vmem>> -> memref<800xi32, #tpu.memory_space<vmem>>
        tpu.enqueue_dma source(%arg6 : memref<800xi32, #tpu.memory_space<hbm>>) target(%dma_start3A_551 : memref<800xi32, #tpu.memory_space<vmem>>) target_semaphore(%run_scoped3A : memref<!tpu.dma_semaphore, #tpu.memory_space<semaphore_mem>>)
        %dma_wait3A_552 = arith.constant 0 : i32
        %dma_wait3A_553 = tpu.memref_slice %arg14[%dma_wait3A_552] : memref<1040xi32, #tpu.memory_space<vmem>> -> memref<800xi32, #tpu.memory_space<vmem>>
        %dma_wait3A_554 = arith.constant 0 : i32
        %dma_wait3A_555 = tpu.memref_slice %arg14[%dma_wait3A_554] : memref<1040xi32, #tpu.memory_space<vmem>> -> memref<800xi32, #tpu.memory_space<vmem>>
        tpu.wait_dma2 semaphore(%run_scoped3A : memref<!tpu.dma_semaphore, #tpu.memory_space<semaphore_mem>>) src(%arg6 : memref<800xi32, #tpu.memory_space<hbm>>) dst(%dma_wait3A_555 : memref<800xi32, #tpu.memory_space<vmem>>)
        tpu.yield
      }) : () -> ()
      %mul3A_434 = arith.constant 196 : i32
      %mul3A_435 = arith.muli %select_n3A, %mul3A_434 : i32
      %mul3A_436 = arith.constant 50 : i32
      %mul3A_437 = arith.muli %select_n3A, %mul3A_436 : i32
      %scan3A_438 = arith.constant 0 : i32
      %scan3A_439 = arith.constant 0 : i32
      %scan3A_440 = arith.constant 13 : i32
      %scan3A_441 = arith.addi %scan3A_439, %scan3A_440 : i32
      %scan3A_442 = arith.constant 1 : i32
      scf.for %scan3A_548 = %scan3A_439 to %scan3A_441 step %scan3A_442  : i32 {
        %mul3A_549 = arith.constant 16 : i32
        %mul3A_550 = arith.muli %scan3A_548, %mul3A_549 : i32
        %iota3A = tpu.iota {dimensions = array<i32: 0>} : vector<16xi32>
        %add3A_551 = vector.broadcast %mul3A_550 : i32 to vector<16xi32>
        %add3A_552 = arith.addi %add3A_551, %iota3A : vector<16xi32>
        %sub3A_553 = arith.constant 1 : i32
        %sub3A_554 = vector.broadcast %sub3A_553 : i32 to vector<16xi32>
        %sub3A_555 = arith.subi %add3A_552, %sub3A_554 : vector<16xi32>
        %jit3A_556 = arith.constant 0 : i32
        %jit3A_557 = arith.constant 195 : i32
        %max3A = vector.broadcast %jit3A_556 : i32 to vector<16xi32>
        %max3A_558 = arith.maxsi %max3A, %sub3A_555 : vector<16xi32>
        %min3A = vector.broadcast %jit3A_557 : i32 to vector<16xi32>
        %min3A_559 = arith.minsi %min3A, %max3A_558 : vector<16xi32>
        %add3A_560 = vector.broadcast %mul3A_435 : i32 to vector<16xi32>
        %add3A_561 = arith.addi %add3A_560, %min3A_559 : vector<16xi32>
        %gather3A = tpu.vector_load_idx %arg13[%add3A_561] : memref<4096xi32, #tpu.memory_space<vmem>>[vector<16xi32>], vector<16xi32>,
        %eq3A_562 = arith.constant 0 : i32
        %eq3A_563 = vector.broadcast %eq3A_562 : i32 to vector<16xi32>
        %eq3A_564 = arith.cmpi eq, %add3A_552, %eq3A_563 : vector<16xi32>
        %add3A_565 = arith.constant 1 : i32
        %add3A_566 = vector.broadcast %add3A_565 : i32 to vector<16xi32>
        %add3A_567 = arith.addi %add3A_566, %gather3A : vector<16xi32>
        %jit3A_568 = arith.constant 0 : i32
        %broadcast_in_dim3A = vector.broadcast %jit3A_568 : i32 to vector<16xi32>
        %select_n3A_569 = arith.select %eq3A_564, %broadcast_in_dim3A, %add3A_567 : vector<16xi1>, vector<16xi32>
        %min3A_570 = arith.constant 49 : i32
        %min3A_571 = vector.broadcast %min3A_570 : i32 to vector<16xi32>
        %min3A_572 = arith.minsi %select_n3A_569, %min3A_571 : vector<16xi32>
        %add3A_573 = vector.broadcast %mul3A_437 : i32 to vector<16xi32>
        %add3A_574 = arith.addi %add3A_573, %min3A_572 : vector<16xi32>
        %gather3A_575 = tpu.vector_load_idx %arg14[%add3A_574] : memref<1040xi32, #tpu.memory_space<vmem>>[vector<16xi32>], vector<16xi32>,
        %le3A = arith.constant 49 : i32
        %le3A_576 = vector.broadcast %le3A : i32 to vector<16xi32>
        %le3A_577 = arith.cmpi sle, %select_n3A_569, %le3A_576 : vector<16xi32>
        %eq3A_578 = arith.constant 1 : i32
        %eq3A_579 = vector.broadcast %eq3A_578 : i32 to vector<16xi32>
        %eq3A_580 = arith.cmpi eq, %gather3A_575, %eq3A_579 : vector<16xi32>
        %and3A_581 = arith.andi %le3A_577, %eq3A_580 : vector<16xi1>
        %mul3A_582 = arith.constant 271 : i32
        %mul3A_583 = arith.muli %select_n3A, %mul3A_582 : i32
        %mul3A_584 = arith.constant 3 : i32
        %mul3A_585 = vector.broadcast %mul3A_584 : i32 to vector<16xi32>
        %mul3A_586 = arith.muli %add3A_552, %mul3A_585 : vector<16xi32>
        %add3A_587 = vector.broadcast %mul3A_583 : i32 to vector<16xi32>
        %add3A_588 = arith.addi %add3A_587, %mul3A_586 : vector<16xi32>
        %and3A_589 = arith.constant 511 : i32
        %and3A_590 = vector.broadcast %and3A_589 : i32 to vector<16xi32>
        %and3A_591 = arith.andi %add3A_588, %and3A_590 : vector<16xi32>
        %add3A_592 = arith.constant 7984 : i32
        %add3A_593 = vector.broadcast %add3A_592 : i32 to vector<16xi32>
        %add3A_594 = arith.addi %add3A_593, %and3A_591 : vector<16xi32>
        %mul3A_595 = arith.constant 50 : i32
        %mul3A_596 = arith.muli %select_n3A, %mul3A_595 : i32
        %add3A_597 = arith.constant 6144 : i32
        %add3A_598 = arith.addi %add3A_597, %mul3A_596 : i32
        %add3A_599 = vector.broadcast %add3A_598 : i32 to vector<16xi32>
        %add3A_600 = arith.addi %add3A_599, %select_n3A_569 : vector<16xi32>
        %select_n3A_601 = arith.select %and3A_581, %add3A_600, %add3A_594 : vector<16xi1>, vector<16xi32>
        %mul3A_602 = arith.constant 16 : i32
        %mul3A_603 = arith.muli %scan3A_548, %mul3A_602 : i32
        %swap3A = arith.index_cast %mul3A_603 : i32 to index
        %swap3A_604 = tpu.vector_load %arg15[%swap3A] {strides = array<i32>} : memref<272xi32, #tpu.memory_space<vmem>>, vector<16xi32>,
        tpu.vector_store %arg15[%swap3A], %select_n3A_601 {strides = array<i32>} : memref<272xi32, #tpu.memory_space<vmem>>, vector<16xi32>,
        %mul3A_605 = arith.constant 197 : i32
        %mul3A_606 = arith.muli %select_n3A, %mul3A_605 : i32
        %min3A_607 = arith.constant 196 : i32
        %min3A_608 = vector.broadcast %min3A_607 : i32 to vector<16xi32>
        %min3A_609 = arith.minsi %add3A_552, %min3A_608 : vector<16xi32>
        %add3A_610 = vector.broadcast %mul3A_606 : i32 to vector<16xi32>
        %add3A_611 = arith.addi %add3A_610, %min3A_609 : vector<16xi32>
        %mul3A_612 = arith.constant 16 : i32
        %mul3A_613 = arith.muli %scan3A_548, %mul3A_612 : i32
        %swap3A_614 = arith.index_cast %mul3A_613 : i32 to index
        %swap3A_615 = tpu.vector_load %arg16[%swap3A_614] {strides = array<i32>} : memref<272xi32, #tpu.memory_space<vmem>>, vector<16xi32>,
        tpu.vector_store %arg16[%swap3A_614], %add3A_611 {strides = array<i32>} : memref<272xi32, #tpu.memory_space<vmem>>, vector<16xi32>,
      }
      %scan3A_443 = arith.constant 13 : i32
      %dma_start3A_444 = arith.constant 0 : i32
      %dma_start3A_445 = arith.constant 0 : i32
      %dma_start3A_446 = arith.constant 0 : i32
      %dma_start3A_447 = tpu.memref_slice %arg17[%dma_start3A_444, %dma_start3A_445, %dma_start3A_446] : memref<2x112x256xf32, #tpu.memory_space<vmem>> -> memref<1x112x256xf32, #tpu.memory_space<vmem>>
      %dma_start3A_448 = tpu.memref_squeeze %dma_start3A_447 : memref<1x112x256xf32, #tpu.memory_space<vmem>> -> memref<112x256xf32, #tpu.memory_space<vmem>>
      %dma_start3A_449 = arith.constant 0 : i32
      %dma_start3A_450 = arith.constant 0 : i32
      %dma_start3A_451 = tpu.memref_slice %dma_start3A_448[%dma_start3A_449, %dma_start3A_450] : memref<112x256xf32, #tpu.memory_space<vmem>> -> memref<112x256xf32, #tpu.memory_space<vmem>>
      %dma_start3A_452 = arith.constant 0 : i32
      %dma_start3A_453 = tpu.memref_slice %arg15[%dma_start3A_452] : memref<272xi32, #tpu.memory_space<vmem>> -> memref<112xi32, #tpu.memory_space<vmem>>
      %dma_start3A_454 = arith.constant 0 : i32
      %dma_start3A_455 = arith.constant 0 : i32
      %dma_start3A_456 = tpu.memref_slice %arg2[%dma_start3A_454, %dma_start3A_455] : memref<8496x256xf32, #tpu.memory_space<hbm>> -> memref<8496x256xf32, #tpu.memory_space<hbm>>
      tpu.enqueue_indirect_dma source(%dma_start3A_456 : memref<8496x256xf32, #tpu.memory_space<hbm>>) target(%dma_start3A_451 : memref<112x256xf32, #tpu.memory_space<vmem>>) offsets(%dma_start3A_453 : memref<112xi32, #tpu.memory_space<vmem>>) semaphore(%arg18 : memref<!tpu.dma_semaphore, #tpu.memory_space<semaphore_mem>>)
      %dma_wait3A_457 = arith.constant 0 : i32
      %dma_wait3A_458 = arith.constant 0 : i32
      %dma_wait3A_459 = arith.constant 0 : i32
      %dma_wait3A_460 = tpu.memref_slice %arg17[%dma_wait3A_457, %dma_wait3A_458, %dma_wait3A_459] : memref<2x112x256xf32, #tpu.memory_space<vmem>> -> memref<1x112x256xf32, #tpu.memory_space<vmem>>
      %dma_wait3A_461 = tpu.memref_squeeze %dma_wait3A_460 : memref<1x112x256xf32, #tpu.memory_space<vmem>> -> memref<112x256xf32, #tpu.memory_space<vmem>>
      %dma_wait3A_462 = arith.constant 0 : i32
      %dma_wait3A_463 = arith.constant 0 : i32
      %dma_wait3A_464 = tpu.memref_slice %dma_wait3A_461[%dma_wait3A_462, %dma_wait3A_463] : memref<112x256xf32, #tpu.memory_space<vmem>> -> memref<112x256xf32, #tpu.memory_space<vmem>>
      %dma_wait3A_465 = arith.constant 0 : i32
      %dma_wait3A_466 = tpu.memref_slice %arg15[%dma_wait3A_465] : memref<272xi32, #tpu.memory_space<vmem>> -> memref<112xi32, #tpu.memory_space<vmem>>
      %dma_wait3A_467 = arith.constant 0 : i32
      %dma_wait3A_468 = arith.constant 0 : i32
      %dma_wait3A_469 = tpu.memref_slice %arg2[%dma_wait3A_467, %dma_wait3A_468] : memref<8496x256xf32, #tpu.memory_space<hbm>> -> memref<8496x256xf32, #tpu.memory_space<hbm>>
      tpu.wait_indirect_dma semaphore(%arg18 : memref<!tpu.dma_semaphore, #tpu.memory_space<semaphore_mem>>) src(%dma_wait3A_469 : memref<8496x256xf32, #tpu.memory_space<hbm>>) dst(%dma_wait3A_464 : memref<112x256xf32, #tpu.memory_space<vmem>>)
      %dma_start3A_470 = arith.constant 1 : i32
      %dma_start3A_471 = arith.constant 0 : i32
      %dma_start3A_472 = arith.constant 0 : i32
      %dma_start3A_473 = tpu.memref_slice %arg17[%dma_start3A_470, %dma_start3A_471, %dma_start3A_472] : memref<2x112x256xf32, #tpu.memory_space<vmem>> -> memref<1x112x256xf32, #tpu.memory_space<vmem>>
      %dma_start3A_474 = tpu.memref_squeeze %dma_start3A_473 : memref<1x112x256xf32, #tpu.memory_space<vmem>> -> memref<112x256xf32, #tpu.memory_space<vmem>>
      %dma_start3A_475 = arith.constant 0 : i32
      %dma_start3A_476 = arith.constant 0 : i32
      %dma_start3A_477 = tpu.memref_slice %dma_start3A_474[%dma_start3A_475, %dma_start3A_476] : memref<112x256xf32, #tpu.memory_space<vmem>> -> memref<88x256xf32, #tpu.memory_space<vmem>>
      %dma_start3A_478 = arith.constant 112 : i32
      %dma_start3A_479 = tpu.memref_slice %arg15[%dma_start3A_478] : memref<272xi32, #tpu.memory_space<vmem>> -> memref<88xi32, #tpu.memory_space<vmem>>
      %dma_start3A_480 = arith.constant 0 : i32
      %dma_start3A_481 = arith.constant 0 : i32
      %dma_start3A_482 = tpu.memref_slice %arg2[%dma_start3A_480, %dma_start3A_481] : memref<8496x256xf32, #tpu.memory_space<hbm>> -> memref<8496x256xf32, #tpu.memory_space<hbm>>
      tpu.enqueue_indirect_dma source(%dma_start3A_482 : memref<8496x256xf32, #tpu.memory_space<hbm>>) target(%dma_start3A_477 : memref<88x256xf32, #tpu.memory_space<vmem>>) offsets(%dma_start3A_479 : memref<88xi32, #tpu.memory_space<vmem>>) semaphore(%arg18 : memref<!tpu.dma_semaphore, #tpu.memory_space<semaphore_mem>>)
      %dma_start3A_483 = arith.constant 0 : i32
      %dma_start3A_484 = arith.constant 0 : i32
      %dma_start3A_485 = arith.constant 0 : i32
      %dma_start3A_486 = tpu.memref_slice %arg17[%dma_start3A_483, %dma_start3A_484, %dma_start3A_485] : memref<2x112x256xf32, #tpu.memory_space<vmem>> -> memref<1x112x256xf32, #tpu.memory_space<vmem>>
      %dma_start3A_487 = tpu.memref_squeeze %dma_start3A_486 : memref<1x112x256xf32, #tpu.memory_space<vmem>> -> memref<112x256xf32, #tpu.memory_space<vmem>>
      %dma_start3A_488 = arith.constant 0 : i32
      %dma_start3A_489 = arith.constant 0 : i32
      %dma_start3A_490 = tpu.memref_slice %dma_start3A_487[%dma_start3A_488, %dma_start3A_489] : memref<112x256xf32, #tpu.memory_space<vmem>> -> memref<112x256xf32, #tpu.memory_space<vmem>>
      %dma_start3A_491 = arith.constant 0 : i32
      %dma_start3A_492 = tpu.memref_slice %arg16[%dma_start3A_491] : memref<272xi32, #tpu.memory_space<vmem>> -> memref<112xi32, #tpu.memory_space<vmem>>
      %dma_start3A_493 = arith.constant 0 : i32
      %dma_start3A_494 = arith.constant 0 : i32
      %dma_start3A_495 = tpu.memref_slice %arg9[%dma_start3A_493, %dma_start3A_494] : memref<3152x256xf32, #tpu.memory_space<hbm>> -> memref<3152x256xf32, #tpu.memory_space<hbm>>
      tpu.enqueue_indirect_dma source(%dma_start3A_490 : memref<112x256xf32, #tpu.memory_space<vmem>>) target(%dma_start3A_495 : memref<3152x256xf32, #tpu.memory_space<hbm>>) offsets(%dma_start3A_492 : memref<112xi32, #tpu.memory_space<vmem>>) semaphore(%arg19 : memref<!tpu.dma_semaphore, #tpu.memory_space<semaphore_mem>>)
      %dma_wait3A_496 = arith.constant 1 : i32
      %dma_wait3A_497 = arith.constant 0 : i32
      %dma_wait3A_498 = arith.constant 0 : i32
      %dma_wait3A_499 = tpu.memref_slice %arg17[%dma_wait3A_496, %dma_wait3A_497, %dma_wait3A_498] : memref<2x112x256xf32, #tpu.memory_space<vmem>> -> memref<1x112x256xf32, #tpu.memory_space<vmem>>
      %dma_wait3A_500 = tpu.memref_squeeze %dma_wait3A_499 : memref<1x112x256xf32, #tpu.memory_space<vmem>> -> memref<112x256xf32, #tpu.memory_space<vmem>>
      %dma_wait3A_501 = arith.constant 0 : i32
      %dma_wait3A_502 = arith.constant 0 : i32
      %dma_wait3A_503 = tpu.memref_slice %dma_wait3A_500[%dma_wait3A_501, %dma_wait3A_502] : memref<112x256xf32, #tpu.memory_space<vmem>> -> memref<88x256xf32, #tpu.memory_space<vmem>>
      %dma_wait3A_504 = arith.constant 112 : i32
      %dma_wait3A_505 = tpu.memref_slice %arg15[%dma_wait3A_504] : memref<272xi32, #tpu.memory_space<vmem>> -> memref<88xi32, #tpu.memory_space<vmem>>
      %dma_wait3A_506 = arith.constant 0 : i32
      %dma_wait3A_507 = arith.constant 0 : i32
      %dma_wait3A_508 = tpu.memref_slice %arg2[%dma_wait3A_506, %dma_wait3A_507] : memref<8496x256xf32, #tpu.memory_space<hbm>> -> memref<8496x256xf32, #tpu.memory_space<hbm>>
      tpu.wait_indirect_dma semaphore(%arg18 : memref<!tpu.dma_semaphore, #tpu.memory_space<semaphore_mem>>) src(%dma_wait3A_508 : memref<8496x256xf32, #tpu.memory_space<hbm>>) dst(%dma_wait3A_503 : memref<88x256xf32, #tpu.memory_space<vmem>>)
      %dma_start3A_509 = arith.constant 1 : i32
      %dma_start3A_510 = arith.constant 0 : i32
      %dma_start3A_511 = arith.constant 0 : i32
      %dma_start3A_512 = tpu.memref_slice %arg17[%dma_start3A_509, %dma_start3A_510, %dma_start3A_511] : memref<2x112x256xf32, #tpu.memory_space<vmem>> -> memref<1x112x256xf32, #tpu.memory_space<vmem>>
      %dma_start3A_513 = tpu.memref_squeeze %dma_start3A_512 : memref<1x112x256xf32, #tpu.memory_space<vmem>> -> memref<112x256xf32, #tpu.memory_space<vmem>>
      %dma_start3A_514 = arith.constant 0 : i32
      %dma_start3A_515 = arith.constant 0 : i32
      %dma_start3A_516 = tpu.memref_slice %dma_start3A_513[%dma_start3A_514, %dma_start3A_515] : memref<112x256xf32, #tpu.memory_space<vmem>> -> memref<88x256xf32, #tpu.memory_space<vmem>>
      %dma_start3A_517 = arith.constant 112 : i32
      %dma_start3A_518 = tpu.memref_slice %arg16[%dma_start3A_517] : memref<272xi32, #tpu.memory_space<vmem>> -> memref<88xi32, #tpu.memory_space<vmem>>
      %dma_start3A_519 = arith.constant 0 : i32
      %dma_start3A_520 = arith.constant 0 : i32
      %dma_start3A_521 = tpu.memref_slice %arg9[%dma_start3A_519, %dma_start3A_520] : memref<3152x256xf32, #tpu.memory_space<hbm>> -> memref<3152x256xf32, #tpu.memory_space<hbm>>
      tpu.enqueue_indirect_dma source(%dma_start3A_516 : memref<88x256xf32, #tpu.memory_space<vmem>>) target(%dma_start3A_521 : memref<3152x256xf32, #tpu.memory_space<hbm>>) offsets(%dma_start3A_518 : memref<88xi32, #tpu.memory_space<vmem>>) semaphore(%arg19 : memref<!tpu.dma_semaphore, #tpu.memory_space<semaphore_mem>>)
      %dma_wait3A_522 = arith.constant 0 : i32
      %dma_wait3A_523 = arith.constant 0 : i32
      %dma_wait3A_524 = arith.constant 0 : i32
      %dma_wait3A_525 = tpu.memref_slice %arg17[%dma_wait3A_522, %dma_wait3A_523, %dma_wait3A_524] : memref<2x112x256xf32, #tpu.memory_space<vmem>> -> memref<1x112x256xf32, #tpu.memory_space<vmem>>
      %dma_wait3A_526 = tpu.memref_squeeze %dma_wait3A_525 : memref<1x112x256xf32, #tpu.memory_space<vmem>> -> memref<112x256xf32, #tpu.memory_space<vmem>>
      %dma_wait3A_527 = arith.constant 0 : i32
      %dma_wait3A_528 = arith.constant 0 : i32
      %dma_wait3A_529 = tpu.memref_slice %dma_wait3A_526[%dma_wait3A_527, %dma_wait3A_528] : memref<112x256xf32, #tpu.memory_space<vmem>> -> memref<112x256xf32, #tpu.memory_space<vmem>>
      %dma_wait3A_530 = arith.constant 0 : i32
      %dma_wait3A_531 = tpu.memref_slice %arg16[%dma_wait3A_530] : memref<272xi32, #tpu.memory_space<vmem>> -> memref<112xi32, #tpu.memory_space<vmem>>
      %dma_wait3A_532 = arith.constant 0 : i32
      %dma_wait3A_533 = arith.constant 0 : i32
      %dma_wait3A_534 = tpu.memref_slice %arg9[%dma_wait3A_532, %dma_wait3A_533] : memref<3152x256xf32, #tpu.memory_space<hbm>> -> memref<3152x256xf32, #tpu.memory_space<hbm>>
      tpu.wait_indirect_dma semaphore(%arg19 : memref<!tpu.dma_semaphore, #tpu.memory_space<semaphore_mem>>) src(%dma_wait3A_529 : memref<112x256xf32, #tpu.memory_space<vmem>>) dst(%dma_wait3A_534 : memref<3152x256xf32, #tpu.memory_space<hbm>>)
      %dma_wait3A_535 = arith.constant 1 : i32
      %dma_wait3A_536 = arith.constant 0 : i32
      %dma_wait3A_537 = arith.constant 0 : i32
      %dma_wait3A_538 = tpu.memref_slice %arg17[%dma_wait3A_535, %dma_wait3A_536, %dma_wait3A_537] : memref<2x112x256xf32, #tpu.memory_space<vmem>> -> memref<1x112x256xf32, #tpu.memory_space<vmem>>
      %dma_wait3A_539 = tpu.memref_squeeze %dma_wait3A_538 : memref<1x112x256xf32, #tpu.memory_space<vmem>> -> memref<112x256xf32, #tpu.memory_space<vmem>>
      %dma_wait3A_540 = arith.constant 0 : i32
      %dma_wait3A_541 = arith.constant 0 : i32
      %dma_wait3A_542 = tpu.memref_slice %dma_wait3A_539[%dma_wait3A_540, %dma_wait3A_541] : memref<112x256xf32, #tpu.memory_space<vmem>> -> memref<88x256xf32, #tpu.memory_space<vmem>>
      %dma_wait3A_543 = arith.constant 112 : i32
      %dma_wait3A_544 = tpu.memref_slice %arg16[%dma_wait3A_543] : memref<272xi32, #tpu.memory_space<vmem>> -> memref<88xi32, #tpu.memory_space<vmem>>
      %dma_wait3A_545 = arith.constant 0 : i32
      %dma_wait3A_546 = arith.constant 0 : i32
      %dma_wait3A_547 = tpu.memref_slice %arg9[%dma_wait3A_545, %dma_wait3A_546] : memref<3152x256xf32, #tpu.memory_space<hbm>> -> memref<3152x256xf32, #tpu.memory_space<hbm>>
      tpu.wait_indirect_dma semaphore(%arg19 : memref<!tpu.dma_semaphore, #tpu.memory_space<semaphore_mem>>) src(%dma_wait3A_542 : memref<88x256xf32, #tpu.memory_space<vmem>>) dst(%dma_wait3A_547 : memref<3152x256xf32, #tpu.memory_space<hbm>>)
    } else {
    }
    %eq3A_429 = arith.constant 1 : i32
    %eq3A_430 = arith.cmpi eq, %sub3A_426, %eq3A_429 : i32
    %convert_element_type3A_431 = arith.extui %eq3A_430 : i1 to i32
    %cond3A_432 = arith.constant 0 : i32
    %cond3A_433 = arith.cmpi ne, %convert_element_type3A_431, %cond3A_432 : i32
    scf.if %cond3A_433 {
      "tpu.region"() ({
        %run_scoped3A = tpu.sem_alloc : memref<!tpu.dma_semaphore, #tpu.memory_space<semaphore_mem>>
        tpu.enqueue_dma source(%arg5 : memref<4096xi32, #tpu.memory_space<hbm>>) target(%arg13 : memref<4096xi32, #tpu.memory_space<vmem>>) target_semaphore(%run_scoped3A : memref<!tpu.dma_semaphore, #tpu.memory_space<semaphore_mem>>)
        tpu.wait_dma2 semaphore(%run_scoped3A : memref<!tpu.dma_semaphore, #tpu.memory_space<semaphore_mem>>) src(%arg5 : memref<4096xi32, #tpu.memory_space<hbm>>) dst(%arg13 : memref<4096xi32, #tpu.memory_space<vmem>>)
        tpu.yield
      }) : () -> ()
      "tpu.region"() ({
        %run_scoped3A = tpu.sem_alloc : memref<!tpu.dma_semaphore, #tpu.memory_space<semaphore_mem>>
        tpu.enqueue_dma source(%arg7 : memref<1040xi32, #tpu.memory_space<hbm>>) target(%arg14 : memref<1040xi32, #tpu.memory_space<vmem>>) target_semaphore(%run_scoped3A : memref<!tpu.dma_semaphore, #tpu.memory_space<semaphore_mem>>)
        tpu.wait_dma2 semaphore(%run_scoped3A : memref<!tpu.dma_semaphore, #tpu.memory_space<semaphore_mem>>) src(%arg7 : memref<1040xi32, #tpu.memory_space<hbm>>) dst(%arg14 : memref<1040xi32, #tpu.memory_space<vmem>>)
        tpu.yield
      }) : () -> ()
      %mul3A_434 = arith.constant 256 : i32
      %mul3A_435 = arith.muli %select_n3A, %mul3A_434 : i32
      %mul3A_436 = arith.constant 65 : i32
      %mul3A_437 = arith.muli %select_n3A, %mul3A_436 : i32
      %scan3A_438 = arith.constant 0 : i32
      %scan3A_439 = arith.constant 0 : i32
      %scan3A_440 = arith.constant 17 : i32
      %scan3A_441 = arith.addi %scan3A_439, %scan3A_440 : i32
      %scan3A_442 = arith.constant 1 : i32
      scf.for %scan3A_600 = %scan3A_439 to %scan3A_441 step %scan3A_442  : i32 {
        %mul3A_601 = arith.constant 16 : i32
        %mul3A_602 = arith.muli %scan3A_600, %mul3A_601 : i32
        %iota3A = tpu.iota {dimensions = array<i32: 0>} : vector<16xi32>
        %add3A_603 = vector.broadcast %mul3A_602 : i32 to vector<16xi32>
        %add3A_604 = arith.addi %add3A_603, %iota3A : vector<16xi32>
        %sub3A_605 = arith.constant 1 : i32
        %sub3A_606 = vector.broadcast %sub3A_605 : i32 to vector<16xi32>
        %sub3A_607 = arith.subi %add3A_604, %sub3A_606 : vector<16xi32>
        %jit3A_608 = arith.constant 0 : i32
        %jit3A_609 = arith.constant 255 : i32
        %max3A = vector.broadcast %jit3A_608 : i32 to vector<16xi32>
        %max3A_610 = arith.maxsi %max3A, %sub3A_607 : vector<16xi32>
        %min3A = vector.broadcast %jit3A_609 : i32 to vector<16xi32>
        %min3A_611 = arith.minsi %min3A, %max3A_610 : vector<16xi32>
        %add3A_612 = vector.broadcast %mul3A_435 : i32 to vector<16xi32>
        %add3A_613 = arith.addi %add3A_612, %min3A_611 : vector<16xi32>
        %gather3A = tpu.vector_load_idx %arg13[%add3A_613] : memref<4096xi32, #tpu.memory_space<vmem>>[vector<16xi32>], vector<16xi32>,
        %eq3A_614 = arith.constant 0 : i32
        %eq3A_615 = vector.broadcast %eq3A_614 : i32 to vector<16xi32>
        %eq3A_616 = arith.cmpi eq, %add3A_604, %eq3A_615 : vector<16xi32>
        %add3A_617 = arith.constant 1 : i32
        %add3A_618 = vector.broadcast %add3A_617 : i32 to vector<16xi32>
        %add3A_619 = arith.addi %add3A_618, %gather3A : vector<16xi32>
        %jit3A_620 = arith.constant 0 : i32
        %broadcast_in_dim3A = vector.broadcast %jit3A_620 : i32 to vector<16xi32>
        %select_n3A_621 = arith.select %eq3A_616, %broadcast_in_dim3A, %add3A_619 : vector<16xi1>, vector<16xi32>
        %min3A_622 = arith.constant 64 : i32
        %min3A_623 = vector.broadcast %min3A_622 : i32 to vector<16xi32>
        %min3A_624 = arith.minsi %select_n3A_621, %min3A_623 : vector<16xi32>
        %add3A_625 = vector.broadcast %mul3A_437 : i32 to vector<16xi32>
        %add3A_626 = arith.addi %add3A_625, %min3A_624 : vector<16xi32>
        %gather3A_627 = tpu.vector_load_idx %arg14[%add3A_626] : memref<1040xi32, #tpu.memory_space<vmem>>[vector<16xi32>], vector<16xi32>,
        %le3A = arith.constant 64 : i32
        %le3A_628 = vector.broadcast %le3A : i32 to vector<16xi32>
        %le3A_629 = arith.cmpi sle, %select_n3A_621, %le3A_628 : vector<16xi32>
        %eq3A_630 = arith.constant 1 : i32
        %eq3A_631 = vector.broadcast %eq3A_630 : i32 to vector<16xi32>
        %eq3A_632 = arith.cmpi eq, %gather3A_627, %eq3A_631 : vector<16xi32>
        %and3A_633 = arith.andi %le3A_629, %eq3A_632 : vector<16xi1>
        %mul3A_634 = arith.constant 271 : i32
        %mul3A_635 = arith.muli %select_n3A, %mul3A_634 : i32
        %mul3A_636 = arith.constant 3 : i32
        %mul3A_637 = vector.broadcast %mul3A_636 : i32 to vector<16xi32>
        %mul3A_638 = arith.muli %add3A_604, %mul3A_637 : vector<16xi32>
        %add3A_639 = vector.broadcast %mul3A_635 : i32 to vector<16xi32>
        %add3A_640 = arith.addi %add3A_639, %mul3A_638 : vector<16xi32>
        %and3A_641 = arith.constant 511 : i32
        %and3A_642 = vector.broadcast %and3A_641 : i32 to vector<16xi32>
        %and3A_643 = arith.andi %add3A_640, %and3A_642 : vector<16xi32>
        %add3A_644 = arith.constant 7984 : i32
        %add3A_645 = vector.broadcast %add3A_644 : i32 to vector<16xi32>
        %add3A_646 = arith.addi %add3A_645, %and3A_643 : vector<16xi32>
        %mul3A_647 = arith.constant 65 : i32
        %mul3A_648 = arith.muli %select_n3A, %mul3A_647 : i32
        %add3A_649 = arith.constant 6944 : i32
        %add3A_650 = arith.addi %add3A_649, %mul3A_648 : i32
        %add3A_651 = vector.broadcast %add3A_650 : i32 to vector<16xi32>
        %add3A_652 = arith.addi %add3A_651, %select_n3A_621 : vector<16xi32>
        %select_n3A_653 = arith.select %and3A_633, %add3A_652, %add3A_646 : vector<16xi1>, vector<16xi32>
        %mul3A_654 = arith.constant 16 : i32
        %mul3A_655 = arith.muli %scan3A_600, %mul3A_654 : i32
        %swap3A = arith.index_cast %mul3A_655 : i32 to index
        %swap3A_656 = tpu.vector_load %arg15[%swap3A] {strides = array<i32>} : memref<272xi32, #tpu.memory_space<vmem>>, vector<16xi32>,
        tpu.vector_store %arg15[%swap3A], %select_n3A_653 {strides = array<i32>} : memref<272xi32, #tpu.memory_space<vmem>>, vector<16xi32>,
        %mul3A_657 = arith.constant 257 : i32
        %mul3A_658 = arith.muli %select_n3A, %mul3A_657 : i32
        %min3A_659 = arith.constant 256 : i32
        %min3A_660 = vector.broadcast %min3A_659 : i32 to vector<16xi32>
        %min3A_661 = arith.minsi %add3A_604, %min3A_660 : vector<16xi32>
        %add3A_662 = vector.broadcast %mul3A_658 : i32 to vector<16xi32>
        %add3A_663 = arith.addi %add3A_662, %min3A_661 : vector<16xi32>
        %mul3A_664 = arith.constant 16 : i32
        %mul3A_665 = arith.muli %scan3A_600, %mul3A_664 : i32
        %swap3A_666 = arith.index_cast %mul3A_665 : i32 to index
        %swap3A_667 = tpu.vector_load %arg16[%swap3A_666] {strides = array<i32>} : memref<272xi32, #tpu.memory_space<vmem>>, vector<16xi32>,
        tpu.vector_store %arg16[%swap3A_666], %add3A_663 {strides = array<i32>} : memref<272xi32, #tpu.memory_space<vmem>>, vector<16xi32>,
      }
      %scan3A_443 = arith.constant 17 : i32
      %dma_start3A_444 = arith.constant 0 : i32
      %dma_start3A_445 = arith.constant 0 : i32
      %dma_start3A_446 = arith.constant 0 : i32
      %dma_start3A_447 = tpu.memref_slice %arg17[%dma_start3A_444, %dma_start3A_445, %dma_start3A_446] : memref<2x112x256xf32, #tpu.memory_space<vmem>> -> memref<1x112x256xf32, #tpu.memory_space<vmem>>
      %dma_start3A_448 = tpu.memref_squeeze %dma_start3A_447 : memref<1x112x256xf32, #tpu.memory_space<vmem>> -> memref<112x256xf32, #tpu.memory_space<vmem>>
      %dma_start3A_449 = arith.constant 0 : i32
      %dma_start3A_450 = arith.constant 0 : i32
      %dma_start3A_451 = tpu.memref_slice %dma_start3A_448[%dma_start3A_449, %dma_start3A_450] : memref<112x256xf32, #tpu.memory_space<vmem>> -> memref<112x256xf32, #tpu.memory_space<vmem>>
      %dma_start3A_452 = arith.constant 0 : i32
      %dma_start3A_453 = tpu.memref_slice %arg15[%dma_start3A_452] : memref<272xi32, #tpu.memory_space<vmem>> -> memref<112xi32, #tpu.memory_space<vmem>>
      %dma_start3A_454 = arith.constant 0 : i32
      %dma_start3A_455 = arith.constant 0 : i32
      %dma_start3A_456 = tpu.memref_slice %arg2[%dma_start3A_454, %dma_start3A_455] : memref<8496x256xf32, #tpu.memory_space<hbm>> -> memref<8496x256xf32, #tpu.memory_space<hbm>>
      tpu.enqueue_indirect_dma source(%dma_start3A_456 : memref<8496x256xf32, #tpu.memory_space<hbm>>) target(%dma_start3A_451 : memref<112x256xf32, #tpu.memory_space<vmem>>) offsets(%dma_start3A_453 : memref<112xi32, #tpu.memory_space<vmem>>) semaphore(%arg18 : memref<!tpu.dma_semaphore, #tpu.memory_space<semaphore_mem>>)
      %dma_wait3A_457 = arith.constant 0 : i32
      %dma_wait3A_458 = arith.constant 0 : i32
      %dma_wait3A_459 = arith.constant 0 : i32
      %dma_wait3A_460 = tpu.memref_slice %arg17[%dma_wait3A_457, %dma_wait3A_458, %dma_wait3A_459] : memref<2x112x256xf32, #tpu.memory_space<vmem>> -> memref<1x112x256xf32, #tpu.memory_space<vmem>>
      %dma_wait3A_461 = tpu.memref_squeeze %dma_wait3A_460 : memref<1x112x256xf32, #tpu.memory_space<vmem>> -> memref<112x256xf32, #tpu.memory_space<vmem>>
      %dma_wait3A_462 = arith.constant 0 : i32
      %dma_wait3A_463 = arith.constant 0 : i32
      %dma_wait3A_464 = tpu.memref_slice %dma_wait3A_461[%dma_wait3A_462, %dma_wait3A_463] : memref<112x256xf32, #tpu.memory_space<vmem>> -> memref<112x256xf32, #tpu.memory_space<vmem>>
      %dma_wait3A_465 = arith.constant 0 : i32
      %dma_wait3A_466 = tpu.memref_slice %arg15[%dma_wait3A_465] : memref<272xi32, #tpu.memory_space<vmem>> -> memref<112xi32, #tpu.memory_space<vmem>>
      %dma_wait3A_467 = arith.constant 0 : i32
      %dma_wait3A_468 = arith.constant 0 : i32
      %dma_wait3A_469 = tpu.memref_slice %arg2[%dma_wait3A_467, %dma_wait3A_468] : memref<8496x256xf32, #tpu.memory_space<hbm>> -> memref<8496x256xf32, #tpu.memory_space<hbm>>
      tpu.wait_indirect_dma semaphore(%arg18 : memref<!tpu.dma_semaphore, #tpu.memory_space<semaphore_mem>>) src(%dma_wait3A_469 : memref<8496x256xf32, #tpu.memory_space<hbm>>) dst(%dma_wait3A_464 : memref<112x256xf32, #tpu.memory_space<vmem>>)
      %dma_start3A_470 = arith.constant 1 : i32
      %dma_start3A_471 = arith.constant 0 : i32
      %dma_start3A_472 = arith.constant 0 : i32
      %dma_start3A_473 = tpu.memref_slice %arg17[%dma_start3A_470, %dma_start3A_471, %dma_start3A_472] : memref<2x112x256xf32, #tpu.memory_space<vmem>> -> memref<1x112x256xf32, #tpu.memory_space<vmem>>
      %dma_start3A_474 = tpu.memref_squeeze %dma_start3A_473 : memref<1x112x256xf32, #tpu.memory_space<vmem>> -> memref<112x256xf32, #tpu.memory_space<vmem>>
      %dma_start3A_475 = arith.constant 0 : i32
      %dma_start3A_476 = arith.constant 0 : i32
      %dma_start3A_477 = tpu.memref_slice %dma_start3A_474[%dma_start3A_475, %dma_start3A_476] : memref<112x256xf32, #tpu.memory_space<vmem>> -> memref<112x256xf32, #tpu.memory_space<vmem>>
      %dma_start3A_478 = arith.constant 112 : i32
      %dma_start3A_479 = tpu.memref_slice %arg15[%dma_start3A_478] : memref<272xi32, #tpu.memory_space<vmem>> -> memref<112xi32, #tpu.memory_space<vmem>>
      %dma_start3A_480 = arith.constant 0 : i32
      %dma_start3A_481 = arith.constant 0 : i32
      %dma_start3A_482 = tpu.memref_slice %arg2[%dma_start3A_480, %dma_start3A_481] : memref<8496x256xf32, #tpu.memory_space<hbm>> -> memref<8496x256xf32, #tpu.memory_space<hbm>>
      tpu.enqueue_indirect_dma source(%dma_start3A_482 : memref<8496x256xf32, #tpu.memory_space<hbm>>) target(%dma_start3A_477 : memref<112x256xf32, #tpu.memory_space<vmem>>) offsets(%dma_start3A_479 : memref<112xi32, #tpu.memory_space<vmem>>) semaphore(%arg18 : memref<!tpu.dma_semaphore, #tpu.memory_space<semaphore_mem>>)
      %dma_start3A_483 = arith.constant 0 : i32
      %dma_start3A_484 = arith.constant 0 : i32
      %dma_start3A_485 = arith.constant 0 : i32
      %dma_start3A_486 = tpu.memref_slice %arg17[%dma_start3A_483, %dma_start3A_484, %dma_start3A_485] : memref<2x112x256xf32, #tpu.memory_space<vmem>> -> memref<1x112x256xf32, #tpu.memory_space<vmem>>
      %dma_start3A_487 = tpu.memref_squeeze %dma_start3A_486 : memref<1x112x256xf32, #tpu.memory_space<vmem>> -> memref<112x256xf32, #tpu.memory_space<vmem>>
      %dma_start3A_488 = arith.constant 0 : i32
      %dma_start3A_489 = arith.constant 0 : i32
      %dma_start3A_490 = tpu.memref_slice %dma_start3A_487[%dma_start3A_488, %dma_start3A_489] : memref<112x256xf32, #tpu.memory_space<vmem>> -> memref<112x256xf32, #tpu.memory_space<vmem>>
      %dma_start3A_491 = arith.constant 0 : i32
      %dma_start3A_492 = tpu.memref_slice %arg16[%dma_start3A_491] : memref<272xi32, #tpu.memory_space<vmem>> -> memref<112xi32, #tpu.memory_space<vmem>>
      %dma_start3A_493 = arith.constant 0 : i32
      %dma_start3A_494 = arith.constant 0 : i32
      %dma_start3A_495 = tpu.memref_slice %arg10[%dma_start3A_493, %dma_start3A_494] : memref<4112x256xf32, #tpu.memory_space<hbm>> -> memref<4112x256xf32, #tpu.memory_space<hbm>>
      tpu.enqueue_indirect_dma source(%dma_start3A_490 : memref<112x256xf32, #tpu.memory_space<vmem>>) target(%dma_start3A_495 : memref<4112x256xf32, #tpu.memory_space<hbm>>) offsets(%dma_start3A_492 : memref<112xi32, #tpu.memory_space<vmem>>) semaphore(%arg19 : memref<!tpu.dma_semaphore, #tpu.memory_space<semaphore_mem>>)
      %dma_wait3A_496 = arith.constant 1 : i32
      %dma_wait3A_497 = arith.constant 0 : i32
      %dma_wait3A_498 = arith.constant 0 : i32
      %dma_wait3A_499 = tpu.memref_slice %arg17[%dma_wait3A_496, %dma_wait3A_497, %dma_wait3A_498] : memref<2x112x256xf32, #tpu.memory_space<vmem>> -> memref<1x112x256xf32, #tpu.memory_space<vmem>>
      %dma_wait3A_500 = tpu.memref_squeeze %dma_wait3A_499 : memref<1x112x256xf32, #tpu.memory_space<vmem>> -> memref<112x256xf32, #tpu.memory_space<vmem>>
      %dma_wait3A_501 = arith.constant 0 : i32
      %dma_wait3A_502 = arith.constant 0 : i32
      %dma_wait3A_503 = tpu.memref_slice %dma_wait3A_500[%dma_wait3A_501, %dma_wait3A_502] : memref<112x256xf32, #tpu.memory_space<vmem>> -> memref<112x256xf32, #tpu.memory_space<vmem>>
      %dma_wait3A_504 = arith.constant 112 : i32
      %dma_wait3A_505 = tpu.memref_slice %arg15[%dma_wait3A_504] : memref<272xi32, #tpu.memory_space<vmem>> -> memref<112xi32, #tpu.memory_space<vmem>>
      %dma_wait3A_506 = arith.constant 0 : i32
      %dma_wait3A_507 = arith.constant 0 : i32
      %dma_wait3A_508 = tpu.memref_slice %arg2[%dma_wait3A_506, %dma_wait3A_507] : memref<8496x256xf32, #tpu.memory_space<hbm>> -> memref<8496x256xf32, #tpu.memory_space<hbm>>
      tpu.wait_indirect_dma semaphore(%arg18 : memref<!tpu.dma_semaphore, #tpu.memory_space<semaphore_mem>>) src(%dma_wait3A_508 : memref<8496x256xf32, #tpu.memory_space<hbm>>) dst(%dma_wait3A_503 : memref<112x256xf32, #tpu.memory_space<vmem>>)
      %dma_wait3A_509 = arith.constant 0 : i32
      %dma_wait3A_510 = arith.constant 0 : i32
      %dma_wait3A_511 = arith.constant 0 : i32
      %dma_wait3A_512 = tpu.memref_slice %arg17[%dma_wait3A_509, %dma_wait3A_510, %dma_wait3A_511] : memref<2x112x256xf32, #tpu.memory_space<vmem>> -> memref<1x112x256xf32, #tpu.memory_space<vmem>>
      %dma_wait3A_513 = tpu.memref_squeeze %dma_wait3A_512 : memref<1x112x256xf32, #tpu.memory_space<vmem>> -> memref<112x256xf32, #tpu.memory_space<vmem>>
      %dma_wait3A_514 = arith.constant 0 : i32
      %dma_wait3A_515 = arith.constant 0 : i32
      %dma_wait3A_516 = tpu.memref_slice %dma_wait3A_513[%dma_wait3A_514, %dma_wait3A_515] : memref<112x256xf32, #tpu.memory_space<vmem>> -> memref<112x256xf32, #tpu.memory_space<vmem>>
      %dma_wait3A_517 = arith.constant 0 : i32
      %dma_wait3A_518 = tpu.memref_slice %arg16[%dma_wait3A_517] : memref<272xi32, #tpu.memory_space<vmem>> -> memref<112xi32, #tpu.memory_space<vmem>>
      %dma_wait3A_519 = arith.constant 0 : i32
      %dma_wait3A_520 = arith.constant 0 : i32
      %dma_wait3A_521 = tpu.memref_slice %arg10[%dma_wait3A_519, %dma_wait3A_520] : memref<4112x256xf32, #tpu.memory_space<hbm>> -> memref<4112x256xf32, #tpu.memory_space<hbm>>
      tpu.wait_indirect_dma semaphore(%arg19 : memref<!tpu.dma_semaphore, #tpu.memory_space<semaphore_mem>>) src(%dma_wait3A_516 : memref<112x256xf32, #tpu.memory_space<vmem>>) dst(%dma_wait3A_521 : memref<4112x256xf32, #tpu.memory_space<hbm>>)
      %dma_start3A_522 = arith.constant 0 : i32
      %dma_start3A_523 = arith.constant 0 : i32
      %dma_start3A_524 = arith.constant 0 : i32
      %dma_start3A_525 = tpu.memref_slice %arg17[%dma_start3A_522, %dma_start3A_523, %dma_start3A_524] : memref<2x112x256xf32, #tpu.memory_space<vmem>> -> memref<1x112x256xf32, #tpu.memory_space<vmem>>
      %dma_start3A_526 = tpu.memref_squeeze %dma_start3A_525 : memref<1x112x256xf32, #tpu.memory_space<vmem>> -> memref<112x256xf32, #tpu.memory_space<vmem>>
      %dma_start3A_527 = arith.constant 0 : i32
      %dma_start3A_528 = arith.constant 0 : i32
      %dma_start3A_529 = tpu.memref_slice %dma_start3A_526[%dma_start3A_527, %dma_start3A_528] : memref<112x256xf32, #tpu.memory_space<vmem>> -> memref<40x256xf32, #tpu.memory_space<vmem>>
      %dma_start3A_530 = arith.constant 224 : i32
      %dma_start3A_531 = tpu.memref_slice %arg15[%dma_start3A_530] : memref<272xi32, #tpu.memory_space<vmem>> -> memref<40xi32, #tpu.memory_space<vmem>>
      %dma_start3A_532 = arith.constant 0 : i32
      %dma_start3A_533 = arith.constant 0 : i32
      %dma_start3A_534 = tpu.memref_slice %arg2[%dma_start3A_532, %dma_start3A_533] : memref<8496x256xf32, #tpu.memory_space<hbm>> -> memref<8496x256xf32, #tpu.memory_space<hbm>>
      tpu.enqueue_indirect_dma source(%dma_start3A_534 : memref<8496x256xf32, #tpu.memory_space<hbm>>) target(%dma_start3A_529 : memref<40x256xf32, #tpu.memory_space<vmem>>) offsets(%dma_start3A_531 : memref<40xi32, #tpu.memory_space<vmem>>) semaphore(%arg18 : memref<!tpu.dma_semaphore, #tpu.memory_space<semaphore_mem>>)
      %dma_start3A_535 = arith.constant 1 : i32
      %dma_start3A_536 = arith.constant 0 : i32
      %dma_start3A_537 = arith.constant 0 : i32
      %dma_start3A_538 = tpu.memref_slice %arg17[%dma_start3A_535, %dma_start3A_536, %dma_start3A_537] : memref<2x112x256xf32, #tpu.memory_space<vmem>> -> memref<1x112x256xf32, #tpu.memory_space<vmem>>
      %dma_start3A_539 = tpu.memref_squeeze %dma_start3A_538 : memref<1x112x256xf32, #tpu.memory_space<vmem>> -> memref<112x256xf32, #tpu.memory_space<vmem>>
      %dma_start3A_540 = arith.constant 0 : i32
      %dma_start3A_541 = arith.constant 0 : i32
      %dma_start3A_542 = tpu.memref_slice %dma_start3A_539[%dma_start3A_540, %dma_start3A_541] : memref<112x256xf32, #tpu.memory_space<vmem>> -> memref<112x256xf32, #tpu.memory_space<vmem>>
      %dma_start3A_543 = arith.constant 112 : i32
      %dma_start3A_544 = tpu.memref_slice %arg16[%dma_start3A_543] : memref<272xi32, #tpu.memory_space<vmem>> -> memref<112xi32, #tpu.memory_space<vmem>>
      %dma_start3A_545 = arith.constant 0 : i32
      %dma_start3A_546 = arith.constant 0 : i32
      %dma_start3A_547 = tpu.memref_slice %arg10[%dma_start3A_545, %dma_start3A_546] : memref<4112x256xf32, #tpu.memory_space<hbm>> -> memref<4112x256xf32, #tpu.memory_space<hbm>>
      tpu.enqueue_indirect_dma source(%dma_start3A_542 : memref<112x256xf32, #tpu.memory_space<vmem>>) target(%dma_start3A_547 : memref<4112x256xf32, #tpu.memory_space<hbm>>) offsets(%dma_start3A_544 : memref<112xi32, #tpu.memory_space<vmem>>) semaphore(%arg19 : memref<!tpu.dma_semaphore, #tpu.memory_space<semaphore_mem>>)
      %dma_wait3A_548 = arith.constant 0 : i32
      %dma_wait3A_549 = arith.constant 0 : i32
      %dma_wait3A_550 = arith.constant 0 : i32
      %dma_wait3A_551 = tpu.memref_slice %arg17[%dma_wait3A_548, %dma_wait3A_549, %dma_wait3A_550] : memref<2x112x256xf32, #tpu.memory_space<vmem>> -> memref<1x112x256xf32, #tpu.memory_space<vmem>>
      %dma_wait3A_552 = tpu.memref_squeeze %dma_wait3A_551 : memref<1x112x256xf32, #tpu.memory_space<vmem>> -> memref<112x256xf32, #tpu.memory_space<vmem>>
      %dma_wait3A_553 = arith.constant 0 : i32
      %dma_wait3A_554 = arith.constant 0 : i32
      %dma_wait3A_555 = tpu.memref_slice %dma_wait3A_552[%dma_wait3A_553, %dma_wait3A_554] : memref<112x256xf32, #tpu.memory_space<vmem>> -> memref<40x256xf32, #tpu.memory_space<vmem>>
      %dma_wait3A_556 = arith.constant 224 : i32
      %dma_wait3A_557 = tpu.memref_slice %arg15[%dma_wait3A_556] : memref<272xi32, #tpu.memory_space<vmem>> -> memref<40xi32, #tpu.memory_space<vmem>>
      %dma_wait3A_558 = arith.constant 0 : i32
      %dma_wait3A_559 = arith.constant 0 : i32
      %dma_wait3A_560 = tpu.memref_slice %arg2[%dma_wait3A_558, %dma_wait3A_559] : memref<8496x256xf32, #tpu.memory_space<hbm>> -> memref<8496x256xf32, #tpu.memory_space<hbm>>
      tpu.wait_indirect_dma semaphore(%arg18 : memref<!tpu.dma_semaphore, #tpu.memory_space<semaphore_mem>>) src(%dma_wait3A_560 : memref<8496x256xf32, #tpu.memory_space<hbm>>) dst(%dma_wait3A_555 : memref<40x256xf32, #tpu.memory_space<vmem>>)
      %dma_start3A_561 = arith.constant 0 : i32
      %dma_start3A_562 = arith.constant 0 : i32
      %dma_start3A_563 = arith.constant 0 : i32
      %dma_start3A_564 = tpu.memref_slice %arg17[%dma_start3A_561, %dma_start3A_562, %dma_start3A_563] : memref<2x112x256xf32, #tpu.memory_space<vmem>> -> memref<1x112x256xf32, #tpu.memory_space<vmem>>
      %dma_start3A_565 = tpu.memref_squeeze %dma_start3A_564 : memref<1x112x256xf32, #tpu.memory_space<vmem>> -> memref<112x256xf32, #tpu.memory_space<vmem>>
      %dma_start3A_566 = arith.constant 0 : i32
      %dma_start3A_567 = arith.constant 0 : i32
      %dma_start3A_568 = tpu.memref_slice %dma_start3A_565[%dma_start3A_566, %dma_start3A_567] : memref<112x256xf32, #tpu.memory_space<vmem>> -> memref<40x256xf32, #tpu.memory_space<vmem>>
      %dma_start3A_569 = arith.constant 224 : i32
      %dma_start3A_570 = tpu.memref_slice %arg16[%dma_start3A_569] : memref<272xi32, #tpu.memory_space<vmem>> -> memref<40xi32, #tpu.memory_space<vmem>>
      %dma_start3A_571 = arith.constant 0 : i32
      %dma_start3A_572 = arith.constant 0 : i32
      %dma_start3A_573 = tpu.memref_slice %arg10[%dma_start3A_571, %dma_start3A_572] : memref<4112x256xf32, #tpu.memory_space<hbm>> -> memref<4112x256xf32, #tpu.memory_space<hbm>>
      tpu.enqueue_indirect_dma source(%dma_start3A_568 : memref<40x256xf32, #tpu.memory_space<vmem>>) target(%dma_start3A_573 : memref<4112x256xf32, #tpu.memory_space<hbm>>) offsets(%dma_start3A_570 : memref<40xi32, #tpu.memory_space<vmem>>) semaphore(%arg19 : memref<!tpu.dma_semaphore, #tpu.memory_space<semaphore_mem>>)
      %dma_wait3A_574 = arith.constant 1 : i32
      %dma_wait3A_575 = arith.constant 0 : i32
      %dma_wait3A_576 = arith.constant 0 : i32
      %dma_wait3A_577 = tpu.memref_slice %arg17[%dma_wait3A_574, %dma_wait3A_575, %dma_wait3A_576] : memref<2x112x256xf32, #tpu.memory_space<vmem>> -> memref<1x112x256xf32, #tpu.memory_space<vmem>>
      %dma_wait3A_578 = tpu.memref_squeeze %dma_wait3A_577 : memref<1x112x256xf32, #tpu.memory_space<vmem>> -> memref<112x256xf32, #tpu.memory_space<vmem>>
      %dma_wait3A_579 = arith.constant 0 : i32
      %dma_wait3A_580 = arith.constant 0 : i32
      %dma_wait3A_581 = tpu.memref_slice %dma_wait3A_578[%dma_wait3A_579, %dma_wait3A_580] : memref<112x256xf32, #tpu.memory_space<vmem>> -> memref<112x256xf32, #tpu.memory_space<vmem>>
      %dma_wait3A_582 = arith.constant 112 : i32
      %dma_wait3A_583 = tpu.memref_slice %arg16[%dma_wait3A_582] : memref<272xi32, #tpu.memory_space<vmem>> -> memref<112xi32, #tpu.memory_space<vmem>>
      %dma_wait3A_584 = arith.constant 0 : i32
      %dma_wait3A_585 = arith.constant 0 : i32
      %dma_wait3A_586 = tpu.memref_slice %arg10[%dma_wait3A_584, %dma_wait3A_585] : memref<4112x256xf32, #tpu.memory_space<hbm>> -> memref<4112x256xf32, #tpu.memory_space<hbm>>
      tpu.wait_indirect_dma semaphore(%arg19 : memref<!tpu.dma_semaphore, #tpu.memory_space<semaphore_mem>>) src(%dma_wait3A_581 : memref<112x256xf32, #tpu.memory_space<vmem>>) dst(%dma_wait3A_586 : memref<4112x256xf32, #tpu.memory_space<hbm>>)
      %dma_wait3A_587 = arith.constant 0 : i32
      %dma_wait3A_588 = arith.constant 0 : i32
      %dma_wait3A_589 = arith.constant 0 : i32
      %dma_wait3A_590 = tpu.memref_slice %arg17[%dma_wait3A_587, %dma_wait3A_588, %dma_wait3A_589] : memref<2x112x256xf32, #tpu.memory_space<vmem>> -> memref<1x112x256xf32, #tpu.memory_space<vmem>>
      %dma_wait3A_591 = tpu.memref_squeeze %dma_wait3A_590 : memref<1x112x256xf32, #tpu.memory_space<vmem>> -> memref<112x256xf32, #tpu.memory_space<vmem>>
      %dma_wait3A_592 = arith.constant 0 : i32
      %dma_wait3A_593 = arith.constant 0 : i32
      %dma_wait3A_594 = tpu.memref_slice %dma_wait3A_591[%dma_wait3A_592, %dma_wait3A_593] : memref<112x256xf32, #tpu.memory_space<vmem>> -> memref<40x256xf32, #tpu.memory_space<vmem>>
      %dma_wait3A_595 = arith.constant 224 : i32
      %dma_wait3A_596 = tpu.memref_slice %arg16[%dma_wait3A_595] : memref<272xi32, #tpu.memory_space<vmem>> -> memref<40xi32, #tpu.memory_space<vmem>>
      %dma_wait3A_597 = arith.constant 0 : i32
      %dma_wait3A_598 = arith.constant 0 : i32
      %dma_wait3A_599 = tpu.memref_slice %arg10[%dma_wait3A_597, %dma_wait3A_598] : memref<4112x256xf32, #tpu.memory_space<hbm>> -> memref<4112x256xf32, #tpu.memory_space<hbm>>
      tpu.wait_indirect_dma semaphore(%arg19 : memref<!tpu.dma_semaphore, #tpu.memory_space<semaphore_mem>>) src(%dma_wait3A_594 : memref<40x256xf32, #tpu.memory_space<vmem>>) dst(%dma_wait3A_599 : memref<4112x256xf32, #tpu.memory_space<hbm>>)
    } else {
    }
    return
  }
}

</mosaic_0001>

<sc_bundles>
// kernel: _revert_sc.3.cloned.1.call-start
scs
__scs_entry_jumppad:
0x0: {  	(pc) =	sbr.rel $0x88, $3  }
0x1: {  	(tag) =	ssettag $0x0;
	lr =	simm.s32 $0x1  }
0x2: {  	[smem:$0x3F9B] =	sst lr;
	_ =	strace $0xD0000000  }
0x3: {  	_ = 	snop  }
0x4: {  	_ = 	snop  }
0x5: {  	_ = 	snop  }
0x6: {  	_ = 	snop  }
0x7: {  	_ = 	snop  }
__scs_overlays_trampoline_lowered:
0x8: {  	[smem:$0x3FAA] =	sst s0  }
0x9: {  	[smem:$0x3FAB] =	sst s1  }
0xa: {  	[smem:$0x3FAC] =	sst s2  }
0xb: {  	[smem:$0x3FAD] =	sst s3  }
0xc: {  	[smem:$0x3FAE] =	sst s4  }
0xd: {  	[smem:$0x3FAF] =	sst s5  }
0xe: {  	[smem:$0x3FB0] =	sst s6  }
0xf: {  	[smem:$0x3FB1] =	sst s7  }
0x10: {  	[smem:$0x3FB2] =	sst s8  }
0x11: {  	[smem:$0x3FB3] =	sst s9;
	s0 =	simm.s32 @!p0 $0x0  }
0x12: {  	s1 =	sld [smem:$0x3F99];
	s0 =	simm.s32 @p0 $0x1  }
0x13: {  	[smem:$0x3FB4] =	sst s0;
	s0 =	simm.s32 @!p1 $0x0  }
0x14: {  	s2 =	sld [smem:$0x3F98];
	s0 =	simm.s32 @p1 $0x1  }
0x15: {  	[smem:$0x3FB5] =	sst s0;
	s0 =	simm.s32 @!p2 $0x0  }
0x16: {  	s3 =	sld [smem:$0x3FDB];
	s0 =	simm.s32 @p2 $0x1  }
0x17: {  	s4 =	simm.s32 $0x1BF5;
	[smem:$0x3FB7] =	sst s0  }
0x18: {  	s0 =	sld [smem:$0x3F9A];
	_ =	swait.ge [sflag:s4], $0x0  }
0x19: {  	s7 =	sld [smem:$0x3F9B]  }
0x1a: {  	s8 =	sadd.s32 $0xFFFFE003, lr  }
0x1b: {  	s9 =	sadd.s32 $0xFFFFFEF7, lr;
	s5 =	simm.s32 $0xFFFFFFFF;
	p2 =	slt.u32 s8, $0xFFFFF086  }
0x1c: {  	p1 =	slt.u32 s9, $0xF7A;
	s5 =	simm.s32 @!p2 $0x0  }
0x1d: {  	s5 =	simm.s32 @p1 $0x1;
	p0 =	seq.s32 s7, s2  }
0x1e: {  	s7 =	smul.u32 @!p0 $0xF7A, s2;
	p2 =	seq.s32 @!p0 s5, $0x0  }
0x1f: {  	s9 =	smul.u32 $0xF7A, s1;
	s8 =	simm.s32 @!p0 $0x1BF5;
	p2 =	por !p2, p0  }
0x20: {  	[sflag:s8] =	ssyncset.s32 @!p0 $0xFFFFF086;
	s6 =	sadd.s32 @!p0 s3, s7;
	s7 =	simm.s32 @!p0 $0x108  }
0x21: {  	s3 =	sadd.s32 s3, s9;
	s6 =	sadd.s32 @!p0 $0x88, s6;
	s7 =	simm.s32 @p2 $0x1082  }
0x22: {  	[simem:s7], [sflag:s8] =	dma.local @!p0 [hbm:s6], $0xF7A  }
0x23: {  	s9 =	sor.u32 $0xD0000000, s2;
	s6 =	simm.s32 $0x108;
	_ =	swait.ge @!p0 [sflag:s8], $0x0  }
0x24: {  	s3 =	sadd.s32 $0x88, s3;
	s6 =	simm.s32 @!p1 $0x1082;
	[sflag:s4] =	ssyncset.s32 $0xFFFFF086  }
0x25: {  	[simem:s6], [sflag:s4] =	dma.local [hbm:s3], $0xF7A  }
0x26: {  	[smem:$0x3F9B] =	sst s1;
	(tag) =	ssettag s2;
	_ =	strace s9  }
0x27: {  	s1 =	sld [smem:$0x3FAB]  }
0x28: {  	s2 =	sld [smem:$0x3FAC]  }
0x29: {  	s4 =	sld [smem:$0x3FAE]  }
0x2a: {  	p0 =	seq.s32 s5, $0x0;
	s5 =	sld [smem:$0x3FAF]  }
0x2b: {  	s6 =	sld [smem:$0x3FB0]  }
0x2c: {  	s7 =	sld [smem:$0x3FB1]  }
0x2d: {  	s3 =	simm.s32 $0x108;
	s8 =	sld [smem:$0x3FB2]  }
0x2e: {  	s3 =	simm.s32 @!p0 $0x1082;
	s9 =	sld [smem:$0x3FB3]  }
0x2f: {  	lr =	sadd.s32 s0, s3;
	s0 =	sld [smem:$0x3FAA]  }
0x30: {  	s3 =	sld [smem:$0x3FAD]  }
0x31: {  	[smem:$0x3FB6] =	sst s10  }
0x32: {  	s10 =	sld [smem:$0x3FB4];
	_ =	sdelay $0x3  }
0x33: {  	p0 =	seq.s32 s10, $0x1;
	s10 =	sld [smem:$0x3FB6];
	_ =	sdelay $0x3  }
0x34: {  	[smem:$0x3FB6] =	sst s10  }
0x35: {  	s10 =	sld [smem:$0x3FB5];
	_ =	sdelay $0x3  }
0x36: {  	p1 =	seq.s32 s10, $0x1;
	s10 =	sld [smem:$0x3FB6];
	_ =	sdelay $0x3  }
0x37: {  	[smem:$0x3FB6] =	sst s10  }
0x38: {  	s10 =	sld [smem:$0x3FB7]  }
0x39: {  	_ = 	snop;
	(pc) =	sbr.ind lr, $3  }
0x3a: {  	_ = 	snop  }
0x3b: {  	_ = 	snop  }
0x3c: {  	p2 =	seq.s32 s10, $0x1;
	s10 =	sld [smem:$0x3FB6]  }
0x3d: {  	_ =	shalt  }
0x3e: {  	_ =	shalt  }
0x3f: {  	_ =	shalt  }
0x40: {  	_ =	shalt  }
0x41: {  	_ =	shalt  }
0x42: {  	_ =	shalt  }
0x43: {  	_ =	shalt  }
0x44: {  	_ =	shalt  }
0x45: {  	_ =	shalt  }
0x46: {  	_ =	shalt  }
0x47: {  	_ =	shalt  }
0x48: {  	_ =	shalt  }
0x49: {  	_ =	shalt  }
0x4a: {  	_ =	shalt  }
0x4b: {  	_ =	shalt  }
0x4c: {  	_ =	shalt  }
0x4d: {  	_ =	shalt  }
0x4e: {  	_ =	shalt  }
0x4f: {  	_ =	shalt  }
0x50: {  	_ =	shalt  }
0x51: {  	_ =	shalt  }
0x52: {  	_ =	shalt  }
0x53: {  	_ =	shalt  }
0x54: {  	_ =	shalt  }
0x55: {  	_ =	shalt  }
0x56: {  	_ =	shalt  }
0x57: {  	_ =	shalt  }
0x58: {  	_ =	shalt  }
0x59: {  	_ =	shalt  }
0x5a: {  	_ =	shalt  }
0x5b: {  	_ =	shalt  }
0x5c: {  	_ =	shalt  }
0x5d: {  	_ =	shalt  }
0x5e: {  	_ =	shalt  }
0x5f: {  	_ =	shalt  }
0x60: {  	_ =	shalt  }
0x61: {  	_ =	shalt  }
0x62: {  	_ =	shalt  }
0x63: {  	_ =	shalt  }
0x64: {  	_ =	shalt  }
0x65: {  	_ =	shalt  }
0x66: {  	_ =	shalt  }
0x67: {  	_ =	shalt  }
0x68: {  	_ =	shalt  }
0x69: {  	_ =	shalt  }
0x6a: {  	_ =	shalt  }
0x6b: {  	_ =	shalt  }
0x6c: {  	_ =	shalt  }
0x6d: {  	_ =	shalt  }
0x6e: {  	_ =	shalt  }
0x6f: {  	_ =	shalt  }
0x70: {  	_ =	shalt  }
0x71: {  	_ =	shalt  }
0x72: {  	_ =	shalt  }
0x73: {  	_ =	shalt  }
0x74: {  	_ =	shalt  }
0x75: {  	_ =	shalt  }
0x76: {  	_ =	shalt  }
0x77: {  	_ =	shalt  }
0x78: {  	_ =	shalt  }
0x79: {  	_ =	shalt  }
0x7a: {  	_ =	shalt  }
0x7b: {  	_ =	shalt  }
0x7c: {  	_ =	shalt  }
0x7d: {  	_ =	shalt  }
0x7e: {  	_ =	shalt  }
0x7f: {  	_ =	shalt  }
0x80: {  	_ =	shalt  }
0x81: {  	_ =	shalt  }
0x82: {  	_ =	shalt  }
0x83: {  	_ =	shalt  }
0x84: {  	_ =	shalt  }
0x85: {  	_ =	shalt  }
0x86: {  	_ =	shalt  }
0x87: {  	_ =	shalt  }
.Lfunc_end0:
.L_simem_size_0:
called_computation_lowered:
.L_overlay_start_0:
0x88: {  	s2 =	sld [smem:$0x3FD9]  }
0x89: {  	s3 =	sld [smem:$0x3FFE];
	_ =	sdelay $0x1  }
0x8a: {  	s1 =	srdreg.scid  }
0x8b: {  	s0 =	sand.u32 $0x1, s1  }
0x8c: {  	s15 =	sshll.u32 s0, $0xA;
	s2 =	sadd.s32 s3, s2  }
0x8d: {  	s2 =	sadd.s32 s2, s15  }
0x8e: {  	[smem:$0x3FC2] =	sst s2  }
0x8f: {  	_ = 	snop  }
0x90: {  	s2 =	sld [smem:$0x3FC9]  }
0x91: {  	s16 =	sld [smem:$0x3FC8]  }
0x92: {  	s4 =	sld [smem:$0x3FC7]  }
0x93: {  	s5 =	sld [smem:$0x3FD0]  }
0x94: {  	s6 =	sld [smem:$0x3FC6]  }
0x95: {  	s7 =	sld [smem:$0x3FC5]  }
0x96: {  	s9 =	simm.s32 $0xA;
	s10 =	simm.s32 $0x10;
	s8 =	sld [smem:$0x3FC4]  }
0x97: {  	[smem:s10], [sflag:s9] =	dma.local [hbm:s5], $0x1  }
0x98: {  	_ =	swait.eq [sflag:s9], $0x1  }
0x99: {  	s17 =	sld [smem:$0x10];
	[sflag:s9] =	ssyncset.done $0x0  }
0x9a: {  	s18 =	sld [smem:$0x11];
	[sflag:s9] =	ssyncadd.s32 $0xFFFFFFFF  }
0x9b: {  	s19 =	sld [smem:$0x12];
	(tm) =	ssettm $0x1  }
0x9c: {  	s11 =	sld [smem:$0x3FFB];
	_ =	sdelay $0x3  }
0x9d: {  	_ =	strace s11  }
0x9e: {  	s11 =	sld [smem:$0x3FFC];
	_ =	sdelay $0x3  }
0x9f: {  	_ =	strace s11  }
0xa0: {  	s11 =	sld [smem:$0x3FFD];
	_ =	sdelay $0x3  }
0xa1: {  	_ =	strace s11  }
0xa2: {  	_ =	strace $0x8FFFFFFF  }
0xa3: {  	s20 =	sld [smem:$0x3FDB];
	_ =	sdelay $0x1  }
0xa4: {  	s12 =	simm.s32 $_scs_section_size  }
0xa5: {  	s13 =	simm.s32 $_size__tile_overlayer_lowered;
	s14 =	simm.s32 $_tile_overlayer_lowered  }
0xa6: {  	s23 =	simm.s32 $0x1BFF;
	s22 =	sshll.u32 s14, $0x1;
	s11 =	sadd.s32 s12, s20  }
0xa7: {  	s21 =	sshll.u32 s13, $0x1;
	s15 =	simm.s32 $0x0;
	s13 =	sadd.s32 s22, s11  }
0xa8: {  	[timem:s15], [sflag:s23] =	dma.local [hbm:s13], s21  }
0xa9: {  	_ =	swait.ge [sflag:s23], s21  }
0xaa: {  	s12 =	ssub.s32 $0x0, s21;
	[sflag:s23] =	ssyncset.done $0x0  }
0xab: {  	[sflag:s23] =	ssyncadd.s32 s12;
	_ =	sdelay $0x1  }
0xac: {  	s24 =	simm.s32 $0x1B8B  }
0xad: {  	_ =	swait.ge [sflag:s24], $0x1  }
0xae: {  	[sflag:s24] =	ssyncset.done $0x0  }
0xaf: {  	s25 =	simm.s32 $0x1B8E;
	[sflag:s24] =	ssyncadd.s32 $0xFFFFFFFF  }
0xb0: {  	s26 =	simm.s32 $execute0_lowered;
	[smem:$0x3FD2] =	sst s25  }
0xb1: {  	s12 =	sshll.u32 s26, $0x1;
	_ =	strace $0x80000046;
	[dreg:$0x1] =	wrdreg $0xFFFFFFFF  }
0xb2: {  	s28 =	simm.s32 $_size_execute0_lowered;
	s11 =	sadd.s32 s11, s12;
	[dreg:$0x0] =	wrdreg $0x0  }
0xb3: {  	s12 =	sshll.u32 s28, $0x1;
	[dreg:$0x2] =	wrdreg s11  }
0xb4: {  	[dreg:$0x3] =	wrdreg s12  }
0xb5: {  	[dreg:$0x4] =	wrdreg $0xC0  }
0xb6: {  	_ =	task [dreg:s15], $0x5FFFF  }
0xb7: {  	[dreg:$0x1] =	wrdreg $0xFFFFFFFF  }
0xb8: {  	[dreg:$0x0] =	wrdreg $0x60  }
0xb9: {  	[dreg:$0x2] =	wrdreg s2  }
0xba: {  	[dreg:$0x3] =	wrdreg s16  }
0xbb: {  	[dreg:$0x4] =	wrdreg s4  }
0xbc: {  	[dreg:$0x5] =	wrdreg s6  }
0xbd: {  	[dreg:$0x6] =	wrdreg s7  }
0xbe: {  	[dreg:$0x7] =	wrdreg s8  }
0xbf: {  	[dreg:$0x8] =	wrdreg s17  }
0xc0: {  	[dreg:$0x9] =	wrdreg s18  }
0xc1: {  	[dreg:$0xa] =	wrdreg s19  }
0xc2: {  	[dreg:$0xb] =	wrdreg $0x9  }
0xc3: {  	_ =	task.clear_ibuf [dreg:s15], $0xCFFFF;
	_ =	strace $0x90000046  }
0xc4: {  	s29 =	simm.s32 $0x9;
	_ =	strace $0x80000048  }
0xc5: {  	_ =	swait.ge [sflag:s29], $0x1  }
0xc6: {  	[sflag:s29] =	ssyncadd.s32 $0xFFFFFFFF  }
0xc7: {  	_ =	strace $0x90000048  }
0xc8: {  	_ =	sfence  }
0xc9: {  	s30 =	sld [smem:$0x0];
	_ =	sdelay $0x2  }
0xca: {  	s31 =	sshll.u32 s1, $0xD;
	s1 =	sshrl.u32 s1, $0x2  }
0xcb: {  	s3 =	sand.u32 $0x4000, s31;
	s1 =	sadd.s32 s1, s30  }
0xcc: {  	s0 =	sor.u32 s3, s0;
	s1 =	sshll.u32 s1, $0x11  }
0xcd: {  	s0 =	sor.u32 s1, s0  }
0xce: {  	s0 =	sadd.s32 $0x8F2B, s0  }
0xcf: {  	[sflag:s0] =	ssyncadd.remote.s32 $0x1  }
0xd0: {  	_ =	sfence.sel $0xFFFF  }
0xd1: {  	[dreg:$0x0] =	wrdreg $0xFFFFFFFF;
	(pc) =	sbr.abs _section_cstart, $3  }
0xd2: {  	[dreg:$0x1] =	wrdreg $0xFFFFFFFF  }
0xd3: {  	_ =	task.clear_ibuf [dreg:s15], $0x2FFFF;
	_ =	strace $0x9FFFFFFF  }
0xd4: {  	(tm) =	ssettm $0x7FFFFFFF  }
0xd5: {  	_ =	shalt  }
tec
execute0_lowered:
.L_overlay_start_1:
0x0: {  	(tag) =	ssettag $0x1  }
0x1: {  	s0 =	rddreg [dreg:$0x0]  }
0x2: {  	s1 =	rddreg [dreg:$0x1]  }
0x3: {  	s2 =	rddreg [dreg:$0x6]  }
0x4: {  	s3 =	srdreg.scid;
	s12 =	stileid.u32  }
0x5: {  	s9 =	simm.s32 $0x0;
	s3 =	sand.u32 $0x1, s3;
	s5 =	sshll.u32 s12, $0x1  }
0x6: {  	s18 =	simm.s32 $0x1;
	[smem:$0x7FF] =	sst s9;
	s5 =	sor.u32 s3, s5  }
0x7: {  	s4 =	ssub.s32 $0x2, s3;
	_ =	strace $0x80000047;
	s22 =	smul.u32 $0x24000, s5  }
0x8: {  	p1 =	seq.s32 s3, $0x1;
	s7 =	sshrl.u32 s4, $0x1;
	s10 =	smul.u32 $0x4800, s5  }
0x9: {  	p0 =	seq.s32 s5, $0x0;
	s21 =	sshll.u32 s5, $0x6;
	s11 =	smul.u32 $0x240, s5  }
0xa: {  	s4 =	ssub.s32 s4, s7;
	p0 =	por !p0, !p1;
	s1 =	sadd.s32 s1, s21  }
0xb: {  	[dreg:$0xa] =	wrdreg s1;
	p0 =	por !p0, !p0;
	s1 =	simm.s32 $0x1  }
0xc: {  	s7 =	sshrl.u32 s22, $0x3;
	s31 =	smax.u32 s4, $0x1;
	s1 =	simm.s32 @!p0 $0x0  }
0xd: {  	s7 =	sadd.s32 s2, s7;
	s2 =	sadd.s32 s2, s10;
	[dreg:$0x11] =	wrdreg s31  }
0xe: {  	s1 =	ssub.s32 s12, s1;
	[dreg:$0xb] =	wrdreg s2;
	s23 =	sadd.s32 $0xC00, s7  }
0xf: {  	s26 =	sadd.s32 $0x1800, s7;
	[dreg:$0xc] =	wrdreg s23;
	s24 =	smul.u32 $0x41, s1  }
0x10: {  	s28 =	sadd.s32 $0x2400, s7;
	[dreg:$0xd] =	wrdreg s26;
	s12 =	smul.u32 $0x10F, s1  }
0x11: {  	s29 =	sadd.s32 $0x3000, s7;
	[dreg:$0xe] =	wrdreg s28;
	s13 =	smul.u32 $0x101, s1  }
0x12: {  	v10 =	vlaneseq.u32;
	vm0 =	vmmov $0xffff;
	s7 =	sadd.s32 $0x3C00, s7;
	[dreg:$0xf] =	wrdreg s29;
	s14 =	smul.u32 $0xC4, s1  }
.Ltmp0:
0x13: {  	v12 =	vand.u32 $0x7, v10;
	v13 =	vshrl.u32 v10, $0x3;
	v14 =	vor.u32 $0x8, v10;
	s30 =	sshll.u32 s1, $0x1;
	[dreg:$0x10] =	wrdreg s7;
	(pc) =	sbr.rel .LBB2_1-.Ltmp0, $4  }
0x14: {  	v13 =	vmul.u32 $0x8, v13;
	v0 =	vmov s21;
	v1 =	vmov s11;
	s16 =	smul.u32 $0x32, s1;
	s15 =	sshll.u32 s1, $0x8;
	s2 =	ssub.s32 s5, s30  }
0x15: {  	s25 =	smul.u32 $0xC5, s1;
	s1 =	simm.s32 $0x0;
	v2 =	vmov s15;
	p0 =	seq.s32 s2, $0x1;
	v3 =	vmov s24;
	v4 =	vmov s12  }
0x16: {  	p1 =	sne.s32 s2, $0x0;
	s17 =	sadd.s32 $0x1B20, s24;
	s26 =	sadd.s32 $0x1800, s16;
	v6 =	vmov s13;
	v7 =	vmov s14;
	v8 =	vmov s16  }
0x17: {  	s16 =	simm.s32 $0x480;
	v11 =	vmov s25;
	s25 =	simm.s32 $0x1480;
	v5 =	vmov s17;
	v9 =	vmov s26;
	s17 =	simm.s32 $0x2  }
.LBB2_11:
0x18: {  	s1 =	sadd.s32 $0x1, s1;
	s28 =	rddreg [dreg:$0x11]  }
0x19: {  	p2 =	sne.s32 s1, s28  }
.Ltmp1:
0x1a: {  	_ = 	snop;
	(pc) =	sbr.rel @!p2 .LBB2_12-.Ltmp1, $1  }
0x1b: {  	_ =	sdelay $0x3  }
.LBB2_1:
0x1c: {  	v15 =	vor.u32 s9, v10  }
0x1d: {  	v16 =	vmul.u32 $0x1C72, v15;
	_ =	sdelay $0x1  }
0x1e: {  	v17 =	vshrl.u32 v16, $0x10  }
0x1f: {  	v16 =	vmul.u32 $0xFFFFFFF7, v17;
	_ =	sdelay $0x1  }
0x20: {  	v18 =	vadd.s32 v15, v16;
	v16 =	vshll.u32 v17, $0x3  }
0x21: {  	v16 =	vadd.s32 v16, v18  }
0x22: {  	vm1 =	vgt.s32 v16, $0x1  }
0x23: {  	[dreg:$0x12] =	wrdreg s1;
	s28 =	simm.s32 $0x10;
	v16 =	vnsel vm1, $0x1, v16  }
0x24: {  	s31 =	simm.s32 $0x3;
	v20 =	vor.u32 s28, v10;
	s28 =	rddreg [dreg:$0xa];
	v16 =	vadd.s32 $0xFFFFFFFF, v16  }
0x25: {  	[tilespmem:s9], [sflag:$0x3] =	stream.linear.gather [hbm4b:s28+s9], $0x200, $0x38;
	v19 =	vmul.u32 $0x1C72, v20;
	[tilespmem:$0xFC00] =	vst v63  }
0x26: {  	_ =	swait.ge [sflag:s31], $0x200  }
0x27: {  	[sflag:s31] =	ssyncset.done $0x0;
	v21 =	vshrl.u32 v19, $0x10  }
0x28: {  	[sflag:s31] =	ssyncadd.s32 $0xFFFFFE00;
	v19 =	vmul.u32 $0xFFFFFFF7, v21  }
0x29: {  	v22 =	vld.idx.msk [tilespmem:v16+s9+$0x0], $0xffff  }
0x2a: {  	v16 =	vadd.s32 v20, v19;
	v19 =	vshll.u32 v21, $0x3  }
0x2b: {  	v23 =	vadd.s32 v1, v15;
	v17 =	vadd.s32 v0, v17;
	v19 =	vadd.s32 v19, v16  }
0x2c: {  	v23 =	vand.u32 $0x1FF, v23;
	v17 =	vmul.u32 $0x3, v17;
	vm1 =	vgt.s32 v19, $0x1  }
0x2d: {  	s28 =	simm.s32 $0x20;
	v23 =	vadd.s32 $0x1F30, v23;
	v19 =	vnsel vm1, $0x1, v19  }
0x2e: {  	v15 =	vor.u32 s28, v10;
	v19 =	vadd.s32 $0xFFFFFFFF, v19;
	v24 =	vadd.s32 v22, v17  }
0x2f: {  	v61 =	vmul.u32 $0x1C72, v15;
	vm1 =	vlt.s32 v22, $0x2;
	v22 =	vadd.s32 $0x1, v24  }
0x30: {  	vm2 =	veq.s32 v18, $0x0;
	v18 =	vsel vm1, v22, v23  }
0x31: {  	s28 =	simm.s32 $0x200;
	v17 =	vsel vm2, v17, v18;
	v18 =	vshrl.u32 v61, $0x10  }
0x32: {  	[tilespmem:s28+$0x0] =	vst v17;
	v17 =	vmul.u32 $0xFFFFFFF7, v18  }
0x33: {  	v23 =	vld.idx.msk [tilespmem:v19+s9+$0x0], $0xffff  }
0x34: {  	v19 =	vadd.s32 v15, v17;
	v17 =	vshll.u32 v18, $0x3  }
0x35: {  	v22 =	vadd.s32 v17, v19;
	v17 =	vadd.s32 v0, v21  }
0x36: {  	s29 =	simm.s32 $0x30;
	vm1 =	vgt.s32 v22, $0x1;
	v21 =	vmul.u32 $0x3, v17  }
0x37: {  	v62 =	vadd.s32 v1, v20;
	v17 =	vor.u32 s29, v10;
	v22 =	vnsel vm1, $0x1, v22  }
0x38: {  	v20 =	vadd.s32 $0xFFFFFFFF, v22;
	v22 =	vand.u32 $0x1FF, v62;
	v63 =	vadd.s32 v23, v21  }
0x39: {  	s29 =	simm.s32 $0x40;
	vm1 =	vlt.s32 v23, $0x2;
	v22 =	vadd.s32 $0x1F30, v22;
	v23 =	vadd.s32 $0x1, v63  }
.LBB2_2:
0x3a: {  	p2 =	sne.s32 s29, $0x230;
	v24 =	vmul.u32 $0x1C72, v17;
	vm2 =	veq.s32 v16, $0x0;
	v22 =	vsel vm1, v23, v22;
	v16 =	vmovc v19  }
0x3b: {  	s28 =	sadd.s32 $0x10, s28;
	v19 =	vsel vm2, v21, v22  }
0x3c: {  	v21 =	vshrl.u32 v24, $0x10;
	[tilespmem:s28+$0x0] =	vst v19  }
0x3d: {  	v19 =	vmul.u32 $0xFFFFFFF7, v21;
	v23 =	vld.idx.msk [tilespmem:v20+s9+$0x0], $0xffff;
	_ =	sdelay $0x1  }
0x3e: {  	v20 =	vshll.u32 v21, $0x3;
	v19 =	vadd.s32 v17, v19  }
.Ltmp2:
0x3f: {  	v22 =	vadd.s32 v0, v18;
	v18 =	vmov v21;
	v20 =	vadd.s32 v20, v19;
	(pc) =	sbr.rel @p2 .LBB2_2-.Ltmp2, $4  }
0x40: {  	v21 =	vmul.u32 $0x3, v22;
	vm1 =	vgt.s32 v20, $0x1  }
0x41: {  	v22 =	vadd.s32 v1, v15;
	v15 =	vmovc v17;
	v17 =	vor.u32 s29, v10;
	v20 =	vnsel vm1, $0x1, v20  }
0x42: {  	v22 =	vand.u32 $0x1FF, v22;
	v24 =	vadd.s32 v23, v21;
	v20 =	vadd.s32 $0xFFFFFFFF, v20  }
0x43: {  	s29 =	sadd.s32 $0x10, s29;
	v22 =	vadd.s32 $0x1F30, v22;
	vm1 =	vlt.s32 v23, $0x2;
	v23 =	vadd.s32 $0x1, v24  }
0x44: {  	v24 =	vmul.u32 $0x1C72, v17  }
0x45: {  	vm2 =	veq.s32 v16, $0x0;
	v59 =	vsel vm1, v23, v22  }
0x46: {  	s28 =	sadd.s32 $0x10, s28;
	v16 =	vsel vm2, v21, v59;
	v60 =	vshrl.u32 v24, $0x10  }
0x47: {  	[tilespmem:s28+$0x0] =	vst v16;
	v61 =	vmul.u32 $0xFFFFFFF7, v60  }
0x48: {  	v20 =	vld.idx.msk [tilespmem:v20+s9+$0x0], $0xffff  }
0x49: {  	v62 =	vshll.u32 v60, $0x3;
	v16 =	vadd.s32 v17, v61  }
0x4a: {  	v18 =	vadd.s32 v0, v18;
	v22 =	vadd.s32 v62, v16  }
0x4b: {  	v18 =	vmul.u32 $0x3, v18;
	vm1 =	vgt.s32 v22, $0x1  }
0x4c: {  	v15 =	vadd.s32 v1, v15;
	v22 =	vnsel vm1, $0x1, v22  }
0x4d: {  	v15 =	vand.u32 $0x1FF, v15;
	v63 =	vadd.s32 v20, v18;
	v22 =	vadd.s32 $0xFFFFFFFF, v22  }
0x4e: {  	v15 =	vadd.s32 $0x1F30, v15;
	vm1 =	vlt.s32 v20, $0x2;
	v24 =	vadd.s32 $0x1, v63  }
0x4f: {  	vm2 =	veq.s32 v19, $0x0;
	v15 =	vsel vm1, v24, v15  }
0x50: {  	s28 =	sadd.s32 $0x10, s28;
	v15 =	vsel vm2, v18, v15  }
0x51: {  	[tilespmem:s28+$0x0] =	vst v15  }
0x52: {  	v15 =	vld.idx.msk [tilespmem:v22+s9+$0x0], $0xffff;
	_ =	sdelay $0x1  }
0x53: {  	v25 =	vadd.s32 v0, v60  }
0x54: {  	v18 =	vmul.u32 $0x3, v25  }
0x55: {  	v26 =	vadd.s32 v1, v17  }
0x56: {  	v17 =	vand.u32 $0x1FF, v26;
	v27 =	vadd.s32 v15, v18  }
0x57: {  	v17 =	vadd.s32 $0x1F30, v17;
	vm1 =	vlt.s32 v15, $0x2;
	v15 =	vadd.s32 $0x1, v27  }
0x58: {  	vm2 =	veq.s32 v16, $0x0;
	v15 =	vsel vm1, v15, v17  }
0x59: {  	s28 =	sadd.s32 $0x10, s28;
	v15 =	vsel vm2, v18, v15  }
0x5a: {  	[tilespmem:s28+$0x0] =	vst v15  }
0x5b: {  	v15 =	vld [tilespmem:$0x200];
	_ =	sdelay $0x4  }
0x5c: {  	v28 =	vshll.u32 v15, $0x1  }
0x5d: {  	v15 =	vand.u32 $0x7, v15;
	v16 =	vand.u32 $0xFFFFFFF0, v28  }
0x5e: {  	v15 =	vor.u32 v15, v16  }
0x5f: {  	v16 =	vperm.xlane v15, v12;
	_ =	sdelay $0x1  }
0x60: {  	v15 =	vperm.xlane v15, v14;
	v16 =	vadd.s32 v13, v16;
	_ =	sdelay $0x1  }
0x61: {  	v15 =	vadd.s32 v13, v15;
	_ =	sdelay $0x1  }
0x62: {  	s6 =	simm.s32 $0x1C00  }
0x63: {  	[tilespmem:s6], [sflag:$0x1] =	stream.indirect_vreg.gather [hbm4b:s0+s9], $0x80, v16, vm0, $0xb8;
	[tilespmem:$0xFC00] =	vst v63  }
0x64: {  	s22 =	simm.s32 $0x2400  }
0x65: {  	[tilespmem:s22], [sflag:$0x1] =	stream.indirect_vreg.gather [hbm4b:s0+s9], $0x80, v15, vm0, $0xb8;
	[tilespmem:$0xFC00] =	vst v63  }
0x66: {  	v15 =	vld [tilespmem:$0x210];
	_ =	sdelay $0x4  }
0x67: {  	v29 =	vshll.u32 v15, $0x1  }
0x68: {  	v15 =	vand.u32 $0x7, v15;
	v16 =	vand.u32 $0xFFFFFFF0, v29  }
0x69: {  	v15 =	vor.u32 v15, v16  }
0x6a: {  	v16 =	vperm.xlane v15, v12;
	_ =	sdelay $0x1  }
0x6b: {  	v15 =	vperm.xlane v15, v14;
	v16 =	vadd.s32 v13, v16;
	_ =	sdelay $0x1  }
0x6c: {  	v15 =	vadd.s32 v13, v15;
	_ =	sdelay $0x1  }
0x6d: {  	s23 =	simm.s32 $0x2C00  }
0x6e: {  	[tilespmem:s23], [sflag:$0x1] =	stream.indirect_vreg.gather [hbm4b:s0+s9], $0x80, v16, vm0, $0xb8;
	[tilespmem:$0xFC00] =	vst v63  }
0x6f: {  	s24 =	simm.s32 $0x3400  }
0x70: {  	[tilespmem:s24], [sflag:$0x1] =	stream.indirect_vreg.gather [hbm4b:s0+s9], $0x80, v15, vm0, $0xb8;
	[tilespmem:$0xFC00] =	vst v63  }
0x71: {  	v15 =	vld [tilespmem:$0x220];
	_ =	sdelay $0x4  }
0x72: {  	v30 =	vshll.u32 v15, $0x1  }
0x73: {  	v15 =	vand.u32 $0x7, v15;
	v16 =	vand.u32 $0xFFFFFFF0, v30  }
0x74: {  	v15 =	vor.u32 v15, v16  }
0x75: {  	v16 =	vperm.xlane v15, v12;
	_ =	sdelay $0x1  }
0x76: {  	v15 =	vperm.xlane v15, v14;
	v16 =	vadd.s32 v13, v16;
	_ =	sdelay $0x1  }
0x77: {  	v15 =	vadd.s32 v13, v15;
	_ =	sdelay $0x1  }
0x78: {  	s19 =	simm.s32 $0x3C00  }
0x79: {  	[tilespmem:s19], [sflag:$0x1] =	stream.indirect_vreg.gather [hbm4b:s0+s9], $0x80, v16, vm0, $0xb8;
	[tilespmem:$0xFC00] =	vst v63  }
0x7a: {  	s31 =	simm.s32 $0x4400  }
0x7b: {  	[tilespmem:s31], [sflag:$0x1] =	stream.indirect_vreg.gather [hbm4b:s0+s9], $0x80, v15, vm0, $0xb8;
	[tilespmem:$0xFC00] =	vst v63  }
0x7c: {  	v15 =	vld [tilespmem:$0x230];
	_ =	sdelay $0x4  }
0x7d: {  	v31 =	vshll.u32 v15, $0x1  }
0x7e: {  	v15 =	vand.u32 $0x7, v15;
	v16 =	vand.u32 $0xFFFFFFF0, v31  }
0x7f: {  	v15 =	vor.u32 v15, v16  }
0x80: {  	v16 =	vperm.xlane v15, v12;
	_ =	sdelay $0x1  }
0x81: {  	v15 =	vperm.xlane v15, v14;
	v16 =	vadd.s32 v13, v16;
	_ =	sdelay $0x1  }
0x82: {  	v15 =	vadd.s32 v13, v15;
	_ =	sdelay $0x1  }
0x83: {  	s26 =	simm.s32 $0x4C00  }
0x84: {  	[tilespmem:s26], [sflag:$0x1] =	stream.indirect_vreg.gather [hbm4b:s0+s9], $0x80, v16, vm0, $0xb8;
	[tilespmem:$0xFC00] =	vst v63  }
0x85: {  	s29 =	simm.s32 $0x5400  }
0x86: {  	[tilespmem:s29], [sflag:$0x1] =	stream.indirect_vreg.gather [hbm4b:s0+s9], $0x80, v15, vm0, $0xb8;
	[tilespmem:$0xFC00] =	vst v63  }
0x87: {  	v15 =	vld [tilespmem:$0x240];
	_ =	sdelay $0x4  }
0x88: {  	v32 =	vshll.u32 v15, $0x1  }
0x89: {  	v15 =	vand.u32 $0x7, v15;
	v16 =	vand.u32 $0xFFFFFFF0, v32  }
0x8a: {  	v15 =	vor.u32 v15, v16  }
0x8b: {  	v16 =	vperm.xlane v15, v12;
	_ =	sdelay $0x1  }
0x8c: {  	v15 =	vperm.xlane v15, v14;
	v16 =	vadd.s32 v13, v16;
	_ =	sdelay $0x1  }
0x8d: {  	v15 =	vadd.s32 v13, v15;
	_ =	sdelay $0x1  }
0x8e: {  	s2 =	simm.s32 $0x5C00  }
0x8f: {  	[tilespmem:s2], [sflag:$0x1] =	stream.indirect_vreg.gather [hbm4b:s0+s9], $0x80, v16, vm0, $0xb8;
	[tilespmem:$0xFC00] =	vst v63  }
0x90: {  	s1 =	simm.s32 $0x6400  }
0x91: {  	[tilespmem:s1], [sflag:$0x1] =	stream.indirect_vreg.gather [hbm4b:s0+s9], $0x80, v15, vm0, $0xb8;
	[tilespmem:$0xFC00] =	vst v63  }
0x92: {  	v15 =	vld [tilespmem:$0x250];
	_ =	sdelay $0x4  }
0x93: {  	v33 =	vshll.u32 v15, $0x1  }
0x94: {  	v15 =	vand.u32 $0x7, v15;
	v16 =	vand.u32 $0xFFFFFFF0, v33  }
0x95: {  	v15 =	vor.u32 v15, v16  }
0x96: {  	v16 =	vperm.xlane v15, v12;
	_ =	sdelay $0x1  }
0x97: {  	v15 =	vperm.xlane v15, v14;
	v16 =	vadd.s32 v13, v16;
	_ =	sdelay $0x1  }
0x98: {  	v15 =	vadd.s32 v13, v15;
	_ =	sdelay $0x1  }
0x99: {  	s3 =	simm.s32 $0x6C00  }
0x9a: {  	[tilespmem:s3], [sflag:$0x1] =	stream.indirect_vreg.gather [hbm4b:s0+s9], $0x80, v16, vm0, $0xb8;
	[tilespmem:$0xFC00] =	vst v63  }
0x9b: {  	s4 =	simm.s32 $0x7400  }
0x9c: {  	[tilespmem:s4], [sflag:$0x1] =	stream.indirect_vreg.gather [hbm4b:s0+s9], $0x80, v15, vm0, $0xb8;
	[tilespmem:$0xFC00] =	vst v63  }
0x9d: {  	_ =	swait.ge [sflag:s18], $0x6000  }
0x9e: {  	[sflag:s18] =	ssyncset.done $0x0  }
0x9f: {  	[sflag:s18] =	ssyncadd.s32 $0xFFFFA000  }
0xa0: {  	v15 =	vld [tilespmem:$0x260];
	_ =	sdelay $0x4  }
0xa1: {  	v34 =	vshll.u32 v15, $0x1  }
0xa2: {  	v15 =	vand.u32 $0x7, v15;
	v16 =	vand.u32 $0xFFFFFFF0, v34  }
0xa3: {  	v15 =	vor.u32 v15, v16  }
0xa4: {  	v16 =	vperm.xlane v15, v12;
	_ =	sdelay $0x1  }
0xa5: {  	v15 =	vperm.xlane v15, v14;
	v16 =	vadd.s32 v13, v16;
	_ =	sdelay $0x1  }
0xa6: {  	v15 =	vadd.s32 v13, v15;
	_ =	sdelay $0x1  }
0xa7: {  	s20 =	simm.s32 $0x8C00  }
0xa8: {  	[tilespmem:s20], [sflag:$0x1] =	stream.indirect_vreg.gather [hbm4b:s0+s9], $0x80, v16, vm0, $0xb8;
	[tilespmem:$0xFC00] =	vst v63  }
0xa9: {  	s5 =	simm.s32 $0x9400  }
0xaa: {  	[tilespmem:s5], [sflag:$0x1] =	stream.indirect_vreg.gather [hbm4b:s0+s9], $0x80, v15, vm0, $0xb8;
	[tilespmem:$0xFC00] =	vst v63  }
0xab: {  	v15 =	vld [tilespmem:$0x270];
	_ =	sdelay $0x4  }
0xac: {  	v35 =	vshll.u32 v15, $0x1  }
0xad: {  	v15 =	vand.u32 $0x7, v15;
	v16 =	vand.u32 $0xFFFFFFF0, v35  }
0xae: {  	v15 =	vor.u32 v15, v16  }
0xaf: {  	v16 =	vperm.xlane v15, v12;
	_ =	sdelay $0x1  }
0xb0: {  	v15 =	vperm.xlane v15, v14;
	v16 =	vadd.s32 v13, v16;
	_ =	sdelay $0x1  }
0xb1: {  	v15 =	vadd.s32 v13, v15;
	_ =	sdelay $0x1  }
0xb2: {  	s10 =	simm.s32 $0x9C00  }
0xb3: {  	[tilespmem:s10], [sflag:$0x1] =	stream.indirect_vreg.gather [hbm4b:s0+s9], $0x80, v16, vm0, $0xb8;
	[tilespmem:$0xFC00] =	vst v63  }
0xb4: {  	s11 =	simm.s32 $0xA400  }
0xb5: {  	[tilespmem:s11], [sflag:$0x1] =	stream.indirect_vreg.gather [hbm4b:s0+s9], $0x80, v15, vm0, $0xb8;
	[tilespmem:$0xFC00] =	vst v63  }
0xb6: {  	v15 =	vld [tilespmem:$0x280];
	_ =	sdelay $0x4  }
0xb7: {  	v36 =	vshll.u32 v15, $0x1  }
0xb8: {  	v15 =	vand.u32 $0x7, v15;
	v16 =	vand.u32 $0xFFFFFFF0, v36  }
0xb9: {  	v15 =	vor.u32 v15, v16  }
0xba: {  	v16 =	vperm.xlane v15, v12;
	_ =	sdelay $0x1  }
0xbb: {  	v15 =	vperm.xlane v15, v14;
	v16 =	vadd.s32 v13, v16;
	_ =	sdelay $0x1  }
0xbc: {  	v15 =	vadd.s32 v13, v15;
	_ =	sdelay $0x1  }
0xbd: {  	s12 =	simm.s32 $0xAC00  }
0xbe: {  	[tilespmem:s12], [sflag:$0x1] =	stream.indirect_vreg.gather [hbm4b:s0+s9], $0x80, v16, vm0, $0xb8;
	[tilespmem:$0xFC00] =	vst v63  }
0xbf: {  	s13 =	simm.s32 $0xB400  }
0xc0: {  	[tilespmem:s13], [sflag:$0x1] =	stream.indirect_vreg.gather [hbm4b:s0+s9], $0x80, v15, vm0, $0xb8;
	[tilespmem:$0xFC00] =	vst v63  }
0xc1: {  	v15 =	vld [tilespmem:$0x290];
	_ =	sdelay $0x4  }
0xc2: {  	v37 =	vshll.u32 v15, $0x1  }
0xc3: {  	v15 =	vand.u32 $0x7, v15;
	v16 =	vand.u32 $0xFFFFFFF0, v37  }
0xc4: {  	v15 =	vor.u32 v15, v16  }
0xc5: {  	v16 =	vperm.xlane v15, v12;
	_ =	sdelay $0x1  }
0xc6: {  	v15 =	vperm.xlane v15, v14;
	v16 =	vadd.s32 v13, v16;
	_ =	sdelay $0x1  }
0xc7: {  	v15 =	vadd.s32 v13, v15;
	_ =	sdelay $0x1  }
0xc8: {  	s14 =	simm.s32 $0xBC00  }
0xc9: {  	[tilespmem:s14], [sflag:$0x1] =	stream.indirect_vreg.gather [hbm4b:s0+s9], $0x80, v16, vm0, $0xb8;
	[tilespmem:$0xFC00] =	vst v63  }
0xca: {  	s15 =	simm.s32 $0xC400  }
0xcb: {  	[tilespmem:s15], [sflag:$0x1] =	stream.indirect_vreg.gather [hbm4b:s0+s9], $0x80, v15, vm0, $0xb8;
	[tilespmem:$0xFC00] =	vst v63  }
0xcc: {  	v15 =	vld [tilespmem:$0x2A0];
	_ =	sdelay $0x4  }
0xcd: {  	v38 =	vshll.u32 v15, $0x1  }
0xce: {  	v15 =	vand.u32 $0x7, v15;
	v16 =	vand.u32 $0xFFFFFFF0, v38  }
0xcf: {  	v15 =	vor.u32 v15, v16  }
0xd0: {  	v16 =	vperm.xlane v15, v12;
	_ =	sdelay $0x1  }
0xd1: {  	v15 =	vperm.xlane v15, v14;
	v16 =	vadd.s32 v13, v16;
	_ =	sdelay $0x1  }
0xd2: {  	v15 =	vadd.s32 v13, v15;
	_ =	sdelay $0x1  }
0xd3: {  	s21 =	simm.s32 $0xCC00  }
0xd4: {  	[tilespmem:s21], [sflag:$0x1] =	stream.indirect_vreg.gather [hbm4b:s0+s9], $0x80, v16, vm0, $0xb8;
	[tilespmem:$0xFC00] =	vst v63  }
0xd5: {  	s7 =	simm.s32 $0xD400  }
0xd6: {  	[tilespmem:s7], [sflag:$0x1] =	stream.indirect_vreg.gather [hbm4b:s0+s9], $0x80, v15, vm0, $0xb8;
	[tilespmem:$0xFC00] =	vst v63  }
0xd7: {  	v15 =	vld [tilespmem:$0x2B0];
	_ =	sdelay $0x4  }
0xd8: {  	v39 =	vshll.u32 v15, $0x1  }
0xd9: {  	v15 =	vand.u32 $0x7, v15;
	v16 =	vand.u32 $0xFFFFFFF0, v39  }
0xda: {  	v15 =	vor.u32 v15, v16  }
0xdb: {  	v16 =	vperm.xlane v15, v12;
	_ =	sdelay $0x1  }
0xdc: {  	v15 =	vperm.xlane v15, v14;
	v16 =	vadd.s32 v13, v16;
	_ =	sdelay $0x1  }
0xdd: {  	v15 =	vadd.s32 v13, v15;
	_ =	sdelay $0x1  }
0xde: {  	s8 =	simm.s32 $0xDC00  }
0xdf: {  	[tilespmem:s8], [sflag:$0x1] =	stream.indirect_vreg.gather [hbm4b:s0+s9], $0x80, v16, vm0, $0xb8;
	[tilespmem:$0xFC00] =	vst v63  }
0xe0: {  	s30 =	simm.s32 $0xE400  }
0xe1: {  	[tilespmem:s30], [sflag:$0x1] =	stream.indirect_vreg.gather [hbm4b:s0+s9], $0x80, v15, vm0, $0xb8;
	[tilespmem:$0xFC00] =	vst v63  }
0xe2: {  	s28 =	rddreg [dreg:$0xb]  }
0xe3: {  	[hbm4b:s28+s9] =	stream.linear.scatter [tilespmem:s6], [sflag:$0x2], $0x6000, $0x38;
	[tilespmem:$0xFC00] =	vst v63  }
0xe4: {  	_ =	swait.ge [sflag:s18], $0x6000  }
0xe5: {  	[sflag:s18] =	ssyncset.done $0x0  }
0xe6: {  	[sflag:s18] =	ssyncadd.s32 $0xFFFFA000  }
0xe7: {  	_ =	swait.ge [sflag:s17], $0x6000  }
0xe8: {  	[sflag:s17] =	ssyncset.done $0x0  }
0xe9: {  	[sflag:s17] =	ssyncadd.s32 $0xFFFFA000  }
0xea: {  	v15 =	vld [tilespmem:$0x2C0];
	_ =	sdelay $0x4  }
0xeb: {  	v40 =	vshll.u32 v15, $0x1  }
0xec: {  	v15 =	vand.u32 $0x7, v15;
	v16 =	vand.u32 $0xFFFFFFF0, v40  }
0xed: {  	v15 =	vor.u32 v15, v16  }
0xee: {  	v16 =	vperm.xlane v15, v12;
	_ =	sdelay $0x1  }
0xef: {  	v15 =	vperm.xlane v15, v14;
	v16 =	vadd.s32 v13, v16;
	_ =	sdelay $0x1  }
0xf0: {  	v15 =	vadd.s32 v13, v15;
	_ =	sdelay $0x2  }
0xf1: {  	[tilespmem:s6], [sflag:$0x1] =	stream.indirect_vreg.gather [hbm4b:s0+s9], $0x80, v16, vm0, $0xb8;
	[tilespmem:$0xFC00] =	vst v63  }
0xf2: {  	_ = 	snop  }
0xf3: {  	[tilespmem:s22], [sflag:$0x1] =	stream.indirect_vreg.gather [hbm4b:s0+s9], $0x80, v15, vm0, $0xb8;
	[tilespmem:$0xFC00] =	vst v63  }
0xf4: {  	v15 =	vld [tilespmem:$0x2D0];
	_ =	sdelay $0x4  }
0xf5: {  	v41 =	vshll.u32 v15, $0x1  }
0xf6: {  	v15 =	vand.u32 $0x7, v15;
	v16 =	vand.u32 $0xFFFFFFF0, v41  }
0xf7: {  	v15 =	vor.u32 v15, v16  }
0xf8: {  	v16 =	vperm.xlane v15, v12;
	_ =	sdelay $0x1  }
0xf9: {  	v15 =	vperm.xlane v15, v14;
	v16 =	vadd.s32 v13, v16;
	_ =	sdelay $0x1  }
0xfa: {  	v15 =	vadd.s32 v13, v15;
	_ =	sdelay $0x2  }
0xfb: {  	[tilespmem:s23], [sflag:$0x1] =	stream.indirect_vreg.gather [hbm4b:s0+s9], $0x80, v16, vm0, $0xb8;
	[tilespmem:$0xFC00] =	vst v63  }
0xfc: {  	_ = 	snop  }
0xfd: {  	[tilespmem:s24], [sflag:$0x1] =	stream.indirect_vreg.gather [hbm4b:s0+s9], $0x80, v15, vm0, $0xb8;
	[tilespmem:$0xFC00] =	vst v63  }
0xfe: {  	v15 =	vld [tilespmem:$0x2E0];
	_ =	sdelay $0x4  }
0xff: {  	v42 =	vshll.u32 v15, $0x1  }
0x100: {  	v15 =	vand.u32 $0x7, v15;
	v16 =	vand.u32 $0xFFFFFFF0, v42  }
0x101: {  	v15 =	vor.u32 v15, v16  }
0x102: {  	v16 =	vperm.xlane v15, v12;
	_ =	sdelay $0x1  }
0x103: {  	v15 =	vperm.xlane v15, v14;
	v16 =	vadd.s32 v13, v16;
	_ =	sdelay $0x1  }
0x104: {  	v15 =	vadd.s32 v13, v15;
	_ =	sdelay $0x2  }
0x105: {  	[tilespmem:s19], [sflag:$0x1] =	stream.indirect_vreg.gather [hbm4b:s0+s9], $0x80, v16, vm0, $0xb8;
	[tilespmem:$0xFC00] =	vst v63  }
0x106: {  	_ = 	snop  }
0x107: {  	[tilespmem:s31], [sflag:$0x1] =	stream.indirect_vreg.gather [hbm4b:s0+s9], $0x80, v15, vm0, $0xb8;
	[tilespmem:$0xFC00] =	vst v63  }
0x108: {  	v15 =	vld [tilespmem:$0x2F0];
	_ =	sdelay $0x4  }
0x109: {  	v43 =	vshll.u32 v15, $0x1  }
0x10a: {  	v15 =	vand.u32 $0x7, v15;
	v16 =	vand.u32 $0xFFFFFFF0, v43  }
0x10b: {  	v15 =	vor.u32 v15, v16  }
0x10c: {  	v16 =	vperm.xlane v15, v12;
	_ =	sdelay $0x1  }
0x10d: {  	v15 =	vperm.xlane v15, v14;
	v16 =	vadd.s32 v13, v16;
	_ =	sdelay $0x1  }
0x10e: {  	v15 =	vadd.s32 v13, v15;
	_ =	sdelay $0x2  }
0x10f: {  	[tilespmem:s26], [sflag:$0x1] =	stream.indirect_vreg.gather [hbm4b:s0+s9], $0x80, v16, vm0, $0xb8;
	[tilespmem:$0xFC00] =	vst v63  }
0x110: {  	_ = 	snop  }
0x111: {  	[tilespmem:s29], [sflag:$0x1] =	stream.indirect_vreg.gather [hbm4b:s0+s9], $0x80, v15, vm0, $0xb8;
	[tilespmem:$0xFC00] =	vst v63  }
0x112: {  	v15 =	vld [tilespmem:$0x300];
	_ =	sdelay $0x4  }
0x113: {  	v44 =	vshll.u32 v15, $0x1  }
0x114: {  	v15 =	vand.u32 $0x7, v15;
	v16 =	vand.u32 $0xFFFFFFF0, v44  }
0x115: {  	v15 =	vor.u32 v15, v16  }
0x116: {  	v16 =	vperm.xlane v15, v12;
	_ =	sdelay $0x1  }
0x117: {  	v15 =	vperm.xlane v15, v14;
	v16 =	vadd.s32 v13, v16;
	_ =	sdelay $0x1  }
0x118: {  	v15 =	vadd.s32 v13, v15;
	_ =	sdelay $0x2  }
0x119: {  	[tilespmem:s2], [sflag:$0x1] =	stream.indirect_vreg.gather [hbm4b:s0+s9], $0x80, v16, vm0, $0xb8;
	[tilespmem:$0xFC00] =	vst v63  }
0x11a: {  	_ = 	snop  }
0x11b: {  	[tilespmem:s1], [sflag:$0x1] =	stream.indirect_vreg.gather [hbm4b:s0+s9], $0x80, v15, vm0, $0xb8;
	[tilespmem:$0xFC00] =	vst v63  }
0x11c: {  	v15 =	vld [tilespmem:$0x310];
	_ =	sdelay $0x4  }
0x11d: {  	v45 =	vshll.u32 v15, $0x1  }
0x11e: {  	v15 =	vand.u32 $0x7, v15;
	v16 =	vand.u32 $0xFFFFFFF0, v45  }
0x11f: {  	v15 =	vor.u32 v15, v16  }
0x120: {  	v16 =	vperm.xlane v15, v12;
	_ =	sdelay $0x1  }
0x121: {  	v15 =	vperm.xlane v15, v14;
	v16 =	vadd.s32 v13, v16;
	_ =	sdelay $0x1  }
0x122: {  	v15 =	vadd.s32 v13, v15;
	_ =	sdelay $0x2  }
0x123: {  	[tilespmem:s3], [sflag:$0x1] =	stream.indirect_vreg.gather [hbm4b:s0+s9], $0x80, v16, vm0, $0xb8;
	[tilespmem:$0xFC00] =	vst v63  }
0x124: {  	_ = 	snop  }
0x125: {  	[tilespmem:s4], [sflag:$0x1] =	stream.indirect_vreg.gather [hbm4b:s0+s9], $0x80, v15, vm0, $0xb8;
	[tilespmem:$0xFC00] =	vst v63  }
0x126: {  	s28 =	rddreg [dreg:$0xc]  }
0x127: {  	[hbm4b:s28+s9] =	stream.linear.scatter [tilespmem:s20], [sflag:$0x2], $0x6000, $0x38;
	[tilespmem:$0xFC00] =	vst v63  }
0x128: {  	_ =	swait.ge [sflag:s18], $0x6000  }
0x129: {  	[sflag:s18] =	ssyncset.done $0x0  }
0x12a: {  	[sflag:s18] =	ssyncadd.s32 $0xFFFFA000  }
0x12b: {  	_ =	swait.ge [sflag:s17], $0x6000  }
0x12c: {  	[sflag:s17] =	ssyncset.done $0x0  }
0x12d: {  	[sflag:s17] =	ssyncadd.s32 $0xFFFFA000  }
0x12e: {  	v15 =	vld [tilespmem:$0x320];
	_ =	sdelay $0x4  }
0x12f: {  	v46 =	vshll.u32 v15, $0x1  }
0x130: {  	v15 =	vand.u32 $0x7, v15;
	v16 =	vand.u32 $0xFFFFFFF0, v46  }
0x131: {  	v15 =	vor.u32 v15, v16  }
0x132: {  	v16 =	vperm.xlane v15, v12;
	_ =	sdelay $0x1  }
0x133: {  	v15 =	vperm.xlane v15, v14;
	v16 =	vadd.s32 v13, v16;
	_ =	sdelay $0x1  }
0x134: {  	v15 =	vadd.s32 v13, v15;
	_ =	sdelay $0x2  }
0x135: {  	[tilespmem:s20], [sflag:$0x1] =	stream.indirect_vreg.gather [hbm4b:s0+s9], $0x80, v16, vm0, $0xb8;
	[tilespmem:$0xFC00] =	vst v63  }
0x136: {  	_ = 	snop  }
0x137: {  	[tilespmem:s5], [sflag:$0x1] =	stream.indirect_vreg.gather [hbm4b:s0+s9], $0x80, v15, vm0, $0xb8;
	[tilespmem:$0xFC00] =	vst v63  }
0x138: {  	v15 =	vld [tilespmem:$0x330];
	_ =	sdelay $0x4  }
0x139: {  	v47 =	vshll.u32 v15, $0x1  }
0x13a: {  	v15 =	vand.u32 $0x7, v15;
	v16 =	vand.u32 $0xFFFFFFF0, v47  }
0x13b: {  	v15 =	vor.u32 v15, v16  }
0x13c: {  	v16 =	vperm.xlane v15, v12;
	_ =	sdelay $0x1  }
0x13d: {  	v15 =	vperm.xlane v15, v14;
	v16 =	vadd.s32 v13, v16;
	_ =	sdelay $0x1  }
0x13e: {  	v15 =	vadd.s32 v13, v15;
	_ =	sdelay $0x2  }
0x13f: {  	[tilespmem:s10], [sflag:$0x1] =	stream.indirect_vreg.gather [hbm4b:s0+s9], $0x80, v16, vm0, $0xb8;
	[tilespmem:$0xFC00] =	vst v63  }
0x140: {  	_ = 	snop  }
0x141: {  	[tilespmem:s11], [sflag:$0x1] =	stream.indirect_vreg.gather [hbm4b:s0+s9], $0x80, v15, vm0, $0xb8;
	[tilespmem:$0xFC00] =	vst v63  }
0x142: {  	v15 =	vld [tilespmem:$0x340];
	_ =	sdelay $0x4  }
0x143: {  	v48 =	vshll.u32 v15, $0x1  }
0x144: {  	v15 =	vand.u32 $0x7, v15;
	v16 =	vand.u32 $0xFFFFFFF0, v48  }
0x145: {  	v15 =	vor.u32 v15, v16  }
0x146: {  	v16 =	vperm.xlane v15, v12;
	_ =	sdelay $0x1  }
0x147: {  	v15 =	vperm.xlane v15, v14;
	v16 =	vadd.s32 v13, v16;
	_ =	sdelay $0x1  }
0x148: {  	v15 =	vadd.s32 v13, v15;
	_ =	sdelay $0x2  }
0x149: {  	[tilespmem:s12], [sflag:$0x1] =	stream.indirect_vreg.gather [hbm4b:s0+s9], $0x80, v16, vm0, $0xb8;
	[tilespmem:$0xFC00] =	vst v63  }
0x14a: {  	_ = 	snop  }
0x14b: {  	[tilespmem:s13], [sflag:$0x1] =	stream.indirect_vreg.gather [hbm4b:s0+s9], $0x80, v15, vm0, $0xb8;
	[tilespmem:$0xFC00] =	vst v63  }
0x14c: {  	v15 =	vld [tilespmem:$0x350];
	_ =	sdelay $0x4  }
0x14d: {  	v49 =	vshll.u32 v15, $0x1  }
0x14e: {  	v15 =	vand.u32 $0x7, v15;
	v16 =	vand.u32 $0xFFFFFFF0, v49  }
0x14f: {  	v15 =	vor.u32 v15, v16  }
0x150: {  	v16 =	vperm.xlane v15, v12;
	_ =	sdelay $0x1  }
0x151: {  	v15 =	vperm.xlane v15, v14;
	v16 =	vadd.s32 v13, v16;
	_ =	sdelay $0x1  }
0x152: {  	v15 =	vadd.s32 v13, v15;
	_ =	sdelay $0x2  }
0x153: {  	[tilespmem:s14], [sflag:$0x1] =	stream.indirect_vreg.gather [hbm4b:s0+s9], $0x80, v16, vm0, $0xb8;
	[tilespmem:$0xFC00] =	vst v63  }
0x154: {  	_ = 	snop  }
0x155: {  	[tilespmem:s15], [sflag:$0x1] =	stream.indirect_vreg.gather [hbm4b:s0+s9], $0x80, v15, vm0, $0xb8;
	[tilespmem:$0xFC00] =	vst v63  }
0x156: {  	v15 =	vld [tilespmem:$0x360];
	_ =	sdelay $0x4  }
0x157: {  	v50 =	vshll.u32 v15, $0x1  }
0x158: {  	v15 =	vand.u32 $0x7, v15;
	v16 =	vand.u32 $0xFFFFFFF0, v50  }
0x159: {  	v15 =	vor.u32 v15, v16  }
0x15a: {  	v16 =	vperm.xlane v15, v12;
	_ =	sdelay $0x1  }
0x15b: {  	v15 =	vperm.xlane v15, v14;
	v16 =	vadd.s32 v13, v16;
	_ =	sdelay $0x1  }
0x15c: {  	v15 =	vadd.s32 v13, v15;
	_ =	sdelay $0x2  }
0x15d: {  	[tilespmem:s21], [sflag:$0x1] =	stream.indirect_vreg.gather [hbm4b:s0+s9], $0x80, v16, vm0, $0xb8;
	[tilespmem:$0xFC00] =	vst v63  }
0x15e: {  	_ = 	snop  }
0x15f: {  	[tilespmem:s7], [sflag:$0x1] =	stream.indirect_vreg.gather [hbm4b:s0+s9], $0x80, v15, vm0, $0xb8;
	[tilespmem:$0xFC00] =	vst v63  }
0x160: {  	v15 =	vld [tilespmem:$0x370];
	_ =	sdelay $0x4  }
0x161: {  	v51 =	vshll.u32 v15, $0x1  }
0x162: {  	v15 =	vand.u32 $0x7, v15;
	v16 =	vand.u32 $0xFFFFFFF0, v51  }
0x163: {  	v15 =	vor.u32 v15, v16  }
0x164: {  	v16 =	vperm.xlane v15, v12;
	_ =	sdelay $0x1  }
0x165: {  	v15 =	vperm.xlane v15, v14;
	v16 =	vadd.s32 v13, v16;
	_ =	sdelay $0x1  }
0x166: {  	v15 =	vadd.s32 v13, v15;
	_ =	sdelay $0x2  }
0x167: {  	[tilespmem:s8], [sflag:$0x1] =	stream.indirect_vreg.gather [hbm4b:s0+s9], $0x80, v16, vm0, $0xb8;
	[tilespmem:$0xFC00] =	vst v63  }
0x168: {  	_ = 	snop  }
0x169: {  	[tilespmem:s30], [sflag:$0x1] =	stream.indirect_vreg.gather [hbm4b:s0+s9], $0x80, v15, vm0, $0xb8;
	[tilespmem:$0xFC00] =	vst v63  }
0x16a: {  	s28 =	rddreg [dreg:$0xd]  }
0x16b: {  	[hbm4b:s28+s9] =	stream.linear.scatter [tilespmem:s6], [sflag:$0x2], $0x6000, $0x38;
	[tilespmem:$0xFC00] =	vst v63  }
0x16c: {  	_ =	swait.ge [sflag:s18], $0x6000  }
0x16d: {  	[sflag:s18] =	ssyncset.done $0x0  }
0x16e: {  	[sflag:s18] =	ssyncadd.s32 $0xFFFFA000  }
0x16f: {  	_ =	swait.ge [sflag:s17], $0x6000  }
0x170: {  	[sflag:s17] =	ssyncset.done $0x0  }
0x171: {  	[sflag:s17] =	ssyncadd.s32 $0xFFFFA000  }
0x172: {  	v15 =	vld [tilespmem:$0x380];
	_ =	sdelay $0x4  }
0x173: {  	v52 =	vshll.u32 v15, $0x1  }
0x174: {  	v15 =	vand.u32 $0x7, v15;
	v16 =	vand.u32 $0xFFFFFFF0, v52  }
0x175: {  	v15 =	vor.u32 v15, v16  }
0x176: {  	v16 =	vperm.xlane v15, v12;
	_ =	sdelay $0x1  }
0x177: {  	v15 =	vperm.xlane v15, v14;
	v16 =	vadd.s32 v13, v16;
	_ =	sdelay $0x1  }
0x178: {  	v15 =	vadd.s32 v13, v15;
	_ =	sdelay $0x2  }
0x179: {  	[tilespmem:s6], [sflag:$0x1] =	stream.indirect_vreg.gather [hbm4b:s0+s9], $0x80, v16, vm0, $0xb8;
	[tilespmem:$0xFC00] =	vst v63  }
0x17a: {  	_ = 	snop  }
0x17b: {  	[tilespmem:s22], [sflag:$0x1] =	stream.indirect_vreg.gather [hbm4b:s0+s9], $0x80, v15, vm0, $0xb8;
	[tilespmem:$0xFC00] =	vst v63  }
0x17c: {  	v15 =	vld [tilespmem:$0x390];
	_ =	sdelay $0x4  }
0x17d: {  	v53 =	vshll.u32 v15, $0x1  }
0x17e: {  	v15 =	vand.u32 $0x7, v15;
	v16 =	vand.u32 $0xFFFFFFF0, v53  }
0x17f: {  	v15 =	vor.u32 v15, v16  }
0x180: {  	v16 =	vperm.xlane v15, v12;
	_ =	sdelay $0x1  }
0x181: {  	v15 =	vperm.xlane v15, v14;
	v16 =	vadd.s32 v13, v16;
	_ =	sdelay $0x1  }
0x182: {  	v15 =	vadd.s32 v13, v15;
	_ =	sdelay $0x2  }
0x183: {  	[tilespmem:s23], [sflag:$0x1] =	stream.indirect_vreg.gather [hbm4b:s0+s9], $0x80, v16, vm0, $0xb8;
	[tilespmem:$0xFC00] =	vst v63  }
0x184: {  	_ = 	snop  }
0x185: {  	[tilespmem:s24], [sflag:$0x1] =	stream.indirect_vreg.gather [hbm4b:s0+s9], $0x80, v15, vm0, $0xb8;
	[tilespmem:$0xFC00] =	vst v63  }
0x186: {  	v15 =	vld [tilespmem:$0x3A0];
	_ =	sdelay $0x4  }
0x187: {  	v54 =	vshll.u32 v15, $0x1  }
0x188: {  	v15 =	vand.u32 $0x7, v15;
	v16 =	vand.u32 $0xFFFFFFF0, v54  }
0x189: {  	v15 =	vor.u32 v15, v16  }
0x18a: {  	v16 =	vperm.xlane v15, v12;
	_ =	sdelay $0x1  }
0x18b: {  	v15 =	vperm.xlane v15, v14;
	v16 =	vadd.s32 v13, v16;
	_ =	sdelay $0x1  }
0x18c: {  	v15 =	vadd.s32 v13, v15;
	_ =	sdelay $0x2  }
0x18d: {  	[tilespmem:s19], [sflag:$0x1] =	stream.indirect_vreg.gather [hbm4b:s0+s9], $0x80, v16, vm0, $0xb8;
	[tilespmem:$0xFC00] =	vst v63  }
0x18e: {  	_ = 	snop  }
0x18f: {  	[tilespmem:s31], [sflag:$0x1] =	stream.indirect_vreg.gather [hbm4b:s0+s9], $0x80, v15, vm0, $0xb8;
	[tilespmem:$0xFC00] =	vst v63  }
0x190: {  	v15 =	vld [tilespmem:$0x3B0];
	_ =	sdelay $0x4  }
0x191: {  	v55 =	vshll.u32 v15, $0x1  }
0x192: {  	v15 =	vand.u32 $0x7, v15;
	v16 =	vand.u32 $0xFFFFFFF0, v55  }
0x193: {  	v15 =	vor.u32 v15, v16  }
0x194: {  	v16 =	vperm.xlane v15, v12;
	_ =	sdelay $0x1  }
0x195: {  	v15 =	vperm.xlane v15, v14;
	v16 =	vadd.s32 v13, v16;
	_ =	sdelay $0x1  }
0x196: {  	v15 =	vadd.s32 v13, v15;
	_ =	sdelay $0x2  }
0x197: {  	[tilespmem:s26], [sflag:$0x1] =	stream.indirect_vreg.gather [hbm4b:s0+s9], $0x80, v16, vm0, $0xb8;
	[tilespmem:$0xFC00] =	vst v63  }
0x198: {  	_ = 	snop  }
0x199: {  	[tilespmem:s29], [sflag:$0x1] =	stream.indirect_vreg.gather [hbm4b:s0+s9], $0x80, v15, vm0, $0xb8;
	[tilespmem:$0xFC00] =	vst v63  }
0x19a: {  	v15 =	vld [tilespmem:$0x3C0];
	_ =	sdelay $0x4  }
0x19b: {  	v56 =	vshll.u32 v15, $0x1  }
0x19c: {  	v15 =	vand.u32 $0x7, v15;
	v16 =	vand.u32 $0xFFFFFFF0, v56  }
0x19d: {  	v15 =	vor.u32 v15, v16  }
0x19e: {  	v16 =	vperm.xlane v15, v12;
	_ =	sdelay $0x1  }
0x19f: {  	v15 =	vperm.xlane v15, v14;
	v16 =	vadd.s32 v13, v16;
	_ =	sdelay $0x1  }
0x1a0: {  	v15 =	vadd.s32 v13, v15;
	_ =	sdelay $0x2  }
0x1a1: {  	[tilespmem:s2], [sflag:$0x1] =	stream.indirect_vreg.gather [hbm4b:s0+s9], $0x80, v16, vm0, $0xb8;
	[tilespmem:$0xFC00] =	vst v63  }
0x1a2: {  	_ = 	snop  }
0x1a3: {  	[tilespmem:s1], [sflag:$0x1] =	stream.indirect_vreg.gather [hbm4b:s0+s9], $0x80, v15, vm0, $0xb8;
	[tilespmem:$0xFC00] =	vst v63  }
0x1a4: {  	v15 =	vld [tilespmem:$0x3D0];
	_ =	sdelay $0x4  }
0x1a5: {  	v57 =	vshll.u32 v15, $0x1  }
0x1a6: {  	v15 =	vand.u32 $0x7, v15;
	v16 =	vand.u32 $0xFFFFFFF0, v57  }
0x1a7: {  	v15 =	vor.u32 v15, v16  }
0x1a8: {  	v16 =	vperm.xlane v15, v12;
	_ =	sdelay $0x1  }
0x1a9: {  	v15 =	vperm.xlane v15, v14;
	v16 =	vadd.s32 v13, v16;
	_ =	sdelay $0x1  }
0x1aa: {  	v15 =	vadd.s32 v13, v15;
	_ =	sdelay $0x2  }
0x1ab: {  	[tilespmem:s3], [sflag:$0x1] =	stream.indirect_vreg.gather [hbm4b:s0+s9], $0x80, v16, vm0, $0xb8;
	[tilespmem:$0xFC00] =	vst v63  }
0x1ac: {  	_ = 	snop  }
0x1ad: {  	[tilespmem:s4], [sflag:$0x1] =	stream.indirect_vreg.gather [hbm4b:s0+s9], $0x80, v15, vm0, $0xb8;
	[tilespmem:$0xFC00] =	vst v63  }
0x1ae: {  	s29 =	rddreg [dreg:$0xe]  }
0x1af: {  	[hbm4b:s29+s9] =	stream.linear.scatter [tilespmem:s20], [sflag:$0x2], $0x6000, $0x38;
	[tilespmem:$0xFC00] =	vst v63  }
0x1b0: {  	_ =	swait.ge [sflag:s18], $0x6000  }
0x1b1: {  	[sflag:s18] =	ssyncset.done $0x0  }
0x1b2: {  	[sflag:s18] =	ssyncadd.s32 $0xFFFFA000  }
0x1b3: {  	_ =	swait.ge [sflag:s17], $0x6000  }
0x1b4: {  	[sflag:s17] =	ssyncset.done $0x0  }
0x1b5: {  	[sflag:s17] =	ssyncadd.s32 $0xFFFFA000  }
0x1b6: {  	v15 =	vld [tilespmem:$0x3E0];
	_ =	sdelay $0x4  }
0x1b7: {  	v58 =	vshll.u32 v15, $0x1  }
0x1b8: {  	v15 =	vand.u32 $0x7, v15;
	v16 =	vand.u32 $0xFFFFFFF0, v58  }
0x1b9: {  	v15 =	vor.u32 v15, v16  }
0x1ba: {  	v16 =	vperm.xlane v15, v12;
	_ =	sdelay $0x1  }
0x1bb: {  	v15 =	vperm.xlane v15, v14;
	v16 =	vadd.s32 v13, v16;
	_ =	sdelay $0x1  }
0x1bc: {  	v15 =	vadd.s32 v13, v15;
	_ =	sdelay $0x2  }
0x1bd: {  	[tilespmem:s20], [sflag:$0x1] =	stream.indirect_vreg.gather [hbm4b:s0+s9], $0x80, v16, vm0, $0xb8;
	[tilespmem:$0xFC00] =	vst v63  }
0x1be: {  	_ = 	snop  }
0x1bf: {  	[tilespmem:s5], [sflag:$0x1] =	stream.indirect_vreg.gather [hbm4b:s0+s9], $0x80, v15, vm0, $0xb8;
	[tilespmem:$0xFC00] =	vst v63  }
0x1c0: {  	v15 =	vld [tilespmem:$0x3F0];
	_ =	sdelay $0x4  }
0x1c1: {  	v59 =	vshll.u32 v15, $0x1  }
0x1c2: {  	v15 =	vand.u32 $0x7, v15;
	v16 =	vand.u32 $0xFFFFFFF0, v59  }
0x1c3: {  	v15 =	vor.u32 v15, v16  }
0x1c4: {  	v16 =	vperm.xlane v15, v12;
	_ =	sdelay $0x1  }
0x1c5: {  	v15 =	vperm.xlane v15, v14;
	v16 =	vadd.s32 v13, v16;
	_ =	sdelay $0x1  }
0x1c6: {  	v15 =	vadd.s32 v13, v15;
	_ =	sdelay $0x2  }
0x1c7: {  	[tilespmem:s10], [sflag:$0x1] =	stream.indirect_vreg.gather [hbm4b:s0+s9], $0x80, v16, vm0, $0xb8;
	[tilespmem:$0xFC00] =	vst v63  }
0x1c8: {  	_ = 	snop  }
0x1c9: {  	[tilespmem:s11], [sflag:$0x1] =	stream.indirect_vreg.gather [hbm4b:s0+s9], $0x80, v15, vm0, $0xb8;
	[tilespmem:$0xFC00] =	vst v63  }
0x1ca: {  	v15 =	vld [tilespmem:$0x400];
	_ =	sdelay $0x4  }
0x1cb: {  	v60 =	vshll.u32 v15, $0x1  }
0x1cc: {  	v15 =	vand.u32 $0x7, v15;
	v16 =	vand.u32 $0xFFFFFFF0, v60  }
0x1cd: {  	v15 =	vor.u32 v15, v16  }
0x1ce: {  	v16 =	vperm.xlane v15, v12;
	_ =	sdelay $0x1  }
0x1cf: {  	v15 =	vperm.xlane v15, v14;
	v16 =	vadd.s32 v13, v16;
	_ =	sdelay $0x1  }
0x1d0: {  	v15 =	vadd.s32 v13, v15;
	_ =	sdelay $0x2  }
0x1d1: {  	[tilespmem:s12], [sflag:$0x1] =	stream.indirect_vreg.gather [hbm4b:s0+s9], $0x80, v16, vm0, $0xb8;
	[tilespmem:$0xFC00] =	vst v63  }
0x1d2: {  	_ = 	snop  }
0x1d3: {  	[tilespmem:s13], [sflag:$0x1] =	stream.indirect_vreg.gather [hbm4b:s0+s9], $0x80, v15, vm0, $0xb8;
	[tilespmem:$0xFC00] =	vst v63  }
0x1d4: {  	v15 =	vld [tilespmem:$0x410];
	_ =	sdelay $0x4  }
0x1d5: {  	v61 =	vshll.u32 v15, $0x1  }
0x1d6: {  	v15 =	vand.u32 $0x7, v15;
	v16 =	vand.u32 $0xFFFFFFF0, v61  }
0x1d7: {  	v15 =	vor.u32 v15, v16  }
0x1d8: {  	v16 =	vperm.xlane v15, v12;
	_ =	sdelay $0x1  }
0x1d9: {  	v15 =	vperm.xlane v15, v14;
	v16 =	vadd.s32 v13, v16;
	_ =	sdelay $0x1  }
0x1da: {  	v15 =	vadd.s32 v13, v15;
	_ =	sdelay $0x2  }
0x1db: {  	[tilespmem:s14], [sflag:$0x1] =	stream.indirect_vreg.gather [hbm4b:s0+s9], $0x80, v16, vm0, $0xb8;
	[tilespmem:$0xFC00] =	vst v63  }
0x1dc: {  	_ = 	snop  }
0x1dd: {  	[tilespmem:s15], [sflag:$0x1] =	stream.indirect_vreg.gather [hbm4b:s0+s9], $0x80, v15, vm0, $0xb8;
	[tilespmem:$0xFC00] =	vst v63  }
0x1de: {  	v15 =	vld [tilespmem:$0x420];
	_ =	sdelay $0x4  }
0x1df: {  	v62 =	vshll.u32 v15, $0x1  }
0x1e0: {  	v15 =	vand.u32 $0x7, v15;
	v16 =	vand.u32 $0xFFFFFFF0, v62  }
0x1e1: {  	v15 =	vor.u32 v15, v16  }
0x1e2: {  	v16 =	vperm.xlane v15, v12;
	_ =	sdelay $0x1  }
0x1e3: {  	v15 =	vperm.xlane v15, v14;
	v16 =	vadd.s32 v13, v16;
	_ =	sdelay $0x1  }
0x1e4: {  	v15 =	vadd.s32 v13, v15;
	_ =	sdelay $0x2  }
0x1e5: {  	[tilespmem:s21], [sflag:$0x1] =	stream.indirect_vreg.gather [hbm4b:s0+s9], $0x80, v16, vm0, $0xb8;
	[tilespmem:$0xFC00] =	vst v63  }
0x1e6: {  	_ = 	snop  }
0x1e7: {  	[tilespmem:s7], [sflag:$0x1] =	stream.indirect_vreg.gather [hbm4b:s0+s9], $0x80, v15, vm0, $0xb8;
	[tilespmem:$0xFC00] =	vst v63  }
0x1e8: {  	v15 =	vld [tilespmem:$0x430];
	_ =	sdelay $0x4  }
0x1e9: {  	v63 =	vshll.u32 v15, $0x1  }
0x1ea: {  	v15 =	vand.u32 $0x7, v15;
	v16 =	vand.u32 $0xFFFFFFF0, v63  }
0x1eb: {  	v15 =	vor.u32 v15, v16  }
0x1ec: {  	v16 =	vperm.xlane v15, v12;
	_ =	sdelay $0x1  }
0x1ed: {  	v15 =	vperm.xlane v15, v14;
	v16 =	vadd.s32 v13, v16;
	_ =	sdelay $0x1  }
0x1ee: {  	v15 =	vadd.s32 v13, v15;
	_ =	sdelay $0x2  }
0x1ef: {  	[tilespmem:s8], [sflag:$0x1] =	stream.indirect_vreg.gather [hbm4b:s0+s9], $0x80, v16, vm0, $0xb8;
	[tilespmem:$0xFC00] =	vst v63  }
0x1f0: {  	_ = 	snop  }
0x1f1: {  	[tilespmem:s30], [sflag:$0x1] =	stream.indirect_vreg.gather [hbm4b:s0+s9], $0x80, v15, vm0, $0xb8;
	[tilespmem:$0xFC00] =	vst v63  }
0x1f2: {  	s30 =	rddreg [dreg:$0xf]  }
0x1f3: {  	[hbm4b:s30+s9] =	stream.linear.scatter [tilespmem:s6], [sflag:$0x2], $0x6000, $0x38;
	[tilespmem:$0xFC00] =	vst v63  }
0x1f4: {  	_ =	swait.ge [sflag:s18], $0x6000  }
0x1f5: {  	[sflag:s18] =	ssyncset.done $0x0  }
0x1f6: {  	s31 =	rddreg [dreg:$0x10];
	[sflag:s18] =	ssyncadd.s32 $0xFFFFA000  }
0x1f7: {  	[hbm4b:s31+s9] =	stream.linear.scatter [tilespmem:s20], [sflag:$0x2], $0x6000, $0x38;
	[tilespmem:$0xFC00] =	vst v63  }
0x1f8: {  	_ =	swait.ge [sflag:s17], $0x6000  }
.Ltmp3:
0x1f9: {  	[sflag:s17] =	ssyncset.done $0x0;
	(pc) =	sbr.rel @p0 .LBB2_8-.Ltmp3, $4  }
0x1fa: {  	[sflag:s17] =	ssyncadd.s32 $0xFFFFA000  }
0x1fb: {  	_ =	swait.ge [sflag:s17], $0x6000  }
0x1fc: {  	[sflag:s17] =	ssyncset.done $0x0  }
0x1fd: {  	[sflag:s17] =	ssyncadd.s32 $0xFFFFA000  }
.Ltmp4:
0x1fe: {  	(pc) =	sbr.rel @p1 .LBB2_11-.Ltmp4, $2  }
0x1ff: {  	_ =	sdelay $0x2  }
0x200: {  	s1 =	rddreg [dreg:$0x12]  }
0x201: {  	s28 =	simm.s32 $0x0;
	v15 =	vadd.s32 $0xFFFFFFFF, v10;
	s29 =	rddreg [dreg:$0x2];
	s1 =	simm.s32 $0x3  }
0x202: {  	v16 =	vadd.s32 s28, v15;
	[tilespmem:s16], [sflag:$0x3] =	stream.linear.gather [hbm4b:s29+s28], $0xC40, $0x38;
	[tilespmem:$0xFC00] =	vst v63  }
0x203: {  	vm1 =	vgt.s32 v16, $0x0;
	_ =	swait.ge [sflag:s1], $0xC40  }
0x204: {  	v16 =	vnsel vm1, $0x0, v16;
	[sflag:s1] =	ssyncset.done $0x0  }
0x205: {  	v16 =	vmin.u32 v16, $0xC3;
	[sflag:s1] =	ssyncadd.s32 $0xFFFFF3C0  }
0x206: {  	v16 =	vadd.s32 v7, v16;
	s29 =	rddreg [dreg:$0x4]  }
0x207: {  	[tilespmem:s25], [sflag:$0x3] =	stream.linear.gather [hbm4b:s29+s28], $0x320, $0x38;
	[tilespmem:$0xFC00] =	vst v63  }
0x208: {  	_ =	swait.ge [sflag:s1], $0x320  }
0x209: {  	[sflag:s1] =	ssyncset.done $0x0  }
0x20a: {  	[sflag:s1] =	ssyncadd.s32 $0xFFFFFCE0  }
0x20b: {  	v16 =	vld.idx.msk [tilespmem:v16+s16+$0x0], $0xffff;
	_ =	sdelay $0x3  }
0x20c: {  	v17 =	vmov s28  }
0x20d: {  	vm1 =	veq.s32 v17, v10;
	v16 =	vadd.s32 $0x1, v16  }
0x20e: {  	v16 =	vsel vm1, $0x0, v16  }
0x20f: {  	vm1 =	vlt.s32 v16, $0x31  }
0x210: {  	v17 =	vnsel vm1, $0x31, v16  }
0x211: {  	v17 =	vadd.s32 v8, v17;
	_ =	sdelay $0x4  }
0x212: {  	s31 =	simm.s32 $0x10;
	v18 =	vor.u32 s28, v10;
	v17 =	vld.idx.msk [tilespmem:v17+s25+$0x0], $0xffff  }
0x213: {  	v19 =	vadd.s32 s31, v15;
	v20 =	vmul.u32 $0x3, v18  }
0x214: {  	vm1 =	vgt.s32 v19, $0x0  }
0x215: {  	v20 =	vadd.s32 v4, v20;
	v19 =	vnsel vm1, $0x0, v19  }
0x216: {  	v20 =	vand.u32 $0x1FF, v20;
	vm2 =	vlt.s32 v16, $0x32;
	v19 =	vmin.u32 v19, $0xC3  }
0x217: {  	v16 =	vadd.s32 v9, v16;
	v19 =	vadd.s32 v7, v19;
	vm3 =	veq.s32 v17, $0x1  }
0x218: {  	vm1 =	vlt.s32 v18, $0xC4;
	v17 =	vadd.s32 $0x1F30, v20;
	vm2 =	vmand vm3, vm2  }
0x219: {  	s28 =	simm.s32 $0x1900;
	v16 =	vsel vm2, v16, v17;
	v17 =	vnsel vm1, $0xC4, v18  }
0x21a: {  	s29 =	simm.s32 $0x1A80;
	[tilespmem:s28+$0x0] =	vst v16;
	v16 =	vadd.s32 v11, v17  }
0x21b: {  	[tilespmem:s29+$0x0] =	vst v16  }
0x21c: {  	v16 =	vld.idx.msk [tilespmem:v19+s16+$0x0], $0xffff;
	_ =	sdelay $0x3  }
0x21d: {  	v17 =	vmov s31  }
0x21e: {  	vm1 =	veq.s32 v17, v10;
	v16 =	vadd.s32 $0x1, v16  }
0x21f: {  	v16 =	vsel vm1, $0x0, v16  }
0x220: {  	vm1 =	vlt.s32 v16, $0x31  }
0x221: {  	v17 =	vnsel vm1, $0x31, v16  }
0x222: {  	v18 =	vadd.s32 v8, v17;
	_ =	sdelay $0x4  }
0x223: {  	s30 =	simm.s32 $0x20;
	v17 =	vor.u32 s31, v10;
	v18 =	vld.idx.msk [tilespmem:v18+s25+$0x0], $0xffff  }
0x224: {  	v19 =	vadd.s32 s30, v15;
	s31 =	simm.s32 $0x30;
	v20 =	vmul.u32 $0x3, v17  }
.LBB2_6:
0x225: {  	p2 =	sne.s32 s31, $0xC0;
	vm1 =	vgt.s32 v19, $0x0  }
0x226: {  	v19 =	vnsel vm1, $0x0, v19;
	v20 =	vadd.s32 v4, v20  }
0x227: {  	vm1 =	vlt.s32 v17, $0xC4;
	v19 =	vmin.u32 v19, $0xC3;
	v20 =	vand.u32 $0x1FF, v20  }
0x228: {  	vm2 =	vlt.s32 v16, $0x32;
	vm3 =	veq.s32 v18, $0x1;
	v19 =	vadd.s32 v7, v19  }
0x229: {  	v16 =	vadd.s32 v9, v16;
	vm2 =	vmand vm3, vm2;
	v18 =	vadd.s32 $0x1F30, v20  }
0x22a: {  	s28 =	sadd.s32 $0x10, s28;
	v17 =	vnsel vm1, $0xC4, v17;
	v16 =	vsel vm2, v16, v18  }
0x22b: {  	s29 =	sadd.s32 $0x10, s29;
	[tilespmem:s28+$0x0] =	vst v16;
	v16 =	vadd.s32 v11, v17  }
0x22c: {  	[tilespmem:s29+$0x0] =	vst v16  }
0x22d: {  	v16 =	vld.idx.msk [tilespmem:v19+s16+$0x0], $0xffff;
	_ =	sdelay $0x4  }
0x22e: {  	v17 =	vmov s30  }
0x22f: {  	vm1 =	veq.s32 v17, v10;
	v16 =	vadd.s32 $0x1, v16  }
0x230: {  	v16 =	vsel vm1, $0x0, v16  }
0x231: {  	vm1 =	vlt.s32 v16, $0x31  }
0x232: {  	v17 =	vnsel vm1, $0x31, v16  }
0x233: {  	v17 =	vadd.s32 v8, v17;
	_ =	sdelay $0x2  }
.Ltmp5:
0x234: {  	(pc) =	sbr.rel @p2 .LBB2_6-.Ltmp5, $4  }
0x235: {  	_ = 	snop  }
0x236: {  	v18 =	vld.idx.msk [tilespmem:v17+s25+$0x0], $0xffff  }
0x237: {  	v17 =	vor.u32 s30, v10;
	s30 =	smov.u32 s31  }
0x238: {  	s31 =	sadd.s32 $0x10, s31;
	v19 =	vadd.s32 s30, v15;
	v20 =	vmul.u32 $0x3, v17  }
0x239: {  	vm1 =	vgt.s32 v19, $0x0  }
0x23a: {  	vm2 =	vlt.s32 v16, $0x32;
	v15 =	vnsel vm1, $0x0, v19  }
0x23b: {  	v30 =	vadd.s32 v9, v16;
	v28 =	vadd.s32 v4, v20;
	v15 =	vmin.u32 v15, $0xC3  }
0x23c: {  	v19 =	vand.u32 $0x1FF, v28;
	vm3 =	veq.s32 v18, $0x1;
	v15 =	vadd.s32 v7, v15  }
0x23d: {  	vm1 =	vlt.s32 v17, $0xC4;
	vm2 =	vmand vm3, vm2;
	v29 =	vadd.s32 $0x1F30, v19  }
0x23e: {  	s28 =	sadd.s32 $0x10, s28;
	v17 =	vnsel vm1, $0xC4, v17;
	v16 =	vsel vm2, v30, v29  }
0x23f: {  	s29 =	sadd.s32 $0x10, s29;
	v31 =	vadd.s32 v11, v17;
	[tilespmem:s28+$0x0] =	vst v16  }
0x240: {  	[tilespmem:s29+$0x0] =	vst v31  }
0x241: {  	v15 =	vld.idx.msk [tilespmem:v15+s16+$0x0], $0xffff;
	_ =	sdelay $0x3  }
0x242: {  	v32 =	vmov s30  }
0x243: {  	vm1 =	veq.s32 v32, v10;
	v15 =	vadd.s32 $0x1, v15  }
0x244: {  	v15 =	vsel vm1, $0x0, v15  }
0x245: {  	vm1 =	vlt.s32 v15, $0x31  }
0x246: {  	v33 =	vnsel vm1, $0x31, v15  }
0x247: {  	v16 =	vadd.s32 v8, v33;
	_ =	sdelay $0x4  }
0x248: {  	v34 =	vor.u32 s30, v10;
	v16 =	vld.idx.msk [tilespmem:v16+s25+$0x0], $0xffff  }
0x249: {  	v35 =	vmul.u32 $0x3, v34;
	_ =	sdelay $0x1  }
0x24a: {  	v18 =	vadd.s32 v4, v35  }
0x24b: {  	v18 =	vand.u32 $0x1FF, v18  }
0x24c: {  	v36 =	vadd.s32 $0x1F30, v18;
	vm2 =	vlt.s32 v15, $0x32;
	vm3 =	veq.s32 v16, $0x1  }
0x24d: {  	vm1 =	vlt.s32 v34, $0xC4;
	v15 =	vadd.s32 v9, v15;
	vm2 =	vmand vm3, vm2  }
0x24e: {  	s28 =	sadd.s32 $0x10, s28;
	v37 =	vnsel vm1, $0xC4, v34;
	v15 =	vsel vm2, v15, v36  }
0x24f: {  	s30 =	sadd.s32 $0x10, s29;
	[tilespmem:s28+$0x0] =	vst v15;
	v15 =	vadd.s32 v11, v37  }
0x250: {  	[tilespmem:s30+$0x0] =	vst v15  }
0x251: {  	v15 =	vld [tilespmem:$0x1900];
	_ =	sdelay $0x4  }
0x252: {  	v38 =	vshll.u32 v15, $0x1  }
0x253: {  	v15 =	vand.u32 $0x7, v15;
	v16 =	vand.u32 $0xFFFFFFF0, v38  }
0x254: {  	v15 =	vor.u32 v15, v16  }
0x255: {  	v16 =	vperm.xlane v15, v12;
	_ =	sdelay $0x1  }
0x256: {  	v15 =	vperm.xlane v15, v14;
	v16 =	vadd.s32 v13, v16;
	_ =	sdelay $0x1  }
0x257: {  	v15 =	vadd.s32 v13, v15;
	_ =	sdelay $0x1  }
0x258: {  	s6 =	simm.s32 $0x1C00  }
0x259: {  	[tilespmem:s6], [sflag:$0x1] =	stream.indirect_vreg.gather [hbm4b:s0+s9], $0x80, v16, vm0, $0xb8;
	[tilespmem:$0xFC00] =	vst v63  }
0x25a: {  	s22 =	simm.s32 $0x2400  }
0x25b: {  	[tilespmem:s22], [sflag:$0x1] =	stream.indirect_vreg.gather [hbm4b:s0+s9], $0x80, v15, vm0, $0xb8;
	[tilespmem:$0xFC00] =	vst v63  }
0x25c: {  	v15 =	vld [tilespmem:$0x1910];
	_ =	sdelay $0x4  }
0x25d: {  	v39 =	vshll.u32 v15, $0x1  }
0x25e: {  	v15 =	vand.u32 $0x7, v15;
	v16 =	vand.u32 $0xFFFFFFF0, v39  }
0x25f: {  	v15 =	vor.u32 v15, v16  }
0x260: {  	v16 =	vperm.xlane v15, v12;
	_ =	sdelay $0x1  }
0x261: {  	v15 =	vperm.xlane v15, v14;
	v16 =	vadd.s32 v13, v16;
	_ =	sdelay $0x1  }
0x262: {  	v15 =	vadd.s32 v13, v15;
	_ =	sdelay $0x1  }
0x263: {  	s23 =	simm.s32 $0x2C00  }
0x264: {  	[tilespmem:s23], [sflag:$0x1] =	stream.indirect_vreg.gather [hbm4b:s0+s9], $0x80, v16, vm0, $0xb8;
	[tilespmem:$0xFC00] =	vst v63  }
0x265: {  	s24 =	simm.s32 $0x3400  }
0x266: {  	[tilespmem:s24], [sflag:$0x1] =	stream.indirect_vreg.gather [hbm4b:s0+s9], $0x80, v15, vm0, $0xb8;
	[tilespmem:$0xFC00] =	vst v63  }
0x267: {  	v15 =	vld [tilespmem:$0x1920];
	_ =	sdelay $0x4  }
0x268: {  	v40 =	vshll.u32 v15, $0x1  }
0x269: {  	v15 =	vand.u32 $0x7, v15;
	v16 =	vand.u32 $0xFFFFFFF0, v40  }
0x26a: {  	v15 =	vor.u32 v15, v16  }
0x26b: {  	v16 =	vperm.xlane v15, v12;
	_ =	sdelay $0x1  }
0x26c: {  	v15 =	vperm.xlane v15, v14;
	v16 =	vadd.s32 v13, v16;
	_ =	sdelay $0x1  }
0x26d: {  	v15 =	vadd.s32 v13, v15;
	_ =	sdelay $0x1  }
0x26e: {  	s19 =	simm.s32 $0x3C00  }
0x26f: {  	[tilespmem:s19], [sflag:$0x1] =	stream.indirect_vreg.gather [hbm4b:s0+s9], $0x80, v16, vm0, $0xb8;
	[tilespmem:$0xFC00] =	vst v63  }
0x270: {  	s31 =	simm.s32 $0x4400  }
0x271: {  	[tilespmem:s31], [sflag:$0x1] =	stream.indirect_vreg.gather [hbm4b:s0+s9], $0x80, v15, vm0, $0xb8;
	[tilespmem:$0xFC00] =	vst v63  }
0x272: {  	v15 =	vld [tilespmem:$0x1930];
	_ =	sdelay $0x4  }
0x273: {  	v41 =	vshll.u32 v15, $0x1  }
0x274: {  	v15 =	vand.u32 $0x7, v15;
	v16 =	vand.u32 $0xFFFFFFF0, v41  }
0x275: {  	v15 =	vor.u32 v15, v16  }
0x276: {  	v16 =	vperm.xlane v15, v12;
	_ =	sdelay $0x1  }
0x277: {  	v15 =	vperm.xlane v15, v14;
	v16 =	vadd.s32 v13, v16;
	_ =	sdelay $0x1  }
0x278: {  	v15 =	vadd.s32 v13, v15;
	_ =	sdelay $0x1  }
0x279: {  	s26 =	simm.s32 $0x4C00  }
0x27a: {  	[tilespmem:s26], [sflag:$0x1] =	stream.indirect_vreg.gather [hbm4b:s0+s9], $0x80, v16, vm0, $0xb8;
	[tilespmem:$0xFC00] =	vst v63  }
0x27b: {  	s28 =	simm.s32 $0x5400  }
0x27c: {  	[tilespmem:s28], [sflag:$0x1] =	stream.indirect_vreg.gather [hbm4b:s0+s9], $0x80, v15, vm0, $0xb8;
	[tilespmem:$0xFC00] =	vst v63  }
0x27d: {  	v15 =	vld [tilespmem:$0x1940];
	_ =	sdelay $0x4  }
0x27e: {  	v42 =	vshll.u32 v15, $0x1  }
0x27f: {  	v15 =	vand.u32 $0x7, v15;
	v16 =	vand.u32 $0xFFFFFFF0, v42  }
0x280: {  	v15 =	vor.u32 v15, v16  }
0x281: {  	v16 =	vperm.xlane v15, v12;
	_ =	sdelay $0x1  }
0x282: {  	v15 =	vperm.xlane v15, v14;
	v16 =	vadd.s32 v13, v16;
	_ =	sdelay $0x1  }
0x283: {  	v15 =	vadd.s32 v13, v15;
	_ =	sdelay $0x1  }
0x284: {  	s2 =	simm.s32 $0x5C00  }
0x285: {  	[tilespmem:s2], [sflag:$0x1] =	stream.indirect_vreg.gather [hbm4b:s0+s9], $0x80, v16, vm0, $0xb8;
	[tilespmem:$0xFC00] =	vst v63  }
0x286: {  	s1 =	simm.s32 $0x6400  }
0x287: {  	[tilespmem:s1], [sflag:$0x1] =	stream.indirect_vreg.gather [hbm4b:s0+s9], $0x80, v15, vm0, $0xb8;
	[tilespmem:$0xFC00] =	vst v63  }
0x288: {  	v15 =	vld [tilespmem:$0x1950];
	_ =	sdelay $0x4  }
0x289: {  	v43 =	vshll.u32 v15, $0x1  }
0x28a: {  	v15 =	vand.u32 $0x7, v15;
	v16 =	vand.u32 $0xFFFFFFF0, v43  }
0x28b: {  	v15 =	vor.u32 v15, v16  }
0x28c: {  	v16 =	vperm.xlane v15, v12;
	_ =	sdelay $0x1  }
0x28d: {  	v15 =	vperm.xlane v15, v14;
	v16 =	vadd.s32 v13, v16;
	_ =	sdelay $0x1  }
0x28e: {  	v15 =	vadd.s32 v13, v15;
	_ =	sdelay $0x1  }
0x28f: {  	s3 =	simm.s32 $0x6C00  }
0x290: {  	[tilespmem:s3], [sflag:$0x1] =	stream.indirect_vreg.gather [hbm4b:s0+s9], $0x80, v16, vm0, $0xb8;
	[tilespmem:$0xFC00] =	vst v63  }
0x291: {  	s4 =	simm.s32 $0x7400  }
0x292: {  	[tilespmem:s4], [sflag:$0x1] =	stream.indirect_vreg.gather [hbm4b:s0+s9], $0x80, v15, vm0, $0xb8;
	[tilespmem:$0xFC00] =	vst v63  }
0x293: {  	v15 =	vld [tilespmem:$0x1960];
	_ =	sdelay $0x4  }
0x294: {  	v44 =	vshll.u32 v15, $0x1  }
0x295: {  	v15 =	vand.u32 $0x7, v15;
	v16 =	vand.u32 $0xFFFFFFF0, v44  }
0x296: {  	v15 =	vor.u32 v15, v16  }
0x297: {  	v16 =	vperm.xlane v15, v12;
	_ =	sdelay $0x1  }
0x298: {  	v15 =	vperm.xlane v15, v14;
	v16 =	vadd.s32 v13, v16;
	_ =	sdelay $0x1  }
0x299: {  	v15 =	vadd.s32 v13, v15;
	_ =	sdelay $0x1  }
0x29a: {  	s30 =	simm.s32 $0x7C00  }
0x29b: {  	[tilespmem:s30], [sflag:$0x1] =	stream.indirect_vreg.gather [hbm4b:s0+s9], $0x80, v16, vm0, $0xb8;
	[tilespmem:$0xFC00] =	vst v63  }
0x29c: {  	s5 =	simm.s32 $0x8400  }
0x29d: {  	[tilespmem:s5], [sflag:$0x1] =	stream.indirect_vreg.gather [hbm4b:s0+s9], $0x80, v15, vm0, $0xb8;
	[tilespmem:$0xFC00] =	vst v63  }
0x29e: {  	_ =	swait.ge [sflag:s18], $0x7000  }
0x29f: {  	[sflag:s18] =	ssyncset.done $0x0  }
0x2a0: {  	[sflag:s18] =	ssyncadd.s32 $0xFFFF9000  }
0x2a1: {  	v15 =	vld [tilespmem:$0x1970];
	_ =	sdelay $0x4  }
0x2a2: {  	v45 =	vshll.u32 v15, $0x1  }
0x2a3: {  	v15 =	vand.u32 $0x7, v15;
	v16 =	vand.u32 $0xFFFFFFF0, v45  }
0x2a4: {  	v15 =	vor.u32 v15, v16  }
0x2a5: {  	v16 =	vperm.xlane v15, v12;
	_ =	sdelay $0x1  }
0x2a6: {  	v15 =	vperm.xlane v15, v14;
	v16 =	vadd.s32 v13, v16;
	_ =	sdelay $0x1  }
0x2a7: {  	v15 =	vadd.s32 v13, v15;
	_ =	sdelay $0x1  }
0x2a8: {  	s20 =	simm.s32 $0x8C00  }
0x2a9: {  	[tilespmem:s20], [sflag:$0x1] =	stream.indirect_vreg.gather [hbm4b:s0+s9], $0x80, v16, vm0, $0xb8;
	[tilespmem:$0xFC00] =	vst v63  }
0x2aa: {  	s5 =	simm.s32 $0x9400  }
0x2ab: {  	[tilespmem:s5], [sflag:$0x1] =	stream.indirect_vreg.gather [hbm4b:s0+s9], $0x80, v15, vm0, $0xb8;
	[tilespmem:$0xFC00] =	vst v63  }
0x2ac: {  	v15 =	vld [tilespmem:$0x1980];
	_ =	sdelay $0x4  }
0x2ad: {  	v46 =	vshll.u32 v15, $0x1  }
0x2ae: {  	v15 =	vand.u32 $0x7, v15;
	v16 =	vand.u32 $0xFFFFFFF0, v46  }
0x2af: {  	v15 =	vor.u32 v15, v16  }
0x2b0: {  	v16 =	vperm.xlane v15, v12;
	_ =	sdelay $0x1  }
0x2b1: {  	v15 =	vperm.xlane v15, v14;
	v16 =	vadd.s32 v13, v16;
	_ =	sdelay $0x1  }
0x2b2: {  	v15 =	vadd.s32 v13, v15;
	_ =	sdelay $0x1  }
0x2b3: {  	s10 =	simm.s32 $0x9C00  }
0x2b4: {  	[tilespmem:s10], [sflag:$0x1] =	stream.indirect_vreg.gather [hbm4b:s0+s9], $0x80, v16, vm0, $0xb8;
	[tilespmem:$0xFC00] =	vst v63  }
0x2b5: {  	s11 =	simm.s32 $0xA400  }
0x2b6: {  	[tilespmem:s11], [sflag:$0x1] =	stream.indirect_vreg.gather [hbm4b:s0+s9], $0x80, v15, vm0, $0xb8;
	[tilespmem:$0xFC00] =	vst v63  }
0x2b7: {  	v15 =	vld [tilespmem:$0x1990];
	_ =	sdelay $0x4  }
0x2b8: {  	v47 =	vshll.u32 v15, $0x1  }
0x2b9: {  	v15 =	vand.u32 $0x7, v15;
	v16 =	vand.u32 $0xFFFFFFF0, v47  }
0x2ba: {  	v15 =	vor.u32 v15, v16  }
0x2bb: {  	v16 =	vperm.xlane v15, v12;
	_ =	sdelay $0x1  }
0x2bc: {  	v15 =	vperm.xlane v15, v14;
	v16 =	vadd.s32 v13, v16;
	_ =	sdelay $0x1  }
0x2bd: {  	v15 =	vadd.s32 v13, v15;
	_ =	sdelay $0x1  }
0x2be: {  	s12 =	simm.s32 $0xAC00  }
0x2bf: {  	[tilespmem:s12], [sflag:$0x1] =	stream.indirect_vreg.gather [hbm4b:s0+s9], $0x80, v16, vm0, $0xb8;
	[tilespmem:$0xFC00] =	vst v63  }
0x2c0: {  	s13 =	simm.s32 $0xB400  }
0x2c1: {  	[tilespmem:s13], [sflag:$0x1] =	stream.indirect_vreg.gather [hbm4b:s0+s9], $0x80, v15, vm0, $0xb8;
	[tilespmem:$0xFC00] =	vst v63  }
0x2c2: {  	v15 =	vld [tilespmem:$0x19A0];
	_ =	sdelay $0x4  }
0x2c3: {  	v48 =	vshll.u32 v15, $0x1  }
0x2c4: {  	v15 =	vand.u32 $0x7, v15;
	v16 =	vand.u32 $0xFFFFFFF0, v48  }
0x2c5: {  	v15 =	vor.u32 v15, v16  }
0x2c6: {  	v16 =	vperm.xlane v15, v12;
	_ =	sdelay $0x1  }
0x2c7: {  	v15 =	vperm.xlane v15, v14;
	v16 =	vadd.s32 v13, v16;
	_ =	sdelay $0x1  }
0x2c8: {  	v15 =	vadd.s32 v13, v15;
	_ =	sdelay $0x1  }
0x2c9: {  	s14 =	simm.s32 $0xBC00  }
0x2ca: {  	[tilespmem:s14], [sflag:$0x1] =	stream.indirect_vreg.gather [hbm4b:s0+s9], $0x80, v16, vm0, $0xb8;
	[tilespmem:$0xFC00] =	vst v63  }
0x2cb: {  	s15 =	simm.s32 $0xC400  }
0x2cc: {  	[tilespmem:s15], [sflag:$0x1] =	stream.indirect_vreg.gather [hbm4b:s0+s9], $0x80, v15, vm0, $0xb8;
	[tilespmem:$0xFC00] =	vst v63  }
0x2cd: {  	v15 =	vld [tilespmem:$0x19B0];
	_ =	sdelay $0x4  }
0x2ce: {  	v49 =	vshll.u32 v15, $0x1  }
0x2cf: {  	v15 =	vand.u32 $0x7, v15;
	v16 =	vand.u32 $0xFFFFFFF0, v49  }
0x2d0: {  	v15 =	vor.u32 v15, v16  }
0x2d1: {  	v16 =	vperm.xlane v15, v12;
	_ =	sdelay $0x1  }
0x2d2: {  	v15 =	vperm.xlane v15, v14;
	v16 =	vadd.s32 v13, v16;
	_ =	sdelay $0x1  }
0x2d3: {  	v15 =	vadd.s32 v13, v15;
	_ =	sdelay $0x1  }
0x2d4: {  	s21 =	simm.s32 $0xCC00  }
0x2d5: {  	[tilespmem:s21], [sflag:$0x1] =	stream.indirect_vreg.gather [hbm4b:s0+s9], $0x80, v16, vm0, $0xb8;
	[tilespmem:$0xFC00] =	vst v63  }
0x2d6: {  	s7 =	simm.s32 $0xD400  }
0x2d7: {  	[tilespmem:s7], [sflag:$0x1] =	stream.indirect_vreg.gather [hbm4b:s0+s9], $0x80, v15, vm0, $0xb8;
	[tilespmem:$0xFC00] =	vst v63  }
0x2d8: {  	v15 =	vld.msk [tilespmem:$0x19C0], $0xff;
	_ =	sdelay $0x4  }
0x2d9: {  	v50 =	vshll.u32 v15, $0x1  }
0x2da: {  	v15 =	vand.u32 $0x7, v15;
	v16 =	vand.u32 $0xFFFFFFF0, v50  }
0x2db: {  	v15 =	vor.u32 v15, v16  }
0x2dc: {  	v15 =	vperm.xlane v15, v12;
	_ =	sdelay $0x1  }
0x2dd: {  	v15 =	vadd.s32 v13, v15;
	_ =	sdelay $0x3  }
0x2de: {  	s8 =	simm.s32 $0xDC00  }
0x2df: {  	[tilespmem:s8], [sflag:$0x1] =	stream.indirect_vreg.gather [hbm4b:s0+s9], $0x80, v15, vm0, $0xb8;
	[tilespmem:$0xFC00] =	vst v63  }
0x2e0: {  	v15 =	vld [tilespmem:$0x1A80];
	_ =	sdelay $0x4  }
0x2e1: {  	v51 =	vshll.u32 v15, $0x1  }
0x2e2: {  	v15 =	vand.u32 $0x7, v15;
	v16 =	vand.u32 $0xFFFFFFF0, v51  }
0x2e3: {  	v15 =	vor.u32 v15, v16  }
0x2e4: {  	v16 =	vperm.xlane v15, v12;
	_ =	sdelay $0x1  }
0x2e5: {  	v15 =	vperm.xlane v15, v14;
	v16 =	vadd.s32 v13, v16;
	_ =	sdelay $0x1  }
0x2e6: {  	v15 =	vadd.s32 v13, v15;
	_ =	sdelay $0x1  }
0x2e7: {  	s29 =	rddreg [dreg:$0x7]  }
0x2e8: {  	[hbm4b:s29+s9] =	stream.indirect_vreg.scatter [tilespmem:s6], [sflag:$0x2], $0x80, v16, vm0, $0xb8;
	[tilespmem:$0xFC00] =	vst v63  }
0x2e9: {  	_ = 	snop  }
0x2ea: {  	[hbm4b:s29+s9] =	stream.indirect_vreg.scatter [tilespmem:s22], [sflag:$0x2], $0x80, v15, vm0, $0xb8;
	[tilespmem:$0xFC00] =	vst v63  }
0x2eb: {  	v15 =	vld [tilespmem:$0x1A90];
	_ =	sdelay $0x4  }
0x2ec: {  	v52 =	vshll.u32 v15, $0x1  }
0x2ed: {  	v15 =	vand.u32 $0x7, v15;
	v16 =	vand.u32 $0xFFFFFFF0, v52  }
0x2ee: {  	v15 =	vor.u32 v15, v16  }
0x2ef: {  	v16 =	vperm.xlane v15, v12;
	_ =	sdelay $0x1  }
0x2f0: {  	v15 =	vperm.xlane v15, v14;
	v16 =	vadd.s32 v13, v16;
	_ =	sdelay $0x1  }
0x2f1: {  	v15 =	vadd.s32 v13, v15;
	_ =	sdelay $0x2  }
0x2f2: {  	[hbm4b:s29+s9] =	stream.indirect_vreg.scatter [tilespmem:s23], [sflag:$0x2], $0x80, v16, vm0, $0xb8;
	[tilespmem:$0xFC00] =	vst v63  }
0x2f3: {  	_ = 	snop  }
0x2f4: {  	[hbm4b:s29+s9] =	stream.indirect_vreg.scatter [tilespmem:s24], [sflag:$0x2], $0x80, v15, vm0, $0xb8;
	[tilespmem:$0xFC00] =	vst v63  }
0x2f5: {  	v15 =	vld [tilespmem:$0x1AA0];
	_ =	sdelay $0x4  }
0x2f6: {  	v53 =	vshll.u32 v15, $0x1  }
0x2f7: {  	v15 =	vand.u32 $0x7, v15;
	v16 =	vand.u32 $0xFFFFFFF0, v53  }
0x2f8: {  	v15 =	vor.u32 v15, v16  }
0x2f9: {  	v16 =	vperm.xlane v15, v12;
	_ =	sdelay $0x1  }
0x2fa: {  	v15 =	vperm.xlane v15, v14;
	v16 =	vadd.s32 v13, v16;
	_ =	sdelay $0x1  }
0x2fb: {  	v15 =	vadd.s32 v13, v15;
	_ =	sdelay $0x2  }
0x2fc: {  	[hbm4b:s29+s9] =	stream.indirect_vreg.scatter [tilespmem:s19], [sflag:$0x2], $0x80, v16, vm0, $0xb8;
	[tilespmem:$0xFC00] =	vst v63  }
0x2fd: {  	_ = 	snop  }
0x2fe: {  	[hbm4b:s29+s9] =	stream.indirect_vreg.scatter [tilespmem:s31], [sflag:$0x2], $0x80, v15, vm0, $0xb8;
	[tilespmem:$0xFC00] =	vst v63  }
0x2ff: {  	v15 =	vld [tilespmem:$0x1AB0];
	_ =	sdelay $0x4  }
0x300: {  	v54 =	vshll.u32 v15, $0x1  }
0x301: {  	v15 =	vand.u32 $0x7, v15;
	v16 =	vand.u32 $0xFFFFFFF0, v54  }
0x302: {  	v15 =	vor.u32 v15, v16  }
0x303: {  	v16 =	vperm.xlane v15, v12;
	_ =	sdelay $0x1  }
0x304: {  	v15 =	vperm.xlane v15, v14;
	v16 =	vadd.s32 v13, v16;
	_ =	sdelay $0x1  }
0x305: {  	v15 =	vadd.s32 v13, v15;
	_ =	sdelay $0x2  }
0x306: {  	[hbm4b:s29+s9] =	stream.indirect_vreg.scatter [tilespmem:s26], [sflag:$0x2], $0x80, v16, vm0, $0xb8;
	[tilespmem:$0xFC00] =	vst v63  }
0x307: {  	_ = 	snop  }
0x308: {  	[hbm4b:s29+s9] =	stream.indirect_vreg.scatter [tilespmem:s28], [sflag:$0x2], $0x80, v15, vm0, $0xb8;
	[tilespmem:$0xFC00] =	vst v63  }
0x309: {  	v15 =	vld [tilespmem:$0x1AC0];
	_ =	sdelay $0x4  }
0x30a: {  	v55 =	vshll.u32 v15, $0x1  }
0x30b: {  	v15 =	vand.u32 $0x7, v15;
	v16 =	vand.u32 $0xFFFFFFF0, v55  }
0x30c: {  	v15 =	vor.u32 v15, v16  }
0x30d: {  	v16 =	vperm.xlane v15, v12;
	_ =	sdelay $0x1  }
0x30e: {  	v15 =	vperm.xlane v15, v14;
	v16 =	vadd.s32 v13, v16;
	_ =	sdelay $0x1  }
0x30f: {  	v15 =	vadd.s32 v13, v15;
	_ =	sdelay $0x2  }
0x310: {  	[hbm4b:s29+s9] =	stream.indirect_vreg.scatter [tilespmem:s2], [sflag:$0x2], $0x80, v16, vm0, $0xb8;
	[tilespmem:$0xFC00] =	vst v63  }
0x311: {  	_ = 	snop  }
0x312: {  	[hbm4b:s29+s9] =	stream.indirect_vreg.scatter [tilespmem:s1], [sflag:$0x2], $0x80, v15, vm0, $0xb8;
	[tilespmem:$0xFC00] =	vst v63  }
0x313: {  	v15 =	vld [tilespmem:$0x1AD0];
	_ =	sdelay $0x4  }
0x314: {  	v56 =	vshll.u32 v15, $0x1  }
0x315: {  	v15 =	vand.u32 $0x7, v15;
	v16 =	vand.u32 $0xFFFFFFF0, v56  }
0x316: {  	v15 =	vor.u32 v15, v16  }
0x317: {  	v16 =	vperm.xlane v15, v12;
	_ =	sdelay $0x1  }
0x318: {  	v15 =	vperm.xlane v15, v14;
	v16 =	vadd.s32 v13, v16;
	_ =	sdelay $0x1  }
0x319: {  	v15 =	vadd.s32 v13, v15;
	_ =	sdelay $0x2  }
0x31a: {  	[hbm4b:s29+s9] =	stream.indirect_vreg.scatter [tilespmem:s3], [sflag:$0x2], $0x80, v16, vm0, $0xb8;
	[tilespmem:$0xFC00] =	vst v63  }
0x31b: {  	_ = 	snop  }
0x31c: {  	[hbm4b:s29+s9] =	stream.indirect_vreg.scatter [tilespmem:s4], [sflag:$0x2], $0x80, v15, vm0, $0xb8;
	[tilespmem:$0xFC00] =	vst v63  }
0x31d: {  	v15 =	vld [tilespmem:$0x1AE0];
	_ =	sdelay $0x4  }
0x31e: {  	v57 =	vshll.u32 v15, $0x1  }
0x31f: {  	v15 =	vand.u32 $0x7, v15;
	v16 =	vand.u32 $0xFFFFFFF0, v57  }
0x320: {  	v15 =	vor.u32 v15, v16  }
0x321: {  	v16 =	vperm.xlane v15, v12;
	_ =	sdelay $0x1  }
0x322: {  	v15 =	vperm.xlane v15, v14;
	v16 =	vadd.s32 v13, v16;
	_ =	sdelay $0x1  }
0x323: {  	v15 =	vadd.s32 v13, v15;
	_ =	sdelay $0x2  }
0x324: {  	[hbm4b:s29+s9] =	stream.indirect_vreg.scatter [tilespmem:s30], [sflag:$0x2], $0x80, v16, vm0, $0xb8;
	[tilespmem:$0xFC00] =	vst v63  }
0x325: {  	s31 =	simm.s32 $0x8400  }
0x326: {  	[hbm4b:s29+s9] =	stream.indirect_vreg.scatter [tilespmem:s31], [sflag:$0x2], $0x80, v15, vm0, $0xb8;
	[tilespmem:$0xFC00] =	vst v63  }
0x327: {  	_ =	swait.ge [sflag:s18], $0x5800  }
0x328: {  	[sflag:s18] =	ssyncset.done $0x0  }
0x329: {  	[sflag:s18] =	ssyncadd.s32 $0xFFFFA800  }
0x32a: {  	v15 =	vld [tilespmem:$0x1AF0];
	_ =	sdelay $0x4  }
0x32b: {  	v58 =	vshll.u32 v15, $0x1  }
0x32c: {  	v15 =	vand.u32 $0x7, v15;
	v16 =	vand.u32 $0xFFFFFFF0, v58  }
0x32d: {  	v15 =	vor.u32 v15, v16  }
0x32e: {  	v16 =	vperm.xlane v15, v12;
	_ =	sdelay $0x1  }
0x32f: {  	v15 =	vperm.xlane v15, v14;
	v16 =	vadd.s32 v13, v16;
	_ =	sdelay $0x1  }
0x330: {  	v15 =	vadd.s32 v13, v15;
	_ =	sdelay $0x2  }
0x331: {  	[hbm4b:s29+s9] =	stream.indirect_vreg.scatter [tilespmem:s20], [sflag:$0x2], $0x80, v16, vm0, $0xb8;
	[tilespmem:$0xFC00] =	vst v63  }
0x332: {  	_ = 	snop  }
0x333: {  	[hbm4b:s29+s9] =	stream.indirect_vreg.scatter [tilespmem:s5], [sflag:$0x2], $0x80, v15, vm0, $0xb8;
	[tilespmem:$0xFC00] =	vst v63  }
0x334: {  	v15 =	vld [tilespmem:$0x1B00];
	_ =	sdelay $0x4  }
0x335: {  	v59 =	vshll.u32 v15, $0x1  }
0x336: {  	v15 =	vand.u32 $0x7, v15;
	v16 =	vand.u32 $0xFFFFFFF0, v59  }
0x337: {  	v15 =	vor.u32 v15, v16  }
0x338: {  	v16 =	vperm.xlane v15, v12;
	_ =	sdelay $0x1  }
0x339: {  	v15 =	vperm.xlane v15, v14;
	v16 =	vadd.s32 v13, v16;
	_ =	sdelay $0x1  }
0x33a: {  	v15 =	vadd.s32 v13, v15;
	_ =	sdelay $0x2  }
0x33b: {  	[hbm4b:s29+s9] =	stream.indirect_vreg.scatter [tilespmem:s10], [sflag:$0x2], $0x80, v16, vm0, $0xb8;
	[tilespmem:$0xFC00] =	vst v63  }
0x33c: {  	_ = 	snop  }
0x33d: {  	[hbm4b:s29+s9] =	stream.indirect_vreg.scatter [tilespmem:s11], [sflag:$0x2], $0x80, v15, vm0, $0xb8;
	[tilespmem:$0xFC00] =	vst v63  }
0x33e: {  	v15 =	vld [tilespmem:$0x1B10];
	_ =	sdelay $0x4  }
0x33f: {  	v60 =	vshll.u32 v15, $0x1  }
0x340: {  	v15 =	vand.u32 $0x7, v15;
	v16 =	vand.u32 $0xFFFFFFF0, v60  }
0x341: {  	v15 =	vor.u32 v15, v16  }
0x342: {  	v16 =	vperm.xlane v15, v12;
	_ =	sdelay $0x1  }
0x343: {  	v15 =	vperm.xlane v15, v14;
	v16 =	vadd.s32 v13, v16;
	_ =	sdelay $0x1  }
0x344: {  	v15 =	vadd.s32 v13, v15;
	_ =	sdelay $0x2  }
0x345: {  	[hbm4b:s29+s9] =	stream.indirect_vreg.scatter [tilespmem:s12], [sflag:$0x2], $0x80, v16, vm0, $0xb8;
	[tilespmem:$0xFC00] =	vst v63  }
0x346: {  	_ = 	snop  }
0x347: {  	[hbm4b:s29+s9] =	stream.indirect_vreg.scatter [tilespmem:s13], [sflag:$0x2], $0x80, v15, vm0, $0xb8;
	[tilespmem:$0xFC00] =	vst v63  }
0x348: {  	v15 =	vld [tilespmem:$0x1B20];
	_ =	sdelay $0x4  }
0x349: {  	v61 =	vshll.u32 v15, $0x1  }
0x34a: {  	v15 =	vand.u32 $0x7, v15;
	v16 =	vand.u32 $0xFFFFFFF0, v61  }
0x34b: {  	v15 =	vor.u32 v15, v16  }
0x34c: {  	v16 =	vperm.xlane v15, v12;
	_ =	sdelay $0x1  }
0x34d: {  	v15 =	vperm.xlane v15, v14;
	v16 =	vadd.s32 v13, v16;
	_ =	sdelay $0x1  }
0x34e: {  	v15 =	vadd.s32 v13, v15;
	_ =	sdelay $0x2  }
0x34f: {  	[hbm4b:s29+s9] =	stream.indirect_vreg.scatter [tilespmem:s14], [sflag:$0x2], $0x80, v16, vm0, $0xb8;
	[tilespmem:$0xFC00] =	vst v63  }
0x350: {  	_ = 	snop  }
0x351: {  	[hbm4b:s29+s9] =	stream.indirect_vreg.scatter [tilespmem:s15], [sflag:$0x2], $0x80, v15, vm0, $0xb8;
	[tilespmem:$0xFC00] =	vst v63  }
0x352: {  	v15 =	vld [tilespmem:$0x1B30];
	_ =	sdelay $0x4  }
0x353: {  	v62 =	vshll.u32 v15, $0x1  }
0x354: {  	v15 =	vand.u32 $0x7, v15;
	v16 =	vand.u32 $0xFFFFFFF0, v62  }
0x355: {  	v15 =	vor.u32 v15, v16  }
0x356: {  	v16 =	vperm.xlane v15, v12;
	_ =	sdelay $0x1  }
0x357: {  	v15 =	vperm.xlane v15, v14;
	v16 =	vadd.s32 v13, v16;
	_ =	sdelay $0x1  }
0x358: {  	v15 =	vadd.s32 v13, v15;
	_ =	sdelay $0x2  }
0x359: {  	[hbm4b:s29+s9] =	stream.indirect_vreg.scatter [tilespmem:s21], [sflag:$0x2], $0x80, v16, vm0, $0xb8;
	[tilespmem:$0xFC00] =	vst v63  }
0x35a: {  	_ = 	snop  }
0x35b: {  	[hbm4b:s29+s9] =	stream.indirect_vreg.scatter [tilespmem:s7], [sflag:$0x2], $0x80, v15, vm0, $0xb8;
	[tilespmem:$0xFC00] =	vst v63  }
0x35c: {  	v15 =	vld.msk [tilespmem:$0x1B40], $0xff;
	_ =	sdelay $0x4  }
0x35d: {  	v63 =	vshll.u32 v15, $0x1  }
0x35e: {  	v15 =	vand.u32 $0x7, v15;
	v16 =	vand.u32 $0xFFFFFFF0, v63  }
0x35f: {  	v15 =	vor.u32 v15, v16  }
0x360: {  	v15 =	vperm.xlane v15, v12;
	_ =	sdelay $0x1  }
0x361: {  	v15 =	vadd.s32 v13, v15;
	_ =	sdelay $0x4  }
0x362: {  	[hbm4b:s29+s9] =	stream.indirect_vreg.scatter [tilespmem:s8], [sflag:$0x2], $0x80, v15, vm0, $0xb8;
	[tilespmem:$0xFC00] =	vst v63  }
0x363: {  	_ =	swait.ge [sflag:s17], $0x7000  }
.Ltmp6:
0x364: {  	[sflag:s17] =	ssyncset.done $0x0;
	(pc) =	sbr.rel .LBB2_11-.Ltmp6, $4  }
0x365: {  	[sflag:s17] =	ssyncadd.s32 $0xFFFF9000  }
0x366: {  	_ =	swait.ge [sflag:s17], $0x5800  }
0x367: {  	[sflag:s17] =	ssyncset.done $0x0  }
0x368: {  	s1 =	rddreg [dreg:$0x12];
	[sflag:s17] =	ssyncadd.s32 $0xFFFFA800  }
.LBB2_8:
0x369: {  	s28 =	simm.s32 $0x0;
	v15 =	vadd.s32 $0xFFFFFFFF, v10;
	s29 =	rddreg [dreg:$0x3];
	s1 =	simm.s32 $0x3  }
0x36a: {  	v16 =	vadd.s32 s28, v15;
	[tilespmem:s16], [sflag:$0x3] =	stream.linear.gather [hbm4b:s29+s28], $0x1000, $0x38;
	[tilespmem:$0xFC00] =	vst v63  }
0x36b: {  	vm1 =	vgt.s32 v16, $0x0;
	_ =	swait.ge [sflag:s1], $0x1000  }
0x36c: {  	v16 =	vnsel vm1, $0x0, v16;
	[sflag:s1] =	ssyncset.done $0x0  }
0x36d: {  	v16 =	vmin.u32 v16, $0xFF;
	[sflag:s1] =	ssyncadd.s32 $0xFFFFF000  }
0x36e: {  	v16 =	vor.u32 v2, v16;
	s29 =	rddreg [dreg:$0x5]  }
0x36f: {  	[tilespmem:s25], [sflag:$0x3] =	stream.linear.gather [hbm4b:s29+s28], $0x480, $0x38;
	[tilespmem:$0xFC00] =	vst v63  }
0x370: {  	_ =	swait.ge [sflag:s1], $0x480  }
0x371: {  	[sflag:s1] =	ssyncset.done $0x0  }
0x372: {  	[sflag:s1] =	ssyncadd.s32 $0xFFFFFB80  }
0x373: {  	v16 =	vld.idx.msk [tilespmem:v16+s16+$0x0], $0xffff;
	_ =	sdelay $0x3  }
0x374: {  	v17 =	vmov s28  }
0x375: {  	vm1 =	veq.s32 v17, v10;
	v16 =	vadd.s32 $0x1, v16  }
0x376: {  	v16 =	vsel vm1, $0x0, v16  }
0x377: {  	vm1 =	vlt.s32 v16, $0x40  }
0x378: {  	v17 =	vnsel vm1, $0x40, v16  }
0x379: {  	v17 =	vadd.s32 v3, v17;
	_ =	sdelay $0x4  }
0x37a: {  	s31 =	simm.s32 $0x10;
	v18 =	vor.u32 s28, v10;
	v17 =	vld.idx.msk [tilespmem:v17+s25+$0x0], $0xffff  }
0x37b: {  	v19 =	vadd.s32 s31, v15;
	v20 =	vmul.u32 $0x3, v18  }
0x37c: {  	vm1 =	vgt.s32 v19, $0x0  }
0x37d: {  	v20 =	vadd.s32 v4, v20;
	v19 =	vnsel vm1, $0x0, v19  }
0x37e: {  	v20 =	vand.u32 $0x1FF, v20;
	vm2 =	vlt.s32 v16, $0x41;
	v19 =	vmin.u32 v19, $0xFF  }
0x37f: {  	v16 =	vadd.s32 v5, v16;
	v19 =	vor.u32 v2, v19;
	vm3 =	veq.s32 v17, $0x1  }
0x380: {  	vm1 =	vlt.s32 v18, $0x100;
	v17 =	vadd.s32 $0x1F30, v20;
	vm2 =	vmand vm3, vm2  }
0x381: {  	s28 =	simm.s32 $0x1900;
	v16 =	vsel vm2, v16, v17;
	v17 =	vnsel vm1, $0x100, v18  }
0x382: {  	s29 =	simm.s32 $0x1A80;
	[tilespmem:s28+$0x0] =	vst v16;
	v16 =	vadd.s32 v6, v17  }
0x383: {  	[tilespmem:s29+$0x0] =	vst v16  }
0x384: {  	v16 =	vld.idx.msk [tilespmem:v19+s16+$0x0], $0xffff;
	_ =	sdelay $0x3  }
0x385: {  	v17 =	vmov s31  }
0x386: {  	vm1 =	veq.s32 v17, v10;
	v16 =	vadd.s32 $0x1, v16  }
0x387: {  	v16 =	vsel vm1, $0x0, v16  }
0x388: {  	vm1 =	vlt.s32 v16, $0x40  }
0x389: {  	v17 =	vnsel vm1, $0x40, v16  }
0x38a: {  	v18 =	vadd.s32 v3, v17;
	_ =	sdelay $0x4  }
0x38b: {  	s30 =	simm.s32 $0x20;
	v17 =	vor.u32 s31, v10;
	v18 =	vld.idx.msk [tilespmem:v18+s25+$0x0], $0xffff  }
0x38c: {  	v19 =	vadd.s32 s30, v15;
	s31 =	simm.s32 $0x30;
	v20 =	vmul.u32 $0x3, v17  }
.LBB2_9:
0x38d: {  	p2 =	sne.s32 s31, $0x100;
	vm1 =	vgt.s32 v19, $0x0  }
0x38e: {  	v19 =	vnsel vm1, $0x0, v19;
	v20 =	vadd.s32 v4, v20  }
0x38f: {  	vm1 =	vlt.s32 v17, $0x100;
	v19 =	vmin.u32 v19, $0xFF;
	v20 =	vand.u32 $0x1FF, v20  }
0x390: {  	vm2 =	vlt.s32 v16, $0x41;
	vm3 =	veq.s32 v18, $0x1;
	v19 =	vor.u32 v2, v19  }
0x391: {  	v16 =	vadd.s32 v5, v16;
	vm2 =	vmand vm3, vm2;
	v18 =	vadd.s32 $0x1F30, v20  }
0x392: {  	s28 =	sadd.s32 $0x10, s28;
	v17 =	vnsel vm1, $0x100, v17;
	v16 =	vsel vm2, v16, v18  }
0x393: {  	s29 =	sadd.s32 $0x10, s29;
	[tilespmem:s28+$0x0] =	vst v16;
	v16 =	vadd.s32 v6, v17  }
0x394: {  	[tilespmem:s29+$0x0] =	vst v16  }
0x395: {  	v16 =	vld.idx.msk [tilespmem:v19+s16+$0x0], $0xffff;
	_ =	sdelay $0x4  }
0x396: {  	v17 =	vmov s30  }
0x397: {  	vm1 =	veq.s32 v17, v10;
	v16 =	vadd.s32 $0x1, v16  }
0x398: {  	v16 =	vsel vm1, $0x0, v16  }
0x399: {  	vm1 =	vlt.s32 v16, $0x40  }
0x39a: {  	v17 =	vnsel vm1, $0x40, v16  }
0x39b: {  	v17 =	vadd.s32 v3, v17;
	_ =	sdelay $0x2  }
.Ltmp7:
0x39c: {  	(pc) =	sbr.rel @p2 .LBB2_9-.Ltmp7, $4  }
0x39d: {  	_ = 	snop  }
0x39e: {  	v18 =	vld.idx.msk [tilespmem:v17+s25+$0x0], $0xffff  }
0x39f: {  	v17 =	vor.u32 s30, v10;
	s30 =	smov.u32 s31  }
0x3a0: {  	s31 =	sadd.s32 $0x10, s31;
	v19 =	vadd.s32 s30, v15;
	v20 =	vmul.u32 $0x3, v17  }
0x3a1: {  	vm1 =	vgt.s32 v19, $0x0  }
0x3a2: {  	vm2 =	vlt.s32 v16, $0x41;
	v15 =	vnsel vm1, $0x0, v19  }
0x3a3: {  	v22 =	vadd.s32 v5, v16;
	v63 =	vadd.s32 v4, v20;
	v15 =	vmin.u32 v15, $0xFF  }
0x3a4: {  	v19 =	vand.u32 $0x1FF, v63;
	vm3 =	veq.s32 v18, $0x1;
	v15 =	vor.u32 v2, v15  }
0x3a5: {  	vm1 =	vlt.s32 v17, $0x100;
	vm2 =	vmand vm3, vm2;
	v21 =	vadd.s32 $0x1F30, v19  }
0x3a6: {  	s28 =	sadd.s32 $0x10, s28;
	v17 =	vnsel vm1, $0x100, v17;
	v16 =	vsel vm2, v22, v21  }
0x3a7: {  	s29 =	sadd.s32 $0x10, s29;
	v23 =	vadd.s32 v6, v17;
	[tilespmem:s28+$0x0] =	vst v16  }
0x3a8: {  	[tilespmem:s29+$0x0] =	vst v23  }
0x3a9: {  	v15 =	vld.idx.msk [tilespmem:v15+s16+$0x0], $0xffff;
	_ =	sdelay $0x3  }
0x3aa: {  	v24 =	vmov s30  }
0x3ab: {  	vm1 =	veq.s32 v24, v10;
	v15 =	vadd.s32 $0x1, v15  }
0x3ac: {  	v15 =	vsel vm1, $0x0, v15  }
0x3ad: {  	vm1 =	vlt.s32 v15, $0x40  }
0x3ae: {  	v25 =	vnsel vm1, $0x40, v15  }
0x3af: {  	v16 =	vadd.s32 v3, v25;
	_ =	sdelay $0x4  }
0x3b0: {  	v26 =	vor.u32 s30, v10;
	v16 =	vld.idx.msk [tilespmem:v16+s25+$0x0], $0xffff  }
0x3b1: {  	v27 =	vmul.u32 $0x3, v26;
	_ =	sdelay $0x1  }
0x3b2: {  	v18 =	vadd.s32 v4, v27  }
0x3b3: {  	v18 =	vand.u32 $0x1FF, v18  }
0x3b4: {  	v28 =	vadd.s32 $0x1F30, v18;
	vm2 =	vlt.s32 v15, $0x41;
	vm3 =	veq.s32 v16, $0x1  }
0x3b5: {  	vm1 =	vlt.s32 v26, $0x100;
	v15 =	vadd.s32 v5, v15;
	vm2 =	vmand vm3, vm2  }
0x3b6: {  	s28 =	sadd.s32 $0x10, s28;
	v29 =	vnsel vm1, $0x100, v26;
	v15 =	vsel vm2, v15, v28  }
0x3b7: {  	s26 =	sadd.s32 $0x10, s29;
	[tilespmem:s28+$0x0] =	vst v15;
	v15 =	vadd.s32 v6, v29  }
0x3b8: {  	[tilespmem:s26+$0x0] =	vst v15  }
0x3b9: {  	v15 =	vld [tilespmem:$0x1900];
	_ =	sdelay $0x4  }
0x3ba: {  	v30 =	vshll.u32 v15, $0x1  }
0x3bb: {  	v15 =	vand.u32 $0x7, v15;
	v16 =	vand.u32 $0xFFFFFFF0, v30  }
0x3bc: {  	v15 =	vor.u32 v15, v16  }
0x3bd: {  	v16 =	vperm.xlane v15, v12;
	_ =	sdelay $0x1  }
0x3be: {  	v15 =	vperm.xlane v15, v14;
	v16 =	vadd.s32 v13, v16;
	_ =	sdelay $0x1  }
0x3bf: {  	v15 =	vadd.s32 v13, v15;
	_ =	sdelay $0x1  }
0x3c0: {  	s1 =	simm.s32 $0x1C00  }
0x3c1: {  	[tilespmem:s1], [sflag:$0x1] =	stream.indirect_vreg.gather [hbm4b:s0+s9], $0x80, v16, vm0, $0xb8;
	[tilespmem:$0xFC00] =	vst v63  }
0x3c2: {  	s28 =	simm.s32 $0x2400  }
0x3c3: {  	[tilespmem:s28], [sflag:$0x1] =	stream.indirect_vreg.gather [hbm4b:s0+s9], $0x80, v15, vm0, $0xb8;
	[tilespmem:$0xFC00] =	vst v63  }
0x3c4: {  	v15 =	vld [tilespmem:$0x1910];
	_ =	sdelay $0x4  }
0x3c5: {  	v31 =	vshll.u32 v15, $0x1  }
0x3c6: {  	v15 =	vand.u32 $0x7, v15;
	v16 =	vand.u32 $0xFFFFFFF0, v31  }
0x3c7: {  	v15 =	vor.u32 v15, v16  }
0x3c8: {  	v16 =	vperm.xlane v15, v12;
	_ =	sdelay $0x1  }
0x3c9: {  	v15 =	vperm.xlane v15, v14;
	v16 =	vadd.s32 v13, v16;
	_ =	sdelay $0x1  }
0x3ca: {  	v15 =	vadd.s32 v13, v15;
	_ =	sdelay $0x1  }
0x3cb: {  	s29 =	simm.s32 $0x2C00  }
0x3cc: {  	[tilespmem:s29], [sflag:$0x1] =	stream.indirect_vreg.gather [hbm4b:s0+s9], $0x80, v16, vm0, $0xb8;
	[tilespmem:$0xFC00] =	vst v63  }
0x3cd: {  	s30 =	simm.s32 $0x3400  }
0x3ce: {  	[tilespmem:s30], [sflag:$0x1] =	stream.indirect_vreg.gather [hbm4b:s0+s9], $0x80, v15, vm0, $0xb8;
	[tilespmem:$0xFC00] =	vst v63  }
0x3cf: {  	v15 =	vld [tilespmem:$0x1920];
	_ =	sdelay $0x4  }
0x3d0: {  	v32 =	vshll.u32 v15, $0x1  }
0x3d1: {  	v15 =	vand.u32 $0x7, v15;
	v16 =	vand.u32 $0xFFFFFFF0, v32  }
0x3d2: {  	v15 =	vor.u32 v15, v16  }
0x3d3: {  	v16 =	vperm.xlane v15, v12;
	_ =	sdelay $0x1  }
0x3d4: {  	v15 =	vperm.xlane v15, v14;
	v16 =	vadd.s32 v13, v16;
	_ =	sdelay $0x1  }
0x3d5: {  	v15 =	vadd.s32 v13, v15;
	_ =	sdelay $0x1  }
0x3d6: {  	s31 =	simm.s32 $0x3C00  }
0x3d7: {  	[tilespmem:s31], [sflag:$0x1] =	stream.indirect_vreg.gather [hbm4b:s0+s9], $0x80, v16, vm0, $0xb8;
	[tilespmem:$0xFC00] =	vst v63  }
0x3d8: {  	s31 =	simm.s32 $0x4400  }
0x3d9: {  	[tilespmem:s31], [sflag:$0x1] =	stream.indirect_vreg.gather [hbm4b:s0+s9], $0x80, v15, vm0, $0xb8;
	[tilespmem:$0xFC00] =	vst v63  }
0x3da: {  	v15 =	vld [tilespmem:$0x1930];
	_ =	sdelay $0x4  }
0x3db: {  	v33 =	vshll.u32 v15, $0x1  }
0x3dc: {  	v15 =	vand.u32 $0x7, v15;
	v16 =	vand.u32 $0xFFFFFFF0, v33  }
0x3dd: {  	v15 =	vor.u32 v15, v16  }
0x3de: {  	v16 =	vperm.xlane v15, v12;
	_ =	sdelay $0x1  }
0x3df: {  	v15 =	vperm.xlane v15, v14;
	v16 =	vadd.s32 v13, v16;
	_ =	sdelay $0x1  }
0x3e0: {  	v15 =	vadd.s32 v13, v15;
	_ =	sdelay $0x1  }
0x3e1: {  	s26 =	simm.s32 $0x4C00  }
0x3e2: {  	[tilespmem:s26], [sflag:$0x1] =	stream.indirect_vreg.gather [hbm4b:s0+s9], $0x80, v16, vm0, $0xb8;
	[tilespmem:$0xFC00] =	vst v63  }
0x3e3: {  	s28 =	simm.s32 $0x5400  }
0x3e4: {  	[tilespmem:s28], [sflag:$0x1] =	stream.indirect_vreg.gather [hbm4b:s0+s9], $0x80, v15, vm0, $0xb8;
	[tilespmem:$0xFC00] =	vst v63  }
0x3e5: {  	v15 =	vld [tilespmem:$0x1940];
	_ =	sdelay $0x4  }
0x3e6: {  	v34 =	vshll.u32 v15, $0x1  }
0x3e7: {  	v15 =	vand.u32 $0x7, v15;
	v16 =	vand.u32 $0xFFFFFFF0, v34  }
0x3e8: {  	v15 =	vor.u32 v15, v16  }
0x3e9: {  	v16 =	vperm.xlane v15, v12;
	_ =	sdelay $0x1  }
0x3ea: {  	v15 =	vperm.xlane v15, v14;
	v16 =	vadd.s32 v13, v16;
	_ =	sdelay $0x1  }
0x3eb: {  	v15 =	vadd.s32 v13, v15;
	_ =	sdelay $0x1  }
0x3ec: {  	s8 =	simm.s32 $0x5C00  }
0x3ed: {  	[tilespmem:s8], [sflag:$0x1] =	stream.indirect_vreg.gather [hbm4b:s0+s9], $0x80, v16, vm0, $0xb8;
	[tilespmem:$0xFC00] =	vst v63  }
0x3ee: {  	s7 =	simm.s32 $0x6400  }
0x3ef: {  	[tilespmem:s7], [sflag:$0x1] =	stream.indirect_vreg.gather [hbm4b:s0+s9], $0x80, v15, vm0, $0xb8;
	[tilespmem:$0xFC00] =	vst v63  }
0x3f0: {  	v15 =	vld [tilespmem:$0x1950];
	_ =	sdelay $0x4  }
0x3f1: {  	v35 =	vshll.u32 v15, $0x1  }
0x3f2: {  	v15 =	vand.u32 $0x7, v15;
	v16 =	vand.u32 $0xFFFFFFF0, v35  }
0x3f3: {  	v15 =	vor.u32 v15, v16  }
0x3f4: {  	v16 =	vperm.xlane v15, v12;
	_ =	sdelay $0x1  }
0x3f5: {  	v15 =	vperm.xlane v15, v14;
	v16 =	vadd.s32 v13, v16;
	_ =	sdelay $0x1  }
0x3f6: {  	v15 =	vadd.s32 v13, v15;
	_ =	sdelay $0x1  }
0x3f7: {  	s10 =	simm.s32 $0x6C00  }
0x3f8: {  	[tilespmem:s10], [sflag:$0x1] =	stream.indirect_vreg.gather [hbm4b:s0+s9], $0x80, v16, vm0, $0xb8;
	[tilespmem:$0xFC00] =	vst v63  }
0x3f9: {  	s11 =	simm.s32 $0x7400  }
0x3fa: {  	[tilespmem:s11], [sflag:$0x1] =	stream.indirect_vreg.gather [hbm4b:s0+s9], $0x80, v15, vm0, $0xb8;
	[tilespmem:$0xFC00] =	vst v63  }
0x3fb: {  	v15 =	vld [tilespmem:$0x1960];
	_ =	sdelay $0x4  }
0x3fc: {  	v36 =	vshll.u32 v15, $0x1  }
0x3fd: {  	v15 =	vand.u32 $0x7, v15;
	v16 =	vand.u32 $0xFFFFFFF0, v36  }
0x3fe: {  	v15 =	vor.u32 v15, v16  }
0x3ff: {  	v16 =	vperm.xlane v15, v12;
	_ =	sdelay $0x1  }
0x400: {  	v15 =	vperm.xlane v15, v14;
	v16 =	vadd.s32 v13, v16;
	_ =	sdelay $0x1  }
0x401: {  	v15 =	vadd.s32 v13, v15;
	_ =	sdelay $0x1  }
0x402: {  	s12 =	simm.s32 $0x7C00  }
0x403: {  	[tilespmem:s12], [sflag:$0x1] =	stream.indirect_vreg.gather [hbm4b:s0+s9], $0x80, v16, vm0, $0xb8;
	[tilespmem:$0xFC00] =	vst v63  }
0x404: {  	s6 =	simm.s32 $0x8400  }
0x405: {  	[tilespmem:s6], [sflag:$0x1] =	stream.indirect_vreg.gather [hbm4b:s0+s9], $0x80, v15, vm0, $0xb8;
	[tilespmem:$0xFC00] =	vst v63  }
0x406: {  	_ =	swait.ge [sflag:s18], $0x7000  }
0x407: {  	[sflag:s18] =	ssyncset.done $0x0  }
0x408: {  	[sflag:s18] =	ssyncadd.s32 $0xFFFF9000  }
0x409: {  	v15 =	vld [tilespmem:$0x1970];
	_ =	sdelay $0x4  }
0x40a: {  	v37 =	vshll.u32 v15, $0x1  }
0x40b: {  	v15 =	vand.u32 $0x7, v15;
	v16 =	vand.u32 $0xFFFFFFF0, v37  }
0x40c: {  	v15 =	vor.u32 v15, v16  }
0x40d: {  	v16 =	vperm.xlane v15, v12;
	_ =	sdelay $0x1  }
0x40e: {  	v15 =	vperm.xlane v15, v14;
	v16 =	vadd.s32 v13, v16;
	_ =	sdelay $0x1  }
0x40f: {  	v15 =	vadd.s32 v13, v15;
	_ =	sdelay $0x1  }
0x410: {  	s19 =	simm.s32 $0x8C00  }
0x411: {  	[tilespmem:s19], [sflag:$0x1] =	stream.indirect_vreg.gather [hbm4b:s0+s9], $0x80, v16, vm0, $0xb8;
	[tilespmem:$0xFC00] =	vst v63  }
0x412: {  	s22 =	simm.s32 $0x9400  }
0x413: {  	[tilespmem:s22], [sflag:$0x1] =	stream.indirect_vreg.gather [hbm4b:s0+s9], $0x80, v15, vm0, $0xb8;
	[tilespmem:$0xFC00] =	vst v63  }
0x414: {  	v15 =	vld [tilespmem:$0x1980];
	_ =	sdelay $0x4  }
0x415: {  	v38 =	vshll.u32 v15, $0x1  }
0x416: {  	v15 =	vand.u32 $0x7, v15;
	v16 =	vand.u32 $0xFFFFFFF0, v38  }
0x417: {  	v15 =	vor.u32 v15, v16  }
0x418: {  	v16 =	vperm.xlane v15, v12;
	_ =	sdelay $0x1  }
0x419: {  	v15 =	vperm.xlane v15, v14;
	v16 =	vadd.s32 v13, v16;
	_ =	sdelay $0x1  }
0x41a: {  	v15 =	vadd.s32 v13, v15;
	_ =	sdelay $0x1  }
0x41b: {  	s2 =	simm.s32 $0x9C00  }
0x41c: {  	[tilespmem:s2], [sflag:$0x1] =	stream.indirect_vreg.gather [hbm4b:s0+s9], $0x80, v16, vm0, $0xb8;
	[tilespmem:$0xFC00] =	vst v63  }
0x41d: {  	s3 =	simm.s32 $0xA400  }
0x41e: {  	[tilespmem:s3], [sflag:$0x1] =	stream.indirect_vreg.gather [hbm4b:s0+s9], $0x80, v15, vm0, $0xb8;
	[tilespmem:$0xFC00] =	vst v63  }
0x41f: {  	v15 =	vld [tilespmem:$0x1990];
	_ =	sdelay $0x4  }
0x420: {  	v39 =	vshll.u32 v15, $0x1  }
0x421: {  	v15 =	vand.u32 $0x7, v15;
	v16 =	vand.u32 $0xFFFFFFF0, v39  }
0x422: {  	v15 =	vor.u32 v15, v16  }
0x423: {  	v16 =	vperm.xlane v15, v12;
	_ =	sdelay $0x1  }
0x424: {  	v15 =	vperm.xlane v15, v14;
	v16 =	vadd.s32 v13, v16;
	_ =	sdelay $0x1  }
0x425: {  	v15 =	vadd.s32 v13, v15;
	_ =	sdelay $0x1  }
0x426: {  	s4 =	simm.s32 $0xAC00  }
0x427: {  	[tilespmem:s4], [sflag:$0x1] =	stream.indirect_vreg.gather [hbm4b:s0+s9], $0x80, v16, vm0, $0xb8;
	[tilespmem:$0xFC00] =	vst v63  }
0x428: {  	s13 =	simm.s32 $0xB400  }
0x429: {  	[tilespmem:s13], [sflag:$0x1] =	stream.indirect_vreg.gather [hbm4b:s0+s9], $0x80, v15, vm0, $0xb8;
	[tilespmem:$0xFC00] =	vst v63  }
0x42a: {  	v15 =	vld [tilespmem:$0x19A0];
	_ =	sdelay $0x4  }
0x42b: {  	v40 =	vshll.u32 v15, $0x1  }
0x42c: {  	v15 =	vand.u32 $0x7, v15;
	v16 =	vand.u32 $0xFFFFFFF0, v40  }
0x42d: {  	v15 =	vor.u32 v15, v16  }
0x42e: {  	v16 =	vperm.xlane v15, v12;
	_ =	sdelay $0x1  }
0x42f: {  	v15 =	vperm.xlane v15, v14;
	v16 =	vadd.s32 v13, v16;
	_ =	sdelay $0x1  }
0x430: {  	v15 =	vadd.s32 v13, v15;
	_ =	sdelay $0x1  }
0x431: {  	s14 =	simm.s32 $0xBC00  }
0x432: {  	[tilespmem:s14], [sflag:$0x1] =	stream.indirect_vreg.gather [hbm4b:s0+s9], $0x80, v16, vm0, $0xb8;
	[tilespmem:$0xFC00] =	vst v63  }
0x433: {  	s15 =	simm.s32 $0xC400  }
0x434: {  	[tilespmem:s15], [sflag:$0x1] =	stream.indirect_vreg.gather [hbm4b:s0+s9], $0x80, v15, vm0, $0xb8;
	[tilespmem:$0xFC00] =	vst v63  }
0x435: {  	v15 =	vld [tilespmem:$0x19B0];
	_ =	sdelay $0x4  }
0x436: {  	v41 =	vshll.u32 v15, $0x1  }
0x437: {  	v15 =	vand.u32 $0x7, v15;
	v16 =	vand.u32 $0xFFFFFFF0, v41  }
0x438: {  	v15 =	vor.u32 v15, v16  }
0x439: {  	v16 =	vperm.xlane v15, v12;
	_ =	sdelay $0x1  }
0x43a: {  	v15 =	vperm.xlane v15, v14;
	v16 =	vadd.s32 v13, v16;
	_ =	sdelay $0x1  }
0x43b: {  	v15 =	vadd.s32 v13, v15;
	_ =	sdelay $0x1  }
0x43c: {  	s21 =	simm.s32 $0xCC00  }
0x43d: {  	[tilespmem:s21], [sflag:$0x1] =	stream.indirect_vreg.gather [hbm4b:s0+s9], $0x80, v16, vm0, $0xb8;
	[tilespmem:$0xFC00] =	vst v63  }
0x43e: {  	s29 =	simm.s32 $0xD400  }
0x43f: {  	[tilespmem:s29], [sflag:$0x1] =	stream.indirect_vreg.gather [hbm4b:s0+s9], $0x80, v15, vm0, $0xb8;
	[tilespmem:$0xFC00] =	vst v63  }
0x440: {  	v15 =	vld [tilespmem:$0x19C0];
	_ =	sdelay $0x4  }
0x441: {  	v42 =	vshll.u32 v15, $0x1  }
0x442: {  	v15 =	vand.u32 $0x7, v15;
	v16 =	vand.u32 $0xFFFFFFF0, v42  }
0x443: {  	v15 =	vor.u32 v15, v16  }
0x444: {  	v16 =	vperm.xlane v15, v12;
	_ =	sdelay $0x1  }
0x445: {  	v15 =	vperm.xlane v15, v14;
	v16 =	vadd.s32 v13, v16;
	_ =	sdelay $0x1  }
0x446: {  	v15 =	vadd.s32 v13, v15;
	_ =	sdelay $0x1  }
0x447: {  	s5 =	simm.s32 $0xDC00  }
0x448: {  	[tilespmem:s5], [sflag:$0x1] =	stream.indirect_vreg.gather [hbm4b:s0+s9], $0x80, v16, vm0, $0xb8;
	[tilespmem:$0xFC00] =	vst v63  }
0x449: {  	s30 =	simm.s32 $0xE400  }
0x44a: {  	[tilespmem:s30], [sflag:$0x1] =	stream.indirect_vreg.gather [hbm4b:s0+s9], $0x80, v15, vm0, $0xb8;
	[tilespmem:$0xFC00] =	vst v63  }
0x44b: {  	v15 =	vld [tilespmem:$0x19D0];
	_ =	sdelay $0x4  }
0x44c: {  	v43 =	vshll.u32 v15, $0x1  }
0x44d: {  	v15 =	vand.u32 $0x7, v15;
	v16 =	vand.u32 $0xFFFFFFF0, v43  }
0x44e: {  	v15 =	vor.u32 v15, v16  }
0x44f: {  	v16 =	vperm.xlane v15, v12;
	_ =	sdelay $0x1  }
0x450: {  	v15 =	vperm.xlane v15, v14;
	v16 =	vadd.s32 v13, v16;
	_ =	sdelay $0x1  }
0x451: {  	v15 =	vadd.s32 v13, v15;
	_ =	sdelay $0x1  }
0x452: {  	s23 =	simm.s32 $0xEC00  }
0x453: {  	[tilespmem:s23], [sflag:$0x1] =	stream.indirect_vreg.gather [hbm4b:s0+s9], $0x80, v16, vm0, $0xb8;
	[tilespmem:$0xFC00] =	vst v63  }
0x454: {  	s24 =	simm.s32 $0xF400  }
0x455: {  	[tilespmem:s24], [sflag:$0x1] =	stream.indirect_vreg.gather [hbm4b:s0+s9], $0x80, v15, vm0, $0xb8;
	[tilespmem:$0xFC00] =	vst v63  }
0x456: {  	v15 =	vld [tilespmem:$0x1A80];
	_ =	sdelay $0x4  }
0x457: {  	v44 =	vshll.u32 v15, $0x1  }
0x458: {  	v15 =	vand.u32 $0x7, v15;
	v16 =	vand.u32 $0xFFFFFFF0, v44  }
0x459: {  	v15 =	vor.u32 v15, v16  }
0x45a: {  	v16 =	vperm.xlane v15, v12;
	_ =	sdelay $0x1  }
0x45b: {  	v15 =	vperm.xlane v15, v14;
	v16 =	vadd.s32 v13, v16;
	_ =	sdelay $0x1  }
0x45c: {  	v15 =	vadd.s32 v13, v15;
	_ =	sdelay $0x1  }
0x45d: {  	s20 =	rddreg [dreg:$0x8];
	s2 =	simm.s32 $0x1C00  }
0x45e: {  	[hbm4b:s20+s9] =	stream.indirect_vreg.scatter [tilespmem:s2], [sflag:$0x2], $0x80, v16, vm0, $0xb8;
	[tilespmem:$0xFC00] =	vst v63  }
0x45f: {  	s3 =	simm.s32 $0x2400  }
0x460: {  	[hbm4b:s20+s9] =	stream.indirect_vreg.scatter [tilespmem:s3], [sflag:$0x2], $0x80, v15, vm0, $0xb8;
	[tilespmem:$0xFC00] =	vst v63  }
0x461: {  	v15 =	vld [tilespmem:$0x1A90];
	_ =	sdelay $0x4  }
0x462: {  	v45 =	vshll.u32 v15, $0x1  }
0x463: {  	v15 =	vand.u32 $0x7, v15;
	v16 =	vand.u32 $0xFFFFFFF0, v45  }
0x464: {  	v15 =	vor.u32 v15, v16  }
0x465: {  	v16 =	vperm.xlane v15, v12;
	_ =	sdelay $0x1  }
0x466: {  	v15 =	vperm.xlane v15, v14;
	v16 =	vadd.s32 v13, v16;
	_ =	sdelay $0x1  }
0x467: {  	v15 =	vadd.s32 v13, v15;
	_ =	sdelay $0x1  }
0x468: {  	s5 =	simm.s32 $0x2C00  }
0x469: {  	[hbm4b:s20+s9] =	stream.indirect_vreg.scatter [tilespmem:s5], [sflag:$0x2], $0x80, v16, vm0, $0xb8;
	[tilespmem:$0xFC00] =	vst v63  }
0x46a: {  	s4 =	simm.s32 $0x3400  }
0x46b: {  	[hbm4b:s20+s9] =	stream.indirect_vreg.scatter [tilespmem:s4], [sflag:$0x2], $0x80, v15, vm0, $0xb8;
	[tilespmem:$0xFC00] =	vst v63  }
0x46c: {  	v15 =	vld [tilespmem:$0x1AA0];
	_ =	sdelay $0x4  }
0x46d: {  	v46 =	vshll.u32 v15, $0x1  }
0x46e: {  	v15 =	vand.u32 $0x7, v15;
	v16 =	vand.u32 $0xFFFFFFF0, v46  }
0x46f: {  	v15 =	vor.u32 v15, v16  }
0x470: {  	v16 =	vperm.xlane v15, v12;
	_ =	sdelay $0x1  }
0x471: {  	v15 =	vperm.xlane v15, v14;
	v16 =	vadd.s32 v13, v16;
	_ =	sdelay $0x1  }
0x472: {  	v15 =	vadd.s32 v13, v15;
	_ =	sdelay $0x1  }
0x473: {  	s1 =	simm.s32 $0x3C00  }
0x474: {  	[hbm4b:s20+s9] =	stream.indirect_vreg.scatter [tilespmem:s1], [sflag:$0x2], $0x80, v16, vm0, $0xb8;
	[tilespmem:$0xFC00] =	vst v63  }
0x475: {  	_ = 	snop  }
0x476: {  	[hbm4b:s20+s9] =	stream.indirect_vreg.scatter [tilespmem:s31], [sflag:$0x2], $0x80, v15, vm0, $0xb8;
	[tilespmem:$0xFC00] =	vst v63  }
0x477: {  	v15 =	vld [tilespmem:$0x1AB0];
	_ =	sdelay $0x4  }
0x478: {  	v47 =	vshll.u32 v15, $0x1  }
0x479: {  	v15 =	vand.u32 $0x7, v15;
	v16 =	vand.u32 $0xFFFFFFF0, v47  }
0x47a: {  	v15 =	vor.u32 v15, v16  }
0x47b: {  	v16 =	vperm.xlane v15, v12;
	_ =	sdelay $0x1  }
0x47c: {  	v15 =	vperm.xlane v15, v14;
	v16 =	vadd.s32 v13, v16;
	_ =	sdelay $0x1  }
0x47d: {  	v15 =	vadd.s32 v13, v15;
	_ =	sdelay $0x2  }
0x47e: {  	[hbm4b:s20+s9] =	stream.indirect_vreg.scatter [tilespmem:s26], [sflag:$0x2], $0x80, v16, vm0, $0xb8;
	[tilespmem:$0xFC00] =	vst v63  }
0x47f: {  	_ = 	snop  }
0x480: {  	[hbm4b:s20+s9] =	stream.indirect_vreg.scatter [tilespmem:s28], [sflag:$0x2], $0x80, v15, vm0, $0xb8;
	[tilespmem:$0xFC00] =	vst v63  }
0x481: {  	v15 =	vld [tilespmem:$0x1AC0];
	_ =	sdelay $0x4  }
0x482: {  	v48 =	vshll.u32 v15, $0x1  }
0x483: {  	v15 =	vand.u32 $0x7, v15;
	v16 =	vand.u32 $0xFFFFFFF0, v48  }
0x484: {  	v15 =	vor.u32 v15, v16  }
0x485: {  	v16 =	vperm.xlane v15, v12;
	_ =	sdelay $0x1  }
0x486: {  	v15 =	vperm.xlane v15, v14;
	v16 =	vadd.s32 v13, v16;
	_ =	sdelay $0x1  }
0x487: {  	v15 =	vadd.s32 v13, v15;
	_ =	sdelay $0x2  }
0x488: {  	[hbm4b:s20+s9] =	stream.indirect_vreg.scatter [tilespmem:s8], [sflag:$0x2], $0x80, v16, vm0, $0xb8;
	[tilespmem:$0xFC00] =	vst v63  }
0x489: {  	_ = 	snop  }
0x48a: {  	[hbm4b:s20+s9] =	stream.indirect_vreg.scatter [tilespmem:s7], [sflag:$0x2], $0x80, v15, vm0, $0xb8;
	[tilespmem:$0xFC00] =	vst v63  }
0x48b: {  	v15 =	vld [tilespmem:$0x1AD0];
	_ =	sdelay $0x4  }
0x48c: {  	v49 =	vshll.u32 v15, $0x1  }
0x48d: {  	v15 =	vand.u32 $0x7, v15;
	v16 =	vand.u32 $0xFFFFFFF0, v49  }
0x48e: {  	v15 =	vor.u32 v15, v16  }
0x48f: {  	v16 =	vperm.xlane v15, v12;
	_ =	sdelay $0x1  }
0x490: {  	v15 =	vperm.xlane v15, v14;
	v16 =	vadd.s32 v13, v16;
	_ =	sdelay $0x1  }
0x491: {  	v15 =	vadd.s32 v13, v15;
	_ =	sdelay $0x2  }
0x492: {  	[hbm4b:s20+s9] =	stream.indirect_vreg.scatter [tilespmem:s10], [sflag:$0x2], $0x80, v16, vm0, $0xb8;
	[tilespmem:$0xFC00] =	vst v63  }
0x493: {  	_ = 	snop  }
0x494: {  	[hbm4b:s20+s9] =	stream.indirect_vreg.scatter [tilespmem:s11], [sflag:$0x2], $0x80, v15, vm0, $0xb8;
	[tilespmem:$0xFC00] =	vst v63  }
0x495: {  	v15 =	vld [tilespmem:$0x1AE0];
	_ =	sdelay $0x4  }
0x496: {  	v50 =	vshll.u32 v15, $0x1  }
0x497: {  	v15 =	vand.u32 $0x7, v15;
	v16 =	vand.u32 $0xFFFFFFF0, v50  }
0x498: {  	v15 =	vor.u32 v15, v16  }
0x499: {  	v16 =	vperm.xlane v15, v12;
	_ =	sdelay $0x1  }
0x49a: {  	v15 =	vperm.xlane v15, v14;
	v16 =	vadd.s32 v13, v16;
	_ =	sdelay $0x1  }
0x49b: {  	v15 =	vadd.s32 v13, v15;
	_ =	sdelay $0x2  }
0x49c: {  	[hbm4b:s20+s9] =	stream.indirect_vreg.scatter [tilespmem:s12], [sflag:$0x2], $0x80, v16, vm0, $0xb8;
	[tilespmem:$0xFC00] =	vst v63  }
0x49d: {  	_ = 	snop  }
0x49e: {  	[hbm4b:s20+s9] =	stream.indirect_vreg.scatter [tilespmem:s6], [sflag:$0x2], $0x80, v15, vm0, $0xb8;
	[tilespmem:$0xFC00] =	vst v63  }
0x49f: {  	_ =	swait.ge [sflag:s18], $0x7000  }
0x4a0: {  	[sflag:s18] =	ssyncset.done $0x0  }
0x4a1: {  	[sflag:s18] =	ssyncadd.s32 $0xFFFF9000  }
0x4a2: {  	_ =	swait.ge [sflag:s17], $0x7000  }
0x4a3: {  	[sflag:s17] =	ssyncset.done $0x0  }
0x4a4: {  	[sflag:s17] =	ssyncadd.s32 $0xFFFF9000  }
0x4a5: {  	v15 =	vld [tilespmem:$0x19E0];
	_ =	sdelay $0x4  }
0x4a6: {  	v51 =	vshll.u32 v15, $0x1  }
0x4a7: {  	v15 =	vand.u32 $0x7, v15;
	v16 =	vand.u32 $0xFFFFFFF0, v51  }
0x4a8: {  	v15 =	vor.u32 v15, v16  }
0x4a9: {  	v16 =	vperm.xlane v15, v12;
	_ =	sdelay $0x1  }
0x4aa: {  	v15 =	vperm.xlane v15, v14;
	v16 =	vadd.s32 v13, v16;
	_ =	sdelay $0x1  }
0x4ab: {  	v15 =	vadd.s32 v13, v15;
	_ =	sdelay $0x2  }
0x4ac: {  	[tilespmem:s2], [sflag:$0x1] =	stream.indirect_vreg.gather [hbm4b:s0+s9], $0x80, v16, vm0, $0xb8;
	[tilespmem:$0xFC00] =	vst v63  }
0x4ad: {  	_ = 	snop  }
0x4ae: {  	[tilespmem:s3], [sflag:$0x1] =	stream.indirect_vreg.gather [hbm4b:s0+s9], $0x80, v15, vm0, $0xb8;
	[tilespmem:$0xFC00] =	vst v63  }
0x4af: {  	v15 =	vld [tilespmem:$0x19F0];
	_ =	sdelay $0x4  }
0x4b0: {  	v52 =	vshll.u32 v15, $0x1  }
0x4b1: {  	v15 =	vand.u32 $0x7, v15;
	v16 =	vand.u32 $0xFFFFFFF0, v52  }
0x4b2: {  	v15 =	vor.u32 v15, v16  }
0x4b3: {  	v16 =	vperm.xlane v15, v12;
	_ =	sdelay $0x1  }
0x4b4: {  	v15 =	vperm.xlane v15, v14;
	v16 =	vadd.s32 v13, v16;
	_ =	sdelay $0x1  }
0x4b5: {  	v15 =	vadd.s32 v13, v15;
	_ =	sdelay $0x2  }
0x4b6: {  	[tilespmem:s5], [sflag:$0x1] =	stream.indirect_vreg.gather [hbm4b:s0+s9], $0x80, v16, vm0, $0xb8;
	[tilespmem:$0xFC00] =	vst v63  }
0x4b7: {  	_ = 	snop  }
0x4b8: {  	[tilespmem:s4], [sflag:$0x1] =	stream.indirect_vreg.gather [hbm4b:s0+s9], $0x80, v15, vm0, $0xb8;
	[tilespmem:$0xFC00] =	vst v63  }
0x4b9: {  	v15 =	vld.msk [tilespmem:$0x1A00], $0xff;
	_ =	sdelay $0x4  }
0x4ba: {  	v53 =	vshll.u32 v15, $0x1  }
0x4bb: {  	v15 =	vand.u32 $0x7, v15;
	v16 =	vand.u32 $0xFFFFFFF0, v53  }
0x4bc: {  	v15 =	vor.u32 v15, v16  }
0x4bd: {  	v15 =	vperm.xlane v15, v12;
	_ =	sdelay $0x1  }
0x4be: {  	v15 =	vadd.s32 v13, v15;
	_ =	sdelay $0x4  }
0x4bf: {  	[tilespmem:s1], [sflag:$0x1] =	stream.indirect_vreg.gather [hbm4b:s0+s9], $0x80, v15, vm0, $0xb8;
	[tilespmem:$0xFC00] =	vst v63  }
0x4c0: {  	v15 =	vld [tilespmem:$0x1AF0];
	_ =	sdelay $0x4  }
0x4c1: {  	v54 =	vshll.u32 v15, $0x1  }
0x4c2: {  	v15 =	vand.u32 $0x7, v15;
	v16 =	vand.u32 $0xFFFFFFF0, v54  }
0x4c3: {  	v15 =	vor.u32 v15, v16  }
0x4c4: {  	v16 =	vperm.xlane v15, v12;
	_ =	sdelay $0x1  }
0x4c5: {  	v15 =	vperm.xlane v15, v14;
	v16 =	vadd.s32 v13, v16;
	_ =	sdelay $0x1  }
0x4c6: {  	v15 =	vadd.s32 v13, v15;
	_ =	sdelay $0x2  }
0x4c7: {  	[hbm4b:s20+s9] =	stream.indirect_vreg.scatter [tilespmem:s19], [sflag:$0x2], $0x80, v16, vm0, $0xb8;
	[tilespmem:$0xFC00] =	vst v63  }
0x4c8: {  	_ = 	snop  }
0x4c9: {  	[hbm4b:s20+s9] =	stream.indirect_vreg.scatter [tilespmem:s22], [sflag:$0x2], $0x80, v15, vm0, $0xb8;
	[tilespmem:$0xFC00] =	vst v63  }
0x4ca: {  	v15 =	vld [tilespmem:$0x1B00];
	_ =	sdelay $0x4  }
0x4cb: {  	v55 =	vshll.u32 v15, $0x1  }
0x4cc: {  	v15 =	vand.u32 $0x7, v15;
	v16 =	vand.u32 $0xFFFFFFF0, v55  }
0x4cd: {  	v15 =	vor.u32 v15, v16  }
0x4ce: {  	v16 =	vperm.xlane v15, v12;
	_ =	sdelay $0x1  }
0x4cf: {  	v15 =	vperm.xlane v15, v14;
	v16 =	vadd.s32 v13, v16;
	_ =	sdelay $0x1  }
0x4d0: {  	v15 =	vadd.s32 v13, v15;
	_ =	sdelay $0x1  }
0x4d1: {  	s22 =	simm.s32 $0x9C00  }
0x4d2: {  	[hbm4b:s20+s9] =	stream.indirect_vreg.scatter [tilespmem:s22], [sflag:$0x2], $0x80, v16, vm0, $0xb8;
	[tilespmem:$0xFC00] =	vst v63  }
0x4d3: {  	s26 =	simm.s32 $0xA400  }
0x4d4: {  	[hbm4b:s20+s9] =	stream.indirect_vreg.scatter [tilespmem:s26], [sflag:$0x2], $0x80, v15, vm0, $0xb8;
	[tilespmem:$0xFC00] =	vst v63  }
0x4d5: {  	v15 =	vld [tilespmem:$0x1B10];
	_ =	sdelay $0x4  }
0x4d6: {  	v56 =	vshll.u32 v15, $0x1  }
0x4d7: {  	v15 =	vand.u32 $0x7, v15;
	v16 =	vand.u32 $0xFFFFFFF0, v56  }
0x4d8: {  	v15 =	vor.u32 v15, v16  }
0x4d9: {  	v16 =	vperm.xlane v15, v12;
	_ =	sdelay $0x1  }
0x4da: {  	v15 =	vperm.xlane v15, v14;
	v16 =	vadd.s32 v13, v16;
	_ =	sdelay $0x1  }
0x4db: {  	v15 =	vadd.s32 v13, v15;
	_ =	sdelay $0x1  }
0x4dc: {  	s28 =	simm.s32 $0xAC00  }
0x4dd: {  	[hbm4b:s20+s9] =	stream.indirect_vreg.scatter [tilespmem:s28], [sflag:$0x2], $0x80, v16, vm0, $0xb8;
	[tilespmem:$0xFC00] =	vst v63  }
0x4de: {  	_ = 	snop  }
0x4df: {  	[hbm4b:s20+s9] =	stream.indirect_vreg.scatter [tilespmem:s13], [sflag:$0x2], $0x80, v15, vm0, $0xb8;
	[tilespmem:$0xFC00] =	vst v63  }
0x4e0: {  	v15 =	vld [tilespmem:$0x1B20];
	_ =	sdelay $0x4  }
0x4e1: {  	v57 =	vshll.u32 v15, $0x1  }
0x4e2: {  	v15 =	vand.u32 $0x7, v15;
	v16 =	vand.u32 $0xFFFFFFF0, v57  }
0x4e3: {  	v15 =	vor.u32 v15, v16  }
0x4e4: {  	v16 =	vperm.xlane v15, v12;
	_ =	sdelay $0x1  }
0x4e5: {  	v15 =	vperm.xlane v15, v14;
	v16 =	vadd.s32 v13, v16;
	_ =	sdelay $0x1  }
0x4e6: {  	v15 =	vadd.s32 v13, v15;
	_ =	sdelay $0x2  }
0x4e7: {  	[hbm4b:s20+s9] =	stream.indirect_vreg.scatter [tilespmem:s14], [sflag:$0x2], $0x80, v16, vm0, $0xb8;
	[tilespmem:$0xFC00] =	vst v63  }
0x4e8: {  	_ = 	snop  }
0x4e9: {  	[hbm4b:s20+s9] =	stream.indirect_vreg.scatter [tilespmem:s15], [sflag:$0x2], $0x80, v15, vm0, $0xb8;
	[tilespmem:$0xFC00] =	vst v63  }
0x4ea: {  	v15 =	vld [tilespmem:$0x1B30];
	_ =	sdelay $0x4  }
0x4eb: {  	v58 =	vshll.u32 v15, $0x1  }
0x4ec: {  	v15 =	vand.u32 $0x7, v15;
	v16 =	vand.u32 $0xFFFFFFF0, v58  }
0x4ed: {  	v15 =	vor.u32 v15, v16  }
0x4ee: {  	v16 =	vperm.xlane v15, v12;
	_ =	sdelay $0x1  }
0x4ef: {  	v15 =	vperm.xlane v15, v14;
	v16 =	vadd.s32 v13, v16;
	_ =	sdelay $0x1  }
0x4f0: {  	v15 =	vadd.s32 v13, v15;
	_ =	sdelay $0x2  }
0x4f1: {  	[hbm4b:s20+s9] =	stream.indirect_vreg.scatter [tilespmem:s21], [sflag:$0x2], $0x80, v16, vm0, $0xb8;
	[tilespmem:$0xFC00] =	vst v63  }
0x4f2: {  	_ = 	snop  }
0x4f3: {  	[hbm4b:s20+s9] =	stream.indirect_vreg.scatter [tilespmem:s29], [sflag:$0x2], $0x80, v15, vm0, $0xb8;
	[tilespmem:$0xFC00] =	vst v63  }
0x4f4: {  	v15 =	vld [tilespmem:$0x1B40];
	_ =	sdelay $0x4  }
0x4f5: {  	v59 =	vshll.u32 v15, $0x1  }
0x4f6: {  	v15 =	vand.u32 $0x7, v15;
	v16 =	vand.u32 $0xFFFFFFF0, v59  }
0x4f7: {  	v15 =	vor.u32 v15, v16  }
0x4f8: {  	v16 =	vperm.xlane v15, v12;
	_ =	sdelay $0x1  }
0x4f9: {  	v15 =	vperm.xlane v15, v14;
	v16 =	vadd.s32 v13, v16;
	_ =	sdelay $0x1  }
0x4fa: {  	v15 =	vadd.s32 v13, v15;
	_ =	sdelay $0x1  }
0x4fb: {  	s31 =	simm.s32 $0xDC00  }
0x4fc: {  	[hbm4b:s20+s9] =	stream.indirect_vreg.scatter [tilespmem:s31], [sflag:$0x2], $0x80, v16, vm0, $0xb8;
	[tilespmem:$0xFC00] =	vst v63  }
0x4fd: {  	_ = 	snop  }
0x4fe: {  	[hbm4b:s20+s9] =	stream.indirect_vreg.scatter [tilespmem:s30], [sflag:$0x2], $0x80, v15, vm0, $0xb8;
	[tilespmem:$0xFC00] =	vst v63  }
0x4ff: {  	v15 =	vld [tilespmem:$0x1B50];
	_ =	sdelay $0x4  }
0x500: {  	v60 =	vshll.u32 v15, $0x1  }
0x501: {  	v15 =	vand.u32 $0x7, v15;
	v16 =	vand.u32 $0xFFFFFFF0, v60  }
0x502: {  	v15 =	vor.u32 v15, v16  }
0x503: {  	v16 =	vperm.xlane v15, v12;
	_ =	sdelay $0x1  }
0x504: {  	v15 =	vperm.xlane v15, v14;
	v16 =	vadd.s32 v13, v16;
	_ =	sdelay $0x1  }
0x505: {  	v15 =	vadd.s32 v13, v15;
	_ =	sdelay $0x2  }
0x506: {  	[hbm4b:s20+s9] =	stream.indirect_vreg.scatter [tilespmem:s23], [sflag:$0x2], $0x80, v16, vm0, $0xb8;
	[tilespmem:$0xFC00] =	vst v63  }
0x507: {  	_ = 	snop  }
0x508: {  	[hbm4b:s20+s9] =	stream.indirect_vreg.scatter [tilespmem:s24], [sflag:$0x2], $0x80, v15, vm0, $0xb8;
	[tilespmem:$0xFC00] =	vst v63  }
0x509: {  	_ =	swait.ge [sflag:s18], $0x2800  }
0x50a: {  	[sflag:s18] =	ssyncset.done $0x0  }
0x50b: {  	[sflag:s18] =	ssyncadd.s32 $0xFFFFD800  }
0x50c: {  	v15 =	vld [tilespmem:$0x1B60];
	_ =	sdelay $0x4  }
0x50d: {  	v61 =	vshll.u32 v15, $0x1  }
0x50e: {  	v15 =	vand.u32 $0x7, v15;
	v16 =	vand.u32 $0xFFFFFFF0, v61  }
0x50f: {  	v15 =	vor.u32 v15, v16  }
0x510: {  	v16 =	vperm.xlane v15, v12;
	_ =	sdelay $0x1  }
0x511: {  	v15 =	vperm.xlane v15, v14;
	v16 =	vadd.s32 v13, v16;
	_ =	sdelay $0x1  }
0x512: {  	v15 =	vadd.s32 v13, v15;
	_ =	sdelay $0x1  }
0x513: {  	s6 =	simm.s32 $0x1C00  }
0x514: {  	[hbm4b:s20+s9] =	stream.indirect_vreg.scatter [tilespmem:s6], [sflag:$0x2], $0x80, v16, vm0, $0xb8;
	[tilespmem:$0xFC00] =	vst v63  }
0x515: {  	s8 =	simm.s32 $0x2400  }
0x516: {  	[hbm4b:s20+s9] =	stream.indirect_vreg.scatter [tilespmem:s8], [sflag:$0x2], $0x80, v15, vm0, $0xb8;
	[tilespmem:$0xFC00] =	vst v63  }
0x517: {  	v15 =	vld [tilespmem:$0x1B70];
	_ =	sdelay $0x4  }
0x518: {  	v62 =	vshll.u32 v15, $0x1  }
0x519: {  	v15 =	vand.u32 $0x7, v15;
	v16 =	vand.u32 $0xFFFFFFF0, v62  }
0x51a: {  	v15 =	vor.u32 v15, v16  }
0x51b: {  	v16 =	vperm.xlane v15, v12;
	_ =	sdelay $0x1  }
0x51c: {  	v15 =	vperm.xlane v15, v14;
	v16 =	vadd.s32 v13, v16;
	_ =	sdelay $0x1  }
0x51d: {  	v15 =	vadd.s32 v13, v15;
	_ =	sdelay $0x1  }
0x51e: {  	s10 =	simm.s32 $0x2C00  }
0x51f: {  	[hbm4b:s20+s9] =	stream.indirect_vreg.scatter [tilespmem:s10], [sflag:$0x2], $0x80, v16, vm0, $0xb8;
	[tilespmem:$0xFC00] =	vst v63  }
0x520: {  	s11 =	simm.s32 $0x3400  }
0x521: {  	[hbm4b:s20+s9] =	stream.indirect_vreg.scatter [tilespmem:s11], [sflag:$0x2], $0x80, v15, vm0, $0xb8;
	[tilespmem:$0xFC00] =	vst v63  }
0x522: {  	v15 =	vld.msk [tilespmem:$0x1B80], $0xff;
	_ =	sdelay $0x4  }
0x523: {  	v63 =	vshll.u32 v15, $0x1  }
0x524: {  	v15 =	vand.u32 $0x7, v15;
	v16 =	vand.u32 $0xFFFFFFF0, v63  }
0x525: {  	v15 =	vor.u32 v15, v16  }
0x526: {  	v15 =	vperm.xlane v15, v12;
	_ =	sdelay $0x1  }
0x527: {  	v15 =	vadd.s32 v13, v15;
	_ =	sdelay $0x3  }
0x528: {  	s12 =	simm.s32 $0x3C00  }
0x529: {  	[hbm4b:s20+s9] =	stream.indirect_vreg.scatter [tilespmem:s12], [sflag:$0x2], $0x80, v15, vm0, $0xb8;
	[tilespmem:$0xFC00] =	vst v63  }
0x52a: {  	_ =	swait.ge [sflag:s17], $0x7000  }
.Ltmp8:
0x52b: {  	[sflag:s17] =	ssyncset.done $0x0;
	(pc) =	sbr.rel .LBB2_11-.Ltmp8, $4  }
0x52c: {  	[sflag:s17] =	ssyncadd.s32 $0xFFFF9000  }
0x52d: {  	_ =	swait.ge [sflag:s17], $0x2800  }
0x52e: {  	[sflag:s17] =	ssyncset.done $0x0  }
0x52f: {  	s1 =	rddreg [dreg:$0x12];
	[sflag:s17] =	ssyncadd.s32 $0xFFFFD800  }
.LBB2_12:
0x530: {  	_ =	sfence.sel $0x180000  }
0x531: {  	[bflag:$0x0] =	sbarrier.arrive $0xFFFF  }
0x532: {  	_ =	strace $0x90000047  }
0x533: {  	s0 =	stileid.u32;
	[bflag:$0x2] =	sbarrier.arrive $0xFFFF  }
0x534: {  	p0 =	sne.s32 s0, $0x0;
	s0 =	rddreg [dreg:$0x9]  }
0x535: {  	s0 =	sadd.s32 @!p0 $0x100000, s0  }
0x536: {  	[sflag:s0] =	ssyncadd.tile.s32 @!p0 $0x1;
	_ =	shalt  }
.Lfunc_end2:
_tile_overlayer_lowered:
.L_overlay_start_2:
0x537: {  	(tag) =	ssettag $0x2  }
0x538: {  	s0 =	rddreg [dreg:$0x0];
	s2 =	stileid.u32  }
0x539: {  	s1 =	rddreg [dreg:$0x1];
	p0 =	sne.s32 s2, $0x0  }
0x53a: {  	s3 =	rddreg [dreg:$0x2];
	[bflag:$0x3] =	sbarrier.arrive $0xFFFF;
	s2 =	simm.s32 @!p0 $0x1C03  }
0x53b: {  	[timem:s3], [sflag:s2] =	dma.local @!p0 [hbm:s0], s1  }
0x53c: {  	s0 =	simm.s32 @!p0 $0x3  }
0x53d: {  	_ =	swait.ge @!p0 [sflag:s0], s1  }
0x53e: {  	s1 =	ssub.s32 @!p0 $0x0, s1;
	[sflag:s0] =	ssyncset.done @!p0 $0x0  }
0x53f: {  	[sflag:s0] =	ssyncadd.s32 @!p0 s1  }
0x540: {  	[bflag:$0x3] =	sbarrier.arrive $0xFFFF  }
0x541: {  	_ =	shalt  }

</sc_bundles>
